<compile_context>
chip_gen: v7x
topology: tpu7x:2x2x1
jax: 0.10.2.dev20260603
libtpu: 0.0.44.dev20260713+nightly
codegen_flags: <defaults>
</compile_context>

<pallas_src>
import functools

import jax
import jax.numpy as jnp
from jax import lax
from jax.experimental import pallas as pl
from jax.experimental.pallas import tpu as pltpu
from jax.experimental.pallas import tpu_sc as plsc

N_NODES = 10000
N_EDGES = 160000
D = 256
G = 8
CUTOFF = 10.0
EPS = 1e-5

NC = 2
NS = 16
NW = NC * NS

NODE_BLK = 1000
EDGE_BLK = 2000
NPAD = 10112
RPT = NPAD // NS

@functools.cache
def _sc_mesh():
    return plsc.VectorSubcoreMesh(core_axis_name="c", subcore_axis_name="s",
                                  num_cores=NC, num_subcores=NS)



EPADT = 5008
EPAD = EPADT * NW


def _sc_el2(px, py, pz, src_pad, dst_pad):

    @functools.partial(
        pl.kernel,
        out_type=jax.ShapeDtypeStruct((EPAD,), jnp.float32),
        mesh=_sc_mesh(),
        compiler_params=pltpu.CompilerParams(needs_layout_passes=False),
        scratch_types=[
            pltpu.VMEM((N_NODES,), jnp.float32),
            pltpu.VMEM((N_NODES,), jnp.float32),
            pltpu.VMEM((N_NODES,), jnp.float32),
            pltpu.VMEM((EPADT,), jnp.int32),
            pltpu.VMEM((EPADT,), jnp.int32),
            pltpu.VMEM((EPADT,), jnp.float32),
        ],
    )
    def ek(px_hbm, py_hbm, pz_hbm, src_hbm, dst_hbm, out_hbm,
           px_v, py_v, pz_v, src_v, dst_v, el2_v):
        wid = lax.axis_index("s") * NC + lax.axis_index("c")
        base = wid * EPADT
        pltpu.sync_copy(px_hbm, px_v)
        pltpu.sync_copy(py_hbm, py_v)
        pltpu.sync_copy(pz_hbm, pz_v)
        pltpu.sync_copy(src_hbm.at[pl.ds(base, EPADT)], src_v)
        pltpu.sync_copy(dst_hbm.at[pl.ds(base, EPADT)], dst_v)

        @pl.loop(0, EPADT // 16)
        def _(j):
            off = j * 16
            s16 = src_v[pl.ds(off, 16)]
            d16 = dst_v[pl.ds(off, 16)]
            dx = plsc.load_gather(px_v, [d16]) - plsc.load_gather(px_v, [s16])
            dy = plsc.load_gather(py_v, [d16]) - plsc.load_gather(py_v, [s16])
            dz = plsc.load_gather(pz_v, [d16]) - plsc.load_gather(pz_v, [s16])
            el2_v[pl.ds(off, 16)] = dx * dx + dy * dy + dz * dz

        pltpu.sync_copy(el2_v, out_hbm.at[pl.ds(base, EPADT)])

    return ek(px, py, pz, src_pad, dst_pad)


def _sc_gather(table, idx, width, chunk):
    n = idx.shape[0]
    per_w = n // NW
    n_ch = per_w // chunk

    @functools.partial(
        pl.kernel,
        out_type=jax.ShapeDtypeStruct((n, width), jnp.float32),
        mesh=_sc_mesh(),
        scratch_types=[
            pltpu.VMEM((chunk,), jnp.int32),
            pltpu.VMEM((chunk, width), jnp.float32),
            pltpu.SemaphoreType.DMA,
        ],
    )
    def gk(table_hbm, idx_hbm, out_hbm, idx_v, rows_v, sem):
        wid = lax.axis_index("s") * NC + lax.axis_index("c")
        base0 = wid * per_w

        @pl.loop(0, n_ch)
        def _(i):
            base = base0 + i * chunk
            pltpu.sync_copy(idx_hbm.at[pl.ds(base, chunk)], idx_v)
            pltpu.async_copy(table_hbm.at[idx_v], rows_v, sem).wait()
            pltpu.sync_copy(rows_v, out_hbm.at[pl.ds(base, chunk)])

    return gk(table, idx)


def _sc_scatter_add(ef, dst, zeros_pad, chunk=200):
    per_t = N_EDGES // NS
    n_ch = per_t // chunk

    @functools.partial(
        pl.kernel,
        out_type=jax.ShapeDtypeStruct((NPAD, D), jnp.float32),
        mesh=_sc_mesh(),
        scratch_types=[
            pltpu.VMEM_SHARED((NPAD, 128), jnp.float32),
            pltpu.VMEM((chunk,), jnp.int32),
            pltpu.VMEM((chunk, 128), jnp.float32),
        ],
    )
    def sk(ef_hbm, dst_hbm, zeros_hbm, out_hbm, accum, idx_v, ef_v):
        c = lax.axis_index("c")
        s = lax.axis_index("s")
        pltpu.sync_copy(zeros_hbm.at[pl.ds(s * RPT, RPT)],
                        accum.at[pl.ds(s * RPT, RPT)])
        plsc.subcore_barrier()

        @pl.loop(0, n_ch)
        def _(i):
            base = s * per_t + i * chunk
            pltpu.sync_copy(dst_hbm.at[pl.ds(base, chunk)], idx_v)
            pltpu.sync_copy(ef_hbm.at[pl.ds(base, chunk), pl.ds(c * 128, 128)],
                            ef_v)
            pltpu.sync_copy(ef_v, accum.at[idx_v], add=True)

        plsc.subcore_barrier()
        pltpu.sync_copy(accum.at[pl.ds(s * RPT, RPT)],
                        out_hbm.at[pl.ds(s * RPT, RPT), pl.ds(c * 128, 128)])

    return sk(ef, dst, zeros_pad)



def _silu(v):
    return v * jax.nn.sigmoid(v)


def _full(shape):
    return pl.BlockSpec(shape, lambda i: (0, 0))


def _rows(blk, width):
    return pl.BlockSpec((blk, width), lambda i: (i, 0))


def _pre_kernel(x, inW, inb, eW1h, eb1, nW, nb):
    def body(x_ref, inW_ref, inb_ref, eW1h_ref, eb1_ref, nW_ref, nb_ref,
             h_ref, hW_ref, hn_ref):
        h = jnp.dot(x_ref[...], inW_ref[...],
                    preferred_element_type=jnp.float32) + inb_ref[...]
        h_ref[...] = h
        hW_ref[...] = jnp.dot(h, eW1h_ref[...],
                              preferred_element_type=jnp.float32) + eb1_ref[...]
        hn_ref[...] = jnp.dot(h, nW_ref[...],
                              preferred_element_type=jnp.float32) + nb_ref[...]

    grid = N_NODES // NODE_BLK
    o = jax.ShapeDtypeStruct((N_NODES, D), jnp.float32)
    return pl.pallas_call(
        body,
        grid=(grid,),
        in_specs=[_rows(NODE_BLK, D), _full((D, D)), _full((1, D)),
                  _full((D, D)), _full((1, D)), _full((D, D)), _full((1, D))],
        out_specs=[_rows(NODE_BLK, D)] * 3,
        out_shape=[o, o, o],
    )(x, inW, inb, eW1h, eb1, nW, nb)


def _edge_kernel(hWsrc, el2c, rW1p, rb1p, rW2p, rb2p, eW1rp, eW2, eb2):
    def body(hWsrc_ref, el2_ref, rW1_ref, rb1_ref, rW2_ref,
             rb2_ref, eW1r_ref, eW2_ref, eb2_ref, out_ref):
        el = jnp.sqrt(el2_ref[...])
        r1 = _silu(el * rW1_ref[...] + rb1_ref[...])
        r2 = _silu(jnp.dot(r1, rW2_ref[...],
                           preferred_element_type=jnp.float32) + rb2_ref[...])
        ef1 = _silu(hWsrc_ref[...]
                    + jnp.dot(r2, eW1r_ref[...],
                              preferred_element_type=jnp.float32))
        ef2 = _silu(jnp.dot(ef1, eW2_ref[...],
                            preferred_element_type=jnp.float32) + eb2_ref[...])
        cf = jnp.clip(1.0 - (el * (1.0 / CUTOFF)) ** 2, 0.0, 1.0)
        cf = cf * (el < CUTOFF).astype(jnp.float32)
        out_ref[...] = ef2 * cf

    grid = N_EDGES // EDGE_BLK
    return pl.pallas_call(
        body,
        grid=(grid,),
        in_specs=[_rows(EDGE_BLK, D), _rows(EDGE_BLK, 1),
                  _full((1, 128)), _full((1, 128)), _full((128, 128)),
                  _full((1, 128)), _full((128, D)), _full((D, D)),
                  _full((1, D))],
        out_specs=_rows(EDGE_BLK, D),
        out_shape=jax.ShapeDtypeStruct((N_EDGES, D), jnp.float32),
    )(hWsrc, el2c, rW1p, rb1p, rW2p, rb2p, eW1rp, eW2, eb2)


def _brow_spec():
    return pl.BlockSpec((1, 1, NODE_BLK), lambda i: (i, 0, 0))


def _update_stats_kernel(h, hn, aggr_pad, batch_row):
    def body(h_ref, hn_ref, aggr_ref, b_ref, h1_ref, st_ref):
        h1 = h_ref[...] + hn_ref[...] + aggr_ref[...]
        h1_ref[...] = h1
        rowsum = jnp.sum(h1, axis=1, keepdims=True)
        rowsq = jnp.sum(h1 * h1, axis=1, keepdims=True)
        ones = jnp.ones_like(rowsum)
        zpad = jnp.zeros((NODE_BLK, 125), jnp.float32)
        mat = jnp.concatenate([rowsum, rowsq, ones, zpad], axis=1)
        iota = lax.broadcasted_iota(jnp.int32, (G, NODE_BLK), 0)
        oh = (b_ref[...].reshape(1, NODE_BLK) == iota).astype(jnp.float32)
        st = jnp.dot(oh, mat, preferred_element_type=jnp.float32)

        @pl.when(pl.program_id(0) == 0)
        def _():
            st_ref[...] = jnp.zeros_like(st_ref)

        st_ref[...] += st

    grid = N_NODES // NODE_BLK
    return pl.pallas_call(
        body,
        grid=(grid,),
        in_specs=[_rows(NODE_BLK, D), _rows(NODE_BLK, D), _rows(NODE_BLK, D),
                  _brow_spec()],
        out_specs=[_rows(NODE_BLK, D), _full((G, 128))],
        out_shape=[jax.ShapeDtypeStruct((N_NODES, D), jnp.float32),
                   jax.ShapeDtypeStruct((G, 128), jnp.float32)],
    )(h, hn, aggr_pad, batch_row)


def _ln_stats_common(st_ref):
    s1 = st_ref[:, 0:1]
    s2 = st_ref[:, 1:2]
    cnt = st_ref[:, 2:3]
    norm = jnp.maximum(cnt, 1.0) * float(D)
    mean = s1 / norm
    var = s2 / norm - mean * mean
    rstd = lax.rsqrt(var + EPS)
    return mean, rstd


def _ln_next_kernel(h1, batchf, stats, w, b, eW1h, eb1, nW, nb):
    def body(h1_ref, b_ref, st_ref, w_ref, bb_ref, eW1h_ref, eb1_ref,
             nW_ref, nb_ref, h_ref, hW_ref, hn_ref):
        mean, rstd = _ln_stats_common(st_ref)
        iota = lax.broadcasted_iota(jnp.int32, (NODE_BLK, G), 1)
        ohn = (b_ref[...] == iota).astype(jnp.float32)
        meanN = jnp.dot(ohn, mean, preferred_element_type=jnp.float32)
        rstdN = jnp.dot(ohn, rstd, preferred_element_type=jnp.float32)
        out = (h1_ref[...] - meanN) * rstdN * w_ref[...] + bb_ref[...]
        out = jnp.maximum(out, 0.0)
        h_ref[...] = out
        hW_ref[...] = jnp.dot(out, eW1h_ref[...],
                              preferred_element_type=jnp.float32) + eb1_ref[...]
        hn_ref[...] = jnp.dot(out, nW_ref[...],
                              preferred_element_type=jnp.float32) + nb_ref[...]

    grid = N_NODES // NODE_BLK
    o = jax.ShapeDtypeStruct((N_NODES, D), jnp.float32)
    return pl.pallas_call(
        body,
        grid=(grid,),
        in_specs=[_rows(NODE_BLK, D), _rows(NODE_BLK, 1), _full((G, 128)),
                  _full((1, D)), _full((1, D)), _full((D, D)), _full((1, D)),
                  _full((D, D)), _full((1, D))],
        out_specs=[_rows(NODE_BLK, D)] * 3,
        out_shape=[o, o, o],
    )(h1, batchf, stats, w, b, eW1h, eb1, nW, nb)


def _ln_pool_kernel(h1, batch_col, batch_row, stats, w, b):
    def body(h1_ref, b_ref, br_ref, st_ref, w_ref, bb_ref, pool_ref):
        mean, rstd = _ln_stats_common(st_ref)
        iota = lax.broadcasted_iota(jnp.int32, (NODE_BLK, G), 1)
        ohn = (b_ref[...] == iota).astype(jnp.float32)
        meanN = jnp.dot(ohn, mean, preferred_element_type=jnp.float32)
        rstdN = jnp.dot(ohn, rstd, preferred_element_type=jnp.float32)
        out = (h1_ref[...] - meanN) * rstdN * w_ref[...] + bb_ref[...]
        iota2 = lax.broadcasted_iota(jnp.int32, (G, NODE_BLK), 0)
        oh = (br_ref[...].reshape(1, NODE_BLK) == iota2).astype(jnp.float32)
        pool = jnp.dot(oh, out, preferred_element_type=jnp.float32)

        @pl.when(pl.program_id(0) == 0)
        def _():
            pool_ref[...] = jnp.zeros_like(pool_ref)

        pool_ref[...] += pool

    grid = N_NODES // NODE_BLK
    return pl.pallas_call(
        body,
        grid=(grid,),
        in_specs=[_rows(NODE_BLK, D), _rows(NODE_BLK, 1), _brow_spec(),
                  _full((G, 128)), _full((1, D)), _full((1, D))],
        out_specs=_full((G, D)),
        out_shape=jax.ShapeDtypeStruct((G, D), jnp.float32),
    )(h1, batch_col, batch_row, stats, w, b)


def _head_kernel(pool, stats, l0W, l0b, l1W, l1b, lW, lb):
    def body(pool_ref, st_ref, l0W_ref, l0b_ref, l1W_ref, l1b_ref,
             lW_ref, lb_ref, out_ref, z_ref):
        cnt = st_ref[:, 2:3]
        g = pool_ref[...] / jnp.maximum(cnt, 1.0)
        g = jnp.maximum(jnp.dot(g, l0W_ref[...],
                                preferred_element_type=jnp.float32)
                        + l0b_ref[...], 0.0)
        z = jnp.maximum(jnp.dot(g, l1W_ref[...],
                                preferred_element_type=jnp.float32)
                        + l1b_ref[...], 0.0)
        z_ref[...] = z
        out_ref[...] = jnp.dot(z, lW_ref[...],
                               preferred_element_type=jnp.float32) + lb_ref[...]

    return pl.pallas_call(
        body,
        grid=(1,),
        in_specs=[_full((G, D)), _full((G, 128)), _full((D, D)),
                  _full((1, D)), _full((D, D)), _full((1, D)),
                  _full((D, 128)), _full((1, 128))],
        out_specs=[_full((G, 128)), _full((G, D))],
        out_shape=[jax.ShapeDtypeStruct((G, 128), jnp.float32),
                   jax.ShapeDtypeStruct((G, D), jnp.float32)],
    )(pool, stats, l0W, l0b, l1W, l1b, lW, lb)



def _pad_conv(cp):
    eW1h = cp["eW1"][:D]
    eW1rp = jnp.zeros((128, D), jnp.float32).at[:4].set(cp["eW1"][D:])
    rW1p = jnp.zeros((1, 128), jnp.float32).at[:, :16].set(cp["rW1"])
    rb1p = jnp.zeros((1, 128), jnp.float32).at[0, :16].set(cp["rb1"])
    rW2p = jnp.zeros((128, 128), jnp.float32).at[:16, :4].set(cp["rW2"])
    rb2p = jnp.zeros((1, 128), jnp.float32).at[0, :4].set(cp["rb2"])
    return dict(eW1h=eW1h, eb1=cp["eb1"].reshape(1, D), eW1rp=eW1rp,
                rW1p=rW1p, rb1p=rb1p, rW2p=rW2p, rb2p=rb2p,
                eW2=cp["eW2"], eb2=cp["eb2"].reshape(1, D),
                nW=cp["nW"], nb=cp["nb"].reshape(1, D))


def kernel(x, edge_index, edge_attr, batch, pos, params):
    p = params
    src = edge_index[0]
    dst = edge_index[1]
    batch_col = batch.reshape(N_NODES, 1)
    batch_row = batch.reshape(N_NODES // NODE_BLK, 1, NODE_BLK)
    zeros_pad = jnp.zeros((NPAD, 128), jnp.float32)
    epad = jnp.zeros((EPAD - N_EDGES,), jnp.int32)
    src_pad = jnp.concatenate([src, epad])
    dst_pad = jnp.concatenate([dst, epad])

    convs = [_pad_conv(p["conv1"]), _pad_conv(p["conv2"]), _pad_conv(p["conv3"])]
    lns = [(p["n1w"].reshape(1, D), p["n1b"].reshape(1, D)),
           (p["n2w"].reshape(1, D), p["n2b"].reshape(1, D)),
           (p["n3w"].reshape(1, D), p["n3b"].reshape(1, D))]

    el2 = _sc_el2(pos[:, 0], pos[:, 1], pos[:, 2], src_pad, dst_pad)
    el2c = el2[:N_EDGES].reshape(N_EDGES, 1)

    c0 = convs[0]
    h, hW, hn = _pre_kernel(x, p["inW"], p["inb"].reshape(1, D),
                            c0["eW1h"], c0["eb1"], c0["nW"], c0["nb"])

    pool = None
    stats = None
    for li in range(3):
        c = convs[li]
        hWsrc = _sc_gather(hW, src, D, 200)
        ef = _edge_kernel(hWsrc, el2c, c["rW1p"], c["rb1p"],
                          c["rW2p"], c["rb2p"], c["eW1rp"], c["eW2"], c["eb2"])
        aggr_pad = _sc_scatter_add(ef, dst, zeros_pad)
        h1, stats = _update_stats_kernel(h, hn, aggr_pad, batch_row)
        w, b = lns[li]
        if li < 2:
            cn = convs[li + 1]
            h, hW, hn = _ln_next_kernel(h1, batch_col, stats, w, b,
                                        cn["eW1h"], cn["eb1"],
                                        cn["nW"], cn["nb"])
        else:
            pool = _ln_pool_kernel(h1, batch_col, batch_row, stats, w, b)

    out, z = _head_kernel(pool, stats, p["l0W"], p["l0b"].reshape(1, D),
                          p["l1W"], p["l1b"].reshape(1, D),
                          p["lW"], p["lb"].reshape(1, 128))
    return (out, z)

# --- scband reference (transcript-rebuilt; emitter-appended) ---
"""Pipeline reference for scband-simple-e3nn-protein-model-72164040507425 (READ-ONLY COPY).

The authoritative reference and input builder live on the scoring server;
editing this copy changes nothing except your own understanding.
"""

import jax, jax.numpy as jnp
import numpy as np

N_NODES = 10000
N_EDGES = 160000
D_FEAT = 256
HIDDEN = 256
OUT_DIM = 128
NUM_GRAPHS = 8
CUTOFF = 10.0
EPS = 1e-5


def _lin(key, fi, fo):
    W = jax.random.normal(key, (fi, fo), dtype=jnp.float32) * (1.0 / np.sqrt(fi))
    b = jnp.zeros((fo,), dtype=jnp.float32)
    return W, b


def _conv_params(key, dim):
    ks = jax.random.split(key, 5)
    nW, nb = _lin(ks[0], dim, dim)
    eW1, eb1 = _lin(ks[1], dim + 4, dim)
    eW2, eb2 = _lin(ks[2], dim, dim)
    rW1, rb1 = _lin(ks[3], 1, 16)
    rW2, rb2 = _lin(ks[4], 16, 4)
    return {"nW": nW, "nb": nb, "eW1": eW1, "eb1": eb1, "eW2": eW2, "eb2": eb2,
            "rW1": rW1, "rb1": rb1, "rW2": rW2, "rb2": rb2}


def setup_inputs(seed: int = 0):
    key = jax.random.key(seed)
    ks = jax.random.split(key, 16)
    x = jax.random.normal(ks[0], (N_NODES, D_FEAT), dtype=jnp.float32)
    edge_index = jax.random.randint(ks[1], (2, N_EDGES), 0, N_NODES, dtype=jnp.int32)
    edge_attr = jax.random.normal(ks[2], (N_EDGES, 4), dtype=jnp.float32)
    batch = jnp.sort(jax.random.randint(ks[3], (N_NODES,), 0, NUM_GRAPHS, dtype=jnp.int32))
    pos = jax.random.normal(ks[4], (N_NODES, 3), dtype=jnp.float32)
    inW, inb = _lin(ks[5], D_FEAT, HIDDEN)
    l0W, l0b = _lin(ks[6], HIDDEN, HIDDEN)
    l1W, l1b = _lin(ks[7], HIDDEN, HIDDEN)
    lW, lb = _lin(ks[8], HIDDEN, OUT_DIM)
    params = {
        "inW": inW, "inb": inb,
        "conv1": _conv_params(ks[9], HIDDEN),
        "conv2": _conv_params(ks[10], HIDDEN),
        "conv3": _conv_params(ks[11], HIDDEN),
        "n1w": jnp.ones((HIDDEN,), jnp.float32), "n1b": jnp.zeros((HIDDEN,), jnp.float32),
        "n2w": jnp.ones((HIDDEN,), jnp.float32), "n2b": jnp.zeros((HIDDEN,), jnp.float32),
        "n3w": jnp.ones((HIDDEN,), jnp.float32), "n3b": jnp.zeros((HIDDEN,), jnp.float32),
        "l0W": l0W, "l0b": l0b, "l1W": l1W, "l1b": l1b, "lW": lW, "lb": lb,
    }
    return {"x": x, "edge_index": edge_index, "edge_attr": edge_attr, "batch": batch, "pos": pos, "params": params}


def _e3nn_layer(h, edge_index, pos, p):
    src = edge_index[0]
    dst = edge_index[1]
    rel = pos[dst] - pos[src]
    el = jnp.linalg.norm(rel, axis=-1, keepdims=True)
    mask = (el < CUTOFF).astype(h.dtype)
    r = jax.nn.silu(el @ p["rW1"] + p["rb1"])
    r = jax.nn.silu(r @ p["rW2"] + p["rb2"])
    ef = jnp.concatenate([h[src], r], axis=-1)
    ef = jax.nn.silu(ef @ p["eW1"] + p["eb1"])
    ef = jax.nn.silu(ef @ p["eW2"] + p["eb2"])
    cf = jnp.clip(1.0 - (el / CUTOFF) ** 2, 0.0, 1.0)
    ef = ef * cf * mask
    aggr = jax.ops.segment_sum(ef, dst, num_segments=h.shape[0])
    return h @ p["nW"] + p["nb"] + aggr


def _graph_layernorm(h, batch, w, b):
    d = h.shape[1]
    ones = jnp.ones((h.shape[0],), h.dtype)
    cnt = jax.ops.segment_sum(ones, batch, num_segments=NUM_GRAPHS)
    norm = jnp.clip(cnt, 1.0, None) * d
    mean = jax.ops.segment_sum(h.sum(axis=-1), batch, num_segments=NUM_GRAPHS) / norm
    hc = h - mean[batch][:, None]
    var = jax.ops.segment_sum((hc * hc).sum(axis=-1), batch, num_segments=NUM_GRAPHS) / norm
    out = hc / jnp.sqrt(var + EPS)[batch][:, None]
    return out * w + b


def _global_mean_pool(h, batch):
    s = jax.ops.segment_sum(h, batch, num_segments=NUM_GRAPHS)
    c = jax.ops.segment_sum(jnp.ones((h.shape[0],), h.dtype), batch, num_segments=NUM_GRAPHS)
    return s / jnp.clip(c, 1.0, None)[:, None]


def _forward(x, edge_index, edge_attr, batch, pos, params):
    # edge_attr is accepted but ignored (API compatibility), matching the torch model
    h = x @ params["inW"] + params["inb"]
    h = h + _e3nn_layer(h, edge_index, pos, params["conv1"])
    h = jax.nn.relu(_graph_layernorm(h, batch, params["n1w"], params["n1b"]))
    h = h + _e3nn_layer(h, edge_index, pos, params["conv2"])
    h = jax.nn.relu(_graph_layernorm(h, batch, params["n2w"], params["n2b"]))
    h = h + _e3nn_layer(h, edge_index, pos, params["conv3"])
    h = _graph_layernorm(h, batch, params["n3w"], params["n3b"])
    g = _global_mean_pool(h, batch)
    g = jax.nn.relu(g @ params["l0W"] + params["l0b"])
    z = jax.nn.relu(g @ params["l1W"] + params["l1b"])
    out = z @ params["lW"] + params["lb"]
    return (out, z)


def reference(x, edge_index, edge_attr, batch, pos, params):
    return _forward(x, edge_index, edge_attr, batch, pos, params)

if __name__ == "__main__":
    import jax
    _d = setup_inputs()
    print(jax.jit(kernel)(*tuple(_d.values())))

</pallas_src>

<mosaic_0001>
#map = affine_map<(d0, d1) -> (0)>
module attributes {stable_mosaic.version = 14 : i64} {
  func.func @ek(%arg0: i32, %arg1: i32, %arg2: memref<10000xf32, #tpu.memory_space<hbm>>, %arg3: memref<10000xf32, #tpu.memory_space<hbm>>, %arg4: memref<10000xf32, #tpu.memory_space<hbm>>, %arg5: memref<160256xi32, #tpu.memory_space<hbm>>, %arg6: memref<160256xi32, #tpu.memory_space<hbm>>, %arg7: memref<160256xf32, #tpu.memory_space<hbm>>, %arg8: memref<10000xf32, #tpu.memory_space<vmem>>, %arg9: memref<10000xf32, #tpu.memory_space<vmem>>, %arg10: memref<10000xf32, #tpu.memory_space<vmem>>, %arg11: memref<5008xi32, #tpu.memory_space<vmem>>, %arg12: memref<5008xi32, #tpu.memory_space<vmem>>, %arg13: memref<5008xf32, #tpu.memory_space<vmem>>) attributes {dimension_semantics = [#tpu.dimension_semantics<core_parallel>, #tpu.dimension_semantics<subcore_parallel>], iteration_bounds = array<i64: 2, 16>, scalar_prefetch = 0 : i64, scratch_operands = 6 : i64, tpu.core_type = #tpu.core_type<sc_vector_subcore>, window_params = [{transform_indices = #map}, {transform_indices = #map}, {transform_indices = #map}, {transform_indices = #map}, {transform_indices = #map}, {transform_indices = #map}]} {
    %mul3A = arith.constant 2 : i32
    %mul3A_0 = arith.muli %arg1, %mul3A : i32
    %add3A = arith.addi %mul3A_0, %arg0 : i32
    %mul3A_1 = arith.constant 5008 : i32
    %mul3A_2 = arith.muli %add3A, %mul3A_1 : i32
    "tpu.region"() ({
      %run_scoped3A = tpu.sem_alloc : memref<!tpu.dma_semaphore, #tpu.memory_space<semaphore_mem>>
      tpu.enqueue_dma source(%arg2 : memref<10000xf32, #tpu.memory_space<hbm>>) target(%arg8 : memref<10000xf32, #tpu.memory_space<vmem>>) target_semaphore(%run_scoped3A : memref<!tpu.dma_semaphore, #tpu.memory_space<semaphore_mem>>)
      tpu.wait_dma2 semaphore(%run_scoped3A : memref<!tpu.dma_semaphore, #tpu.memory_space<semaphore_mem>>) src(%arg2 : memref<10000xf32, #tpu.memory_space<hbm>>) dst(%arg8 : memref<10000xf32, #tpu.memory_space<vmem>>)
      tpu.yield
    }) : () -> ()
    "tpu.region"() ({
      %run_scoped3A = tpu.sem_alloc : memref<!tpu.dma_semaphore, #tpu.memory_space<semaphore_mem>>
      tpu.enqueue_dma source(%arg3 : memref<10000xf32, #tpu.memory_space<hbm>>) target(%arg9 : memref<10000xf32, #tpu.memory_space<vmem>>) target_semaphore(%run_scoped3A : memref<!tpu.dma_semaphore, #tpu.memory_space<semaphore_mem>>)
      tpu.wait_dma2 semaphore(%run_scoped3A : memref<!tpu.dma_semaphore, #tpu.memory_space<semaphore_mem>>) src(%arg3 : memref<10000xf32, #tpu.memory_space<hbm>>) dst(%arg9 : memref<10000xf32, #tpu.memory_space<vmem>>)
      tpu.yield
    }) : () -> ()
    "tpu.region"() ({
      %run_scoped3A = tpu.sem_alloc : memref<!tpu.dma_semaphore, #tpu.memory_space<semaphore_mem>>
      tpu.enqueue_dma source(%arg4 : memref<10000xf32, #tpu.memory_space<hbm>>) target(%arg10 : memref<10000xf32, #tpu.memory_space<vmem>>) target_semaphore(%run_scoped3A : memref<!tpu.dma_semaphore, #tpu.memory_space<semaphore_mem>>)
      tpu.wait_dma2 semaphore(%run_scoped3A : memref<!tpu.dma_semaphore, #tpu.memory_space<semaphore_mem>>) src(%arg4 : memref<10000xf32, #tpu.memory_space<hbm>>) dst(%arg10 : memref<10000xf32, #tpu.memory_space<vmem>>)
      tpu.yield
    }) : () -> ()
    "tpu.region"() ({
      %run_scoped3A = tpu.sem_alloc : memref<!tpu.dma_semaphore, #tpu.memory_space<semaphore_mem>>
      %dma_start3A = tpu.memref_slice %arg5[%mul3A_2] : memref<160256xi32, #tpu.memory_space<hbm>> -> memref<5008xi32, #tpu.memory_space<hbm>>
      %dma_start3A_7 = tpu.memref_slice %arg5[%mul3A_2] : memref<160256xi32, #tpu.memory_space<hbm>> -> memref<5008xi32, #tpu.memory_space<hbm>>
      tpu.enqueue_dma source(%dma_start3A_7 : memref<5008xi32, #tpu.memory_space<hbm>>) target(%arg11 : memref<5008xi32, #tpu.memory_space<vmem>>) target_semaphore(%run_scoped3A : memref<!tpu.dma_semaphore, #tpu.memory_space<semaphore_mem>>)
      %dma_wait3A = tpu.memref_slice %arg5[%mul3A_2] : memref<160256xi32, #tpu.memory_space<hbm>> -> memref<5008xi32, #tpu.memory_space<hbm>>
      %dma_wait3A_8 = tpu.memref_slice %arg5[%mul3A_2] : memref<160256xi32, #tpu.memory_space<hbm>> -> memref<5008xi32, #tpu.memory_space<hbm>>
      tpu.wait_dma2 semaphore(%run_scoped3A : memref<!tpu.dma_semaphore, #tpu.memory_space<semaphore_mem>>) src(%dma_wait3A_8 : memref<5008xi32, #tpu.memory_space<hbm>>) dst(%arg11 : memref<5008xi32, #tpu.memory_space<vmem>>)
      tpu.yield
    }) : () -> ()
    "tpu.region"() ({
      %run_scoped3A = tpu.sem_alloc : memref<!tpu.dma_semaphore, #tpu.memory_space<semaphore_mem>>
      %dma_start3A = tpu.memref_slice %arg6[%mul3A_2] : memref<160256xi32, #tpu.memory_space<hbm>> -> memref<5008xi32, #tpu.memory_space<hbm>>
      %dma_start3A_7 = tpu.memref_slice %arg6[%mul3A_2] : memref<160256xi32, #tpu.memory_space<hbm>> -> memref<5008xi32, #tpu.memory_space<hbm>>
      tpu.enqueue_dma source(%dma_start3A_7 : memref<5008xi32, #tpu.memory_space<hbm>>) target(%arg12 : memref<5008xi32, #tpu.memory_space<vmem>>) target_semaphore(%run_scoped3A : memref<!tpu.dma_semaphore, #tpu.memory_space<semaphore_mem>>)
      %dma_wait3A = tpu.memref_slice %arg6[%mul3A_2] : memref<160256xi32, #tpu.memory_space<hbm>> -> memref<5008xi32, #tpu.memory_space<hbm>>
      %dma_wait3A_8 = tpu.memref_slice %arg6[%mul3A_2] : memref<160256xi32, #tpu.memory_space<hbm>> -> memref<5008xi32, #tpu.memory_space<hbm>>
      tpu.wait_dma2 semaphore(%run_scoped3A : memref<!tpu.dma_semaphore, #tpu.memory_space<semaphore_mem>>) src(%dma_wait3A_8 : memref<5008xi32, #tpu.memory_space<hbm>>) dst(%arg12 : memref<5008xi32, #tpu.memory_space<vmem>>)
      tpu.yield
    }) : () -> ()
    %scan3A = arith.constant 0 : i32
    %scan3A_3 = arith.constant 313 : i32
    %scan3A_4 = arith.addi %scan3A, %scan3A_3 : i32
    %scan3A_5 = arith.constant 1 : i32
    scf.for %scan3A_7 = %scan3A to %scan3A_4 step %scan3A_5  : i32 {
      %mul3A_8 = arith.constant 1 : i32
      %mul3A_9 = arith.muli %scan3A_7, %mul3A_8 : i32
      %add3A_10 = arith.constant 0 : i32
      %add3A_11 = arith.addi %add3A_10, %mul3A_9 : i32
      %mul3A_12 = arith.constant 16 : i32
      %mul3A_13 = arith.muli %add3A_11, %mul3A_12 : i32
      %get3A = arith.index_cast %mul3A_13 : i32 to index
      %get3A_14 = tpu.vector_load %arg11[%get3A] {strides = array<i32>} : memref<5008xi32, #tpu.memory_space<vmem>>, vector<16xi32>,
      %get3A_15 = arith.index_cast %mul3A_13 : i32 to index
      %get3A_16 = tpu.vector_load %arg12[%get3A_15] {strides = array<i32>} : memref<5008xi32, #tpu.memory_space<vmem>>, vector<16xi32>,
      %gather3A = tpu.vector_load_idx %arg8[%get3A_16] : memref<10000xf32, #tpu.memory_space<vmem>>[vector<16xi32>], vector<16xf32>,
      %gather3A_17 = tpu.vector_load_idx %arg8[%get3A_14] : memref<10000xf32, #tpu.memory_space<vmem>>[vector<16xi32>], vector<16xf32>,
      %sub3A = arith.subf %gather3A, %gather3A_17 : vector<16xf32>
      %gather3A_18 = tpu.vector_load_idx %arg9[%get3A_16] : memref<10000xf32, #tpu.memory_space<vmem>>[vector<16xi32>], vector<16xf32>,
      %gather3A_19 = tpu.vector_load_idx %arg9[%get3A_14] : memref<10000xf32, #tpu.memory_space<vmem>>[vector<16xi32>], vector<16xf32>,
      %sub3A_20 = arith.subf %gather3A_18, %gather3A_19 : vector<16xf32>
      %gather3A_21 = tpu.vector_load_idx %arg10[%get3A_16] : memref<10000xf32, #tpu.memory_space<vmem>>[vector<16xi32>], vector<16xf32>,
      %gather3A_22 = tpu.vector_load_idx %arg10[%get3A_14] : memref<10000xf32, #tpu.memory_space<vmem>>[vector<16xi32>], vector<16xf32>,
      %sub3A_23 = arith.subf %gather3A_21, %gather3A_22 : vector<16xf32>
      %mul3A_24 = arith.mulf %sub3A, %sub3A : vector<16xf32>
      %mul3A_25 = arith.mulf %sub3A_20, %sub3A_20 : vector<16xf32>
      %add3A_26 = arith.addf %mul3A_24, %mul3A_25 : vector<16xf32>
      %mul3A_27 = arith.mulf %sub3A_23, %sub3A_23 : vector<16xf32>
      %add3A_28 = arith.addf %add3A_26, %mul3A_27 : vector<16xf32>
      %swap3A = arith.index_cast %mul3A_13 : i32 to index
      %swap3A_29 = tpu.vector_load %arg13[%swap3A] {strides = array<i32>} : memref<5008xf32, #tpu.memory_space<vmem>>, vector<16xf32>,
      tpu.vector_store %arg13[%swap3A], %add3A_28 {strides = array<i32>} : memref<5008xf32, #tpu.memory_space<vmem>>, vector<16xf32>,
    }
    %scan3A_6 = arith.constant 313 : i32
    "tpu.region"() ({
      %run_scoped3A = tpu.sem_alloc : memref<!tpu.dma_semaphore, #tpu.memory_space<semaphore_mem>>
      %dma_start3A = tpu.memref_slice %arg7[%mul3A_2] : memref<160256xf32, #tpu.memory_space<hbm>> -> memref<5008xf32, #tpu.memory_space<hbm>>
      %dma_start3A_7 = tpu.memref_slice %arg7[%mul3A_2] : memref<160256xf32, #tpu.memory_space<hbm>> -> memref<5008xf32, #tpu.memory_space<hbm>>
      tpu.enqueue_dma source(%arg13 : memref<5008xf32, #tpu.memory_space<vmem>>) target(%dma_start3A_7 : memref<5008xf32, #tpu.memory_space<hbm>>) target_semaphore(%run_scoped3A : memref<!tpu.dma_semaphore, #tpu.memory_space<semaphore_mem>>)
      %dma_wait3A = tpu.memref_slice %arg7[%mul3A_2] : memref<160256xf32, #tpu.memory_space<hbm>> -> memref<5008xf32, #tpu.memory_space<hbm>>
      %dma_wait3A_8 = tpu.memref_slice %arg7[%mul3A_2] : memref<160256xf32, #tpu.memory_space<hbm>> -> memref<5008xf32, #tpu.memory_space<hbm>>
      tpu.wait_dma2 semaphore(%run_scoped3A : memref<!tpu.dma_semaphore, #tpu.memory_space<semaphore_mem>>) src(%arg13 : memref<5008xf32, #tpu.memory_space<vmem>>) dst(%dma_wait3A_8 : memref<5008xf32, #tpu.memory_space<hbm>>)
      tpu.yield
    }) : () -> ()
    return
  }
}

#map = affine_map<(d0, d1) -> (0, 0)>
#map1 = affine_map<(d0, d1) -> (0)>
module attributes {stable_mosaic.version = 14 : i64} {
  func.func @gk(%arg0: i32, %arg1: i32, %arg2: memref<10000x256xf32, #tpu.memory_space<hbm>>, %arg3: memref<160000xi32, #tpu.memory_space<hbm>>, %arg4: memref<160000x256xf32, #tpu.memory_space<hbm>>, %arg5: memref<200xi32, #tpu.memory_space<vmem>>, %arg6: memref<200x256xf32, #tpu.memory_space<vmem>>, %arg7: memref<!tpu.dma_semaphore, #tpu.memory_space<semaphore_mem>>) attributes {dimension_semantics = [#tpu.dimension_semantics<core_parallel>, #tpu.dimension_semantics<subcore_parallel>], iteration_bounds = array<i64: 2, 16>, scalar_prefetch = 0 : i64, scratch_operands = 3 : i64, tpu.core_type = #tpu.core_type<sc_vector_subcore>, window_params = [{transform_indices = #map}, {transform_indices = #map1}, {transform_indices = #map}]} {
    %mul3A = arith.constant 2 : i32
    %mul3A_0 = arith.muli %arg1, %mul3A : i32
    %add3A = arith.addi %mul3A_0, %arg0 : i32
    %mul3A_1 = arith.constant 5000 : i32
    %mul3A_2 = arith.muli %add3A, %mul3A_1 : i32
    %scan3A = arith.constant 0 : i32
    %scan3A_3 = arith.constant 25 : i32
    %scan3A_4 = arith.addi %scan3A, %scan3A_3 : i32
    %scan3A_5 = arith.constant 1 : i32
    scf.for %scan3A_7 = %scan3A to %scan3A_4 step %scan3A_5  : i32 {
      %mul3A_8 = arith.constant 1 : i32
      %mul3A_9 = arith.muli %scan3A_7, %mul3A_8 : i32
      %add3A_10 = arith.constant 0 : i32
      %add3A_11 = arith.addi %add3A_10, %mul3A_9 : i32
      %mul3A_12 = arith.constant 200 : i32
      %mul3A_13 = arith.muli %add3A_11, %mul3A_12 : i32
      %add3A_14 = arith.addi %mul3A_2, %mul3A_13 : i32
      "tpu.region"() ({
        %run_scoped3A = tpu.sem_alloc : memref<!tpu.dma_semaphore, #tpu.memory_space<semaphore_mem>>
        %dma_start3A_19 = tpu.memref_slice %arg3[%add3A_14] : memref<160000xi32, #tpu.memory_space<hbm>> -> memref<200xi32, #tpu.memory_space<hbm>>
        %dma_start3A_20 = tpu.memref_slice %arg3[%add3A_14] : memref<160000xi32, #tpu.memory_space<hbm>> -> memref<200xi32, #tpu.memory_space<hbm>>
        tpu.enqueue_dma source(%dma_start3A_20 : memref<200xi32, #tpu.memory_space<hbm>>) target(%arg5 : memref<200xi32, #tpu.memory_space<vmem>>) target_semaphore(%run_scoped3A : memref<!tpu.dma_semaphore, #tpu.memory_space<semaphore_mem>>)
        %dma_wait3A_21 = tpu.memref_slice %arg3[%add3A_14] : memref<160000xi32, #tpu.memory_space<hbm>> -> memref<200xi32, #tpu.memory_space<hbm>>
        %dma_wait3A_22 = tpu.memref_slice %arg3[%add3A_14] : memref<160000xi32, #tpu.memory_space<hbm>> -> memref<200xi32, #tpu.memory_space<hbm>>
        tpu.wait_dma2 semaphore(%run_scoped3A : memref<!tpu.dma_semaphore, #tpu.memory_space<semaphore_mem>>) src(%dma_wait3A_22 : memref<200xi32, #tpu.memory_space<hbm>>) dst(%arg5 : memref<200xi32, #tpu.memory_space<vmem>>)
        tpu.yield
      }) : () -> ()
      %dma_start3A = arith.constant 0 : i32
      %dma_start3A_15 = arith.constant 0 : i32
      %dma_start3A_16 = tpu.memref_slice %arg2[%dma_start3A, %dma_start3A_15] : memref<10000x256xf32, #tpu.memory_space<hbm>> -> memref<10000x256xf32, #tpu.memory_space<hbm>>
      tpu.enqueue_indirect_dma source(%dma_start3A_16 : memref<10000x256xf32, #tpu.memory_space<hbm>>) target(%arg6 : memref<200x256xf32, #tpu.memory_space<vmem>>) offsets(%arg5 : memref<200xi32, #tpu.memory_space<vmem>>) semaphore(%arg7 : memref<!tpu.dma_semaphore, #tpu.memory_space<semaphore_mem>>)
      %dma_wait3A = arith.constant 0 : i32
      %dma_wait3A_17 = arith.constant 0 : i32
      %dma_wait3A_18 = tpu.memref_slice %arg2[%dma_wait3A, %dma_wait3A_17] : memref<10000x256xf32, #tpu.memory_space<hbm>> -> memref<10000x256xf32, #tpu.memory_space<hbm>>
      tpu.wait_indirect_dma semaphore(%arg7 : memref<!tpu.dma_semaphore, #tpu.memory_space<semaphore_mem>>) src(%dma_wait3A_18 : memref<10000x256xf32, #tpu.memory_space<hbm>>) dst(%arg6 : memref<200x256xf32, #tpu.memory_space<vmem>>)
      "tpu.region"() ({
        %run_scoped3A = tpu.sem_alloc : memref<!tpu.dma_semaphore, #tpu.memory_space<semaphore_mem>>
        %dma_start3A_19 = arith.constant 0 : i32
        %dma_start3A_20 = tpu.memref_slice %arg4[%add3A_14, %dma_start3A_19] : memref<160000x256xf32, #tpu.memory_space<hbm>> -> memref<200x256xf32, #tpu.memory_space<hbm>>
        %dma_start3A_21 = arith.constant 0 : i32
        %dma_start3A_22 = tpu.memref_slice %arg4[%add3A_14, %dma_start3A_21] : memref<160000x256xf32, #tpu.memory_space<hbm>> -> memref<200x256xf32, #tpu.memory_space<hbm>>
        tpu.enqueue_dma source(%arg6 : memref<200x256xf32, #tpu.memory_space<vmem>>) target(%dma_start3A_22 : memref<200x256xf32, #tpu.memory_space<hbm>>) target_semaphore(%run_scoped3A : memref<!tpu.dma_semaphore, #tpu.memory_space<semaphore_mem>>)
        %dma_wait3A_23 = arith.constant 0 : i32
        %dma_wait3A_24 = tpu.memref_slice %arg4[%add3A_14, %dma_wait3A_23] : memref<160000x256xf32, #tpu.memory_space<hbm>> -> memref<200x256xf32, #tpu.memory_space<hbm>>
        %dma_wait3A_25 = arith.constant 0 : i32
        %dma_wait3A_26 = tpu.memref_slice %arg4[%add3A_14, %dma_wait3A_25] : memref<160000x256xf32, #tpu.memory_space<hbm>> -> memref<200x256xf32, #tpu.memory_space<hbm>>
        tpu.wait_dma2 semaphore(%run_scoped3A : memref<!tpu.dma_semaphore, #tpu.memory_space<semaphore_mem>>) src(%arg6 : memref<200x256xf32, #tpu.memory_space<vmem>>) dst(%dma_wait3A_26 : memref<200x256xf32, #tpu.memory_space<hbm>>)
        tpu.yield
      }) : () -> ()
    }
    %scan3A_6 = arith.constant 25 : i32
    return
  }
}

#map = affine_map<(d0, d1) -> (0, 0)>
#map1 = affine_map<(d0, d1) -> (0)>
module attributes {stable_mosaic.version = 14 : i64} {
  func.func @gk(%arg0: i32, %arg1: i32, %arg2: memref<10000x256xf32, #tpu.memory_space<hbm>>, %arg3: memref<160000xi32, #tpu.memory_space<hbm>>, %arg4: memref<160000x256xf32, #tpu.memory_space<hbm>>, %arg5: memref<200xi32, #tpu.memory_space<vmem>>, %arg6: memref<200x256xf32, #tpu.memory_space<vmem>>, %arg7: memref<!tpu.dma_semaphore, #tpu.memory_space<semaphore_mem>>) attributes {dimension_semantics = [#tpu.dimension_semantics<core_parallel>, #tpu.dimension_semantics<subcore_parallel>], iteration_bounds = array<i64: 2, 16>, scalar_prefetch = 0 : i64, scratch_operands = 3 : i64, tpu.core_type = #tpu.core_type<sc_vector_subcore>, window_params = [{transform_indices = #map}, {transform_indices = #map1}, {transform_indices = #map}]} {
    %mul3A = arith.constant 2 : i32
    %mul3A_0 = arith.muli %arg1, %mul3A : i32
    %add3A = arith.addi %mul3A_0, %arg0 : i32
    %mul3A_1 = arith.constant 5000 : i32
    %mul3A_2 = arith.muli %add3A, %mul3A_1 : i32
    %scan3A = arith.constant 0 : i32
    %scan3A_3 = arith.constant 25 : i32
    %scan3A_4 = arith.addi %scan3A, %scan3A_3 : i32
    %scan3A_5 = arith.constant 1 : i32
    scf.for %scan3A_7 = %scan3A to %scan3A_4 step %scan3A_5  : i32 {
      %mul3A_8 = arith.constant 1 : i32
      %mul3A_9 = arith.muli %scan3A_7, %mul3A_8 : i32
      %add3A_10 = arith.constant 0 : i32
      %add3A_11 = arith.addi %add3A_10, %mul3A_9 : i32
      %mul3A_12 = arith.constant 200 : i32
      %mul3A_13 = arith.muli %add3A_11, %mul3A_12 : i32
      %add3A_14 = arith.addi %mul3A_2, %mul3A_13 : i32
      "tpu.region"() ({
        %run_scoped3A = tpu.sem_alloc : memref<!tpu.dma_semaphore, #tpu.memory_space<semaphore_mem>>
        %dma_start3A_19 = tpu.memref_slice %arg3[%add3A_14] : memref<160000xi32, #tpu.memory_space<hbm>> -> memref<200xi32, #tpu.memory_space<hbm>>
        %dma_start3A_20 = tpu.memref_slice %arg3[%add3A_14] : memref<160000xi32, #tpu.memory_space<hbm>> -> memref<200xi32, #tpu.memory_space<hbm>>
        tpu.enqueue_dma source(%dma_start3A_20 : memref<200xi32, #tpu.memory_space<hbm>>) target(%arg5 : memref<200xi32, #tpu.memory_space<vmem>>) target_semaphore(%run_scoped3A : memref<!tpu.dma_semaphore, #tpu.memory_space<semaphore_mem>>)
        %dma_wait3A_21 = tpu.memref_slice %arg3[%add3A_14] : memref<160000xi32, #tpu.memory_space<hbm>> -> memref<200xi32, #tpu.memory_space<hbm>>
        %dma_wait3A_22 = tpu.memref_slice %arg3[%add3A_14] : memref<160000xi32, #tpu.memory_space<hbm>> -> memref<200xi32, #tpu.memory_space<hbm>>
        tpu.wait_dma2 semaphore(%run_scoped3A : memref<!tpu.dma_semaphore, #tpu.memory_space<semaphore_mem>>) src(%dma_wait3A_22 : memref<200xi32, #tpu.memory_space<hbm>>) dst(%arg5 : memref<200xi32, #tpu.memory_space<vmem>>)
        tpu.yield
      }) : () -> ()
      %dma_start3A = arith.constant 0 : i32
      %dma_start3A_15 = arith.constant 0 : i32
      %dma_start3A_16 = tpu.memref_slice %arg2[%dma_start3A, %dma_start3A_15] : memref<10000x256xf32, #tpu.memory_space<hbm>> -> memref<10000x256xf32, #tpu.memory_space<hbm>>
      tpu.enqueue_indirect_dma source(%dma_start3A_16 : memref<10000x256xf32, #tpu.memory_space<hbm>>) target(%arg6 : memref<200x256xf32, #tpu.memory_space<vmem>>) offsets(%arg5 : memref<200xi32, #tpu.memory_space<vmem>>) semaphore(%arg7 : memref<!tpu.dma_semaphore, #tpu.memory_space<semaphore_mem>>)
      %dma_wait3A = arith.constant 0 : i32
      %dma_wait3A_17 = arith.constant 0 : i32
      %dma_wait3A_18 = tpu.memref_slice %arg2[%dma_wait3A, %dma_wait3A_17] : memref<10000x256xf32, #tpu.memory_space<hbm>> -> memref<10000x256xf32, #tpu.memory_space<hbm>>
      tpu.wait_indirect_dma semaphore(%arg7 : memref<!tpu.dma_semaphore, #tpu.memory_space<semaphore_mem>>) src(%dma_wait3A_18 : memref<10000x256xf32, #tpu.memory_space<hbm>>) dst(%arg6 : memref<200x256xf32, #tpu.memory_space<vmem>>)
      "tpu.region"() ({
        %run_scoped3A = tpu.sem_alloc : memref<!tpu.dma_semaphore, #tpu.memory_space<semaphore_mem>>
        %dma_start3A_19 = arith.constant 0 : i32
        %dma_start3A_20 = tpu.memref_slice %arg4[%add3A_14, %dma_start3A_19] : memref<160000x256xf32, #tpu.memory_space<hbm>> -> memref<200x256xf32, #tpu.memory_space<hbm>>
        %dma_start3A_21 = arith.constant 0 : i32
        %dma_start3A_22 = tpu.memref_slice %arg4[%add3A_14, %dma_start3A_21] : memref<160000x256xf32, #tpu.memory_space<hbm>> -> memref<200x256xf32, #tpu.memory_space<hbm>>
        tpu.enqueue_dma source(%arg6 : memref<200x256xf32, #tpu.memory_space<vmem>>) target(%dma_start3A_22 : memref<200x256xf32, #tpu.memory_space<hbm>>) target_semaphore(%run_scoped3A : memref<!tpu.dma_semaphore, #tpu.memory_space<semaphore_mem>>)
        %dma_wait3A_23 = arith.constant 0 : i32
        %dma_wait3A_24 = tpu.memref_slice %arg4[%add3A_14, %dma_wait3A_23] : memref<160000x256xf32, #tpu.memory_space<hbm>> -> memref<200x256xf32, #tpu.memory_space<hbm>>
        %dma_wait3A_25 = arith.constant 0 : i32
        %dma_wait3A_26 = tpu.memref_slice %arg4[%add3A_14, %dma_wait3A_25] : memref<160000x256xf32, #tpu.memory_space<hbm>> -> memref<200x256xf32, #tpu.memory_space<hbm>>
        tpu.wait_dma2 semaphore(%run_scoped3A : memref<!tpu.dma_semaphore, #tpu.memory_space<semaphore_mem>>) src(%arg6 : memref<200x256xf32, #tpu.memory_space<vmem>>) dst(%dma_wait3A_26 : memref<200x256xf32, #tpu.memory_space<hbm>>)
        tpu.yield
      }) : () -> ()
    }
    %scan3A_6 = arith.constant 25 : i32
    return
  }
}

#map = affine_map<(d0, d1) -> (0, 0)>
#map1 = affine_map<(d0, d1) -> (0)>
module attributes {stable_mosaic.version = 14 : i64} {
  func.func @sk(%arg0: i32, %arg1: i32, %arg2: memref<160000x256xf32, #tpu.memory_space<hbm>>, %arg3: memref<160000xi32, #tpu.memory_space<hbm>>, %arg4: memref<10112x128xf32, #tpu.memory_space<hbm>>, %arg5: memref<10112x256xf32, #tpu.memory_space<hbm>>, %arg6: memref<10112x128xf32, #tpu.memory_space<vmem_shared>>, %arg7: memref<200xi32, #tpu.memory_space<vmem>>, %arg8: memref<200x128xf32, #tpu.memory_space<vmem>>) attributes {dimension_semantics = [#tpu.dimension_semantics<core_parallel>, #tpu.dimension_semantics<subcore_parallel>], iteration_bounds = array<i64: 2, 16>, scalar_prefetch = 0 : i64, scratch_operands = 3 : i64, tpu.core_type = #tpu.core_type<sc_vector_subcore>, window_params = [{transform_indices = #map}, {transform_indices = #map1}, {transform_indices = #map}, {transform_indices = #map}]} {
    %mul3A = arith.constant 632 : i32
    %mul3A_0 = arith.muli %arg1, %mul3A : i32
    %mul3A_1 = arith.constant 632 : i32
    %mul3A_2 = arith.muli %arg1, %mul3A_1 : i32
    "tpu.region"() ({
      %run_scoped3A = tpu.sem_alloc : memref<!tpu.dma_semaphore, #tpu.memory_space<semaphore_mem>>
      %dma_start3A = arith.constant 0 : i32
      %dma_start3A_14 = tpu.memref_slice %arg6[%mul3A_2, %dma_start3A] : memref<10112x128xf32, #tpu.memory_space<vmem_shared>> -> memref<632x128xf32, #tpu.memory_space<vmem_shared>>
      %dma_start3A_15 = arith.constant 0 : i32
      %dma_start3A_16 = tpu.memref_slice %arg4[%mul3A_0, %dma_start3A_15] : memref<10112x128xf32, #tpu.memory_space<hbm>> -> memref<632x128xf32, #tpu.memory_space<hbm>>
      tpu.enqueue_dma source(%dma_start3A_16 : memref<632x128xf32, #tpu.memory_space<hbm>>) target(%dma_start3A_14 : memref<632x128xf32, #tpu.memory_space<vmem_shared>>) target_semaphore(%run_scoped3A : memref<!tpu.dma_semaphore, #tpu.memory_space<semaphore_mem>>)
      %dma_wait3A = arith.constant 0 : i32
      %dma_wait3A_17 = tpu.memref_slice %arg6[%mul3A_2, %dma_wait3A] : memref<10112x128xf32, #tpu.memory_space<vmem_shared>> -> memref<632x128xf32, #tpu.memory_space<vmem_shared>>
      %dma_wait3A_18 = arith.constant 0 : i32
      %dma_wait3A_19 = tpu.memref_slice %arg4[%mul3A_0, %dma_wait3A_18] : memref<10112x128xf32, #tpu.memory_space<hbm>> -> memref<632x128xf32, #tpu.memory_space<hbm>>
      tpu.wait_dma2 semaphore(%run_scoped3A : memref<!tpu.dma_semaphore, #tpu.memory_space<semaphore_mem>>) src(%dma_wait3A_19 : memref<632x128xf32, #tpu.memory_space<hbm>>) dst(%dma_wait3A_17 : memref<632x128xf32, #tpu.memory_space<vmem_shared>>)
      tpu.yield
    }) : () -> ()
    %barrier3A = arith.constant 0 : index
    tpu.barrier barrier_id(%barrier3A)
    %scan3A = arith.constant 0 : i32
    %scan3A_3 = arith.constant 50 : i32
    %scan3A_4 = arith.addi %scan3A, %scan3A_3 : i32
    %scan3A_5 = arith.constant 1 : i32
    scf.for %scan3A_14 = %scan3A to %scan3A_4 step %scan3A_5  : i32 {
      %mul3A_15 = arith.constant 1 : i32
      %mul3A_16 = arith.muli %scan3A_14, %mul3A_15 : i32
      %add3A = arith.constant 0 : i32
      %add3A_17 = arith.addi %add3A, %mul3A_16 : i32
      %mul3A_18 = arith.constant 10000 : i32
      %mul3A_19 = arith.muli %arg1, %mul3A_18 : i32
      %mul3A_20 = arith.constant 200 : i32
      %mul3A_21 = arith.muli %add3A_17, %mul3A_20 : i32
      %add3A_22 = arith.addi %mul3A_19, %mul3A_21 : i32
      "tpu.region"() ({
        %run_scoped3A = tpu.sem_alloc : memref<!tpu.dma_semaphore, #tpu.memory_space<semaphore_mem>>
        %dma_start3A = tpu.memref_slice %arg3[%add3A_22] : memref<160000xi32, #tpu.memory_space<hbm>> -> memref<200xi32, #tpu.memory_space<hbm>>
        %dma_start3A_25 = tpu.memref_slice %arg3[%add3A_22] : memref<160000xi32, #tpu.memory_space<hbm>> -> memref<200xi32, #tpu.memory_space<hbm>>
        tpu.enqueue_dma source(%dma_start3A_25 : memref<200xi32, #tpu.memory_space<hbm>>) target(%arg7 : memref<200xi32, #tpu.memory_space<vmem>>) target_semaphore(%run_scoped3A : memref<!tpu.dma_semaphore, #tpu.memory_space<semaphore_mem>>)
        %dma_wait3A = tpu.memref_slice %arg3[%add3A_22] : memref<160000xi32, #tpu.memory_space<hbm>> -> memref<200xi32, #tpu.memory_space<hbm>>
        %dma_wait3A_26 = tpu.memref_slice %arg3[%add3A_22] : memref<160000xi32, #tpu.memory_space<hbm>> -> memref<200xi32, #tpu.memory_space<hbm>>
        tpu.wait_dma2 semaphore(%run_scoped3A : memref<!tpu.dma_semaphore, #tpu.memory_space<semaphore_mem>>) src(%dma_wait3A_26 : memref<200xi32, #tpu.memory_space<hbm>>) dst(%arg7 : memref<200xi32, #tpu.memory_space<vmem>>)
        tpu.yield
      }) : () -> ()
      %mul3A_23 = arith.constant 128 : i32
      %mul3A_24 = arith.muli %arg0, %mul3A_23 : i32
      "tpu.region"() ({
        %run_scoped3A = tpu.sem_alloc : memref<!tpu.dma_semaphore, #tpu.memory_space<semaphore_mem>>
        %dma_start3A = tpu.memref_slice %arg2[%add3A_22, %mul3A_24] : memref<160000x256xf32, #tpu.memory_space<hbm>> -> memref<200x128xf32, #tpu.memory_space<hbm>>
        %dma_start3A_25 = tpu.memref_slice %arg2[%add3A_22, %mul3A_24] : memref<160000x256xf32, #tpu.memory_space<hbm>> -> memref<200x128xf32, #tpu.memory_space<hbm>>
        tpu.enqueue_dma source(%dma_start3A_25 : memref<200x128xf32, #tpu.memory_space<hbm>>) target(%arg8 : memref<200x128xf32, #tpu.memory_space<vmem>>) target_semaphore(%run_scoped3A : memref<!tpu.dma_semaphore, #tpu.memory_space<semaphore_mem>>)
        %dma_wait3A = tpu.memref_slice %arg2[%add3A_22, %mul3A_24] : memref<160000x256xf32, #tpu.memory_space<hbm>> -> memref<200x128xf32, #tpu.memory_space<hbm>>
        %dma_wait3A_26 = tpu.memref_slice %arg2[%add3A_22, %mul3A_24] : memref<160000x256xf32, #tpu.memory_space<hbm>> -> memref<200x128xf32, #tpu.memory_space<hbm>>
        tpu.wait_dma2 semaphore(%run_scoped3A : memref<!tpu.dma_semaphore, #tpu.memory_space<semaphore_mem>>) src(%dma_wait3A_26 : memref<200x128xf32, #tpu.memory_space<hbm>>) dst(%arg8 : memref<200x128xf32, #tpu.memory_space<vmem>>)
        tpu.yield
      }) : () -> ()
      "tpu.region"() ({
        %run_scoped3A = tpu.sem_alloc : memref<!tpu.dma_semaphore, #tpu.memory_space<semaphore_mem>>
        %dma_start3A = arith.constant 0 : i32
        %dma_start3A_25 = arith.constant 0 : i32
        %dma_start3A_26 = tpu.memref_slice %arg6[%dma_start3A, %dma_start3A_25] : memref<10112x128xf32, #tpu.memory_space<vmem_shared>> -> memref<10112x128xf32, #tpu.memory_space<vmem_shared>>
        tpu.enqueue_indirect_dma source(%arg8 : memref<200x128xf32, #tpu.memory_space<vmem>>) target(%dma_start3A_26 : memref<10112x128xf32, #tpu.memory_space<vmem_shared>>) offsets(%arg7 : memref<200xi32, #tpu.memory_space<vmem>>) semaphore(%run_scoped3A : memref<!tpu.dma_semaphore, #tpu.memory_space<semaphore_mem>>) {add = true}
        %dma_wait3A = arith.constant 0 : i32
        %dma_wait3A_27 = arith.constant 0 : i32
        %dma_wait3A_28 = tpu.memref_slice %arg6[%dma_wait3A, %dma_wait3A_27] : memref<10112x128xf32, #tpu.memory_space<vmem_shared>> -> memref<10112x128xf32, #tpu.memory_space<vmem_shared>>
        tpu.wait_indirect_dma semaphore(%run_scoped3A : memref<!tpu.dma_semaphore, #tpu.memory_space<semaphore_mem>>) src(%arg8 : memref<200x128xf32, #tpu.memory_space<vmem>>) dst(%dma_wait3A_28 : memref<10112x128xf32, #tpu.memory_space<vmem_shared>>)
        tpu.yield
      }) : () -> ()
    }
    %scan3A_6 = arith.constant 50 : i32
    %barrier3A_7 = arith.constant 0 : index
    tpu.barrier barrier_id(%barrier3A_7)
    %mul3A_8 = arith.constant 632 : i32
    %mul3A_9 = arith.muli %arg1, %mul3A_8 : i32
    %mul3A_10 = arith.constant 632 : i32
    %mul3A_11 = arith.muli %arg1, %mul3A_10 : i32
    %mul3A_12 = arith.constant 128 : i32
    %mul3A_13 = arith.muli %arg0, %mul3A_12 : i32
    "tpu.region"() ({
      %run_scoped3A = tpu.sem_alloc : memref<!tpu.dma_semaphore, #tpu.memory_space<semaphore_mem>>
      %dma_start3A = tpu.memref_slice %arg5[%mul3A_11, %mul3A_13] : memref<10112x256xf32, #tpu.memory_space<hbm>> -> memref<632x128xf32, #tpu.memory_space<hbm>>
      %dma_start3A_14 = arith.constant 0 : i32
      %dma_start3A_15 = tpu.memref_slice %arg6[%mul3A_9, %dma_start3A_14] : memref<10112x128xf32, #tpu.memory_space<vmem_shared>> -> memref<632x128xf32, #tpu.memory_space<vmem_shared>>
      tpu.enqueue_dma source(%dma_start3A_15 : memref<632x128xf32, #tpu.memory_space<vmem_shared>>) target(%dma_start3A : memref<632x128xf32, #tpu.memory_space<hbm>>) target_semaphore(%run_scoped3A : memref<!tpu.dma_semaphore, #tpu.memory_space<semaphore_mem>>)
      %dma_wait3A = tpu.memref_slice %arg5[%mul3A_11, %mul3A_13] : memref<10112x256xf32, #tpu.memory_space<hbm>> -> memref<632x128xf32, #tpu.memory_space<hbm>>
      %dma_wait3A_16 = arith.constant 0 : i32
      %dma_wait3A_17 = tpu.memref_slice %arg6[%mul3A_9, %dma_wait3A_16] : memref<10112x128xf32, #tpu.memory_space<vmem_shared>> -> memref<632x128xf32, #tpu.memory_space<vmem_shared>>
      tpu.wait_dma2 semaphore(%run_scoped3A : memref<!tpu.dma_semaphore, #tpu.memory_space<semaphore_mem>>) src(%dma_wait3A_17 : memref<632x128xf32, #tpu.memory_space<vmem_shared>>) dst(%dma_wait3A : memref<632x128xf32, #tpu.memory_space<hbm>>)
      tpu.yield
    }) : () -> ()
    return
  }
}

#map = affine_map<(d0, d1) -> (0, 0)>
#map1 = affine_map<(d0, d1) -> (0)>
module attributes {stable_mosaic.version = 14 : i64} {
  func.func @sk(%arg0: i32, %arg1: i32, %arg2: memref<160000x256xf32, #tpu.memory_space<hbm>>, %arg3: memref<160000xi32, #tpu.memory_space<hbm>>, %arg4: memref<10112x128xf32, #tpu.memory_space<hbm>>, %arg5: memref<10112x256xf32, #tpu.memory_space<hbm>>, %arg6: memref<10112x128xf32, #tpu.memory_space<vmem_shared>>, %arg7: memref<200xi32, #tpu.memory_space<vmem>>, %arg8: memref<200x128xf32, #tpu.memory_space<vmem>>) attributes {dimension_semantics = [#tpu.dimension_semantics<core_parallel>, #tpu.dimension_semantics<subcore_parallel>], iteration_bounds = array<i64: 2, 16>, scalar_prefetch = 0 : i64, scratch_operands = 3 : i64, tpu.core_type = #tpu.core_type<sc_vector_subcore>, window_params = [{transform_indices = #map}, {transform_indices = #map1}, {transform_indices = #map}, {transform_indices = #map}]} {
    %mul3A = arith.constant 632 : i32
    %mul3A_0 = arith.muli %arg1, %mul3A : i32
    %mul3A_1 = arith.constant 632 : i32
    %mul3A_2 = arith.muli %arg1, %mul3A_1 : i32
    "tpu.region"() ({
      %run_scoped3A = tpu.sem_alloc : memref<!tpu.dma_semaphore, #tpu.memory_space<semaphore_mem>>
      %dma_start3A = arith.constant 0 : i32
      %dma_start3A_14 = tpu.memref_slice %arg6[%mul3A_2, %dma_start3A] : memref<10112x128xf32, #tpu.memory_space<vmem_shared>> -> memref<632x128xf32, #tpu.memory_space<vmem_shared>>
      %dma_start3A_15 = arith.constant 0 : i32
      %dma_start3A_16 = tpu.memref_slice %arg4[%mul3A_0, %dma_start3A_15] : memref<10112x128xf32, #tpu.memory_space<hbm>> -> memref<632x128xf32, #tpu.memory_space<hbm>>
      tpu.enqueue_dma source(%dma_start3A_16 : memref<632x128xf32, #tpu.memory_space<hbm>>) target(%dma_start3A_14 : memref<632x128xf32, #tpu.memory_space<vmem_shared>>) target_semaphore(%run_scoped3A : memref<!tpu.dma_semaphore, #tpu.memory_space<semaphore_mem>>)
      %dma_wait3A = arith.constant 0 : i32
      %dma_wait3A_17 = tpu.memref_slice %arg6[%mul3A_2, %dma_wait3A] : memref<10112x128xf32, #tpu.memory_space<vmem_shared>> -> memref<632x128xf32, #tpu.memory_space<vmem_shared>>
      %dma_wait3A_18 = arith.constant 0 : i32
      %dma_wait3A_19 = tpu.memref_slice %arg4[%mul3A_0, %dma_wait3A_18] : memref<10112x128xf32, #tpu.memory_space<hbm>> -> memref<632x128xf32, #tpu.memory_space<hbm>>
      tpu.wait_dma2 semaphore(%run_scoped3A : memref<!tpu.dma_semaphore, #tpu.memory_space<semaphore_mem>>) src(%dma_wait3A_19 : memref<632x128xf32, #tpu.memory_space<hbm>>) dst(%dma_wait3A_17 : memref<632x128xf32, #tpu.memory_space<vmem_shared>>)
      tpu.yield
    }) : () -> ()
    %barrier3A = arith.constant 0 : index
    tpu.barrier barrier_id(%barrier3A)
    %scan3A = arith.constant 0 : i32
    %scan3A_3 = arith.constant 50 : i32
    %scan3A_4 = arith.addi %scan3A, %scan3A_3 : i32
    %scan3A_5 = arith.constant 1 : i32
    scf.for %scan3A_14 = %scan3A to %scan3A_4 step %scan3A_5  : i32 {
      %mul3A_15 = arith.constant 1 : i32
      %mul3A_16 = arith.muli %scan3A_14, %mul3A_15 : i32
      %add3A = arith.constant 0 : i32
      %add3A_17 = arith.addi %add3A, %mul3A_16 : i32
      %mul3A_18 = arith.constant 10000 : i32
      %mul3A_19 = arith.muli %arg1, %mul3A_18 : i32
      %mul3A_20 = arith.constant 200 : i32
      %mul3A_21 = arith.muli %add3A_17, %mul3A_20 : i32
      %add3A_22 = arith.addi %mul3A_19, %mul3A_21 : i32
      "tpu.region"() ({
        %run_scoped3A = tpu.sem_alloc : memref<!tpu.dma_semaphore, #tpu.memory_space<semaphore_mem>>
        %dma_start3A = tpu.memref_slice %arg3[%add3A_22] : memref<160000xi32, #tpu.memory_space<hbm>> -> memref<200xi32, #tpu.memory_space<hbm>>
        %dma_start3A_25 = tpu.memref_slice %arg3[%add3A_22] : memref<160000xi32, #tpu.memory_space<hbm>> -> memref<200xi32, #tpu.memory_space<hbm>>
        tpu.enqueue_dma source(%dma_start3A_25 : memref<200xi32, #tpu.memory_space<hbm>>) target(%arg7 : memref<200xi32, #tpu.memory_space<vmem>>) target_semaphore(%run_scoped3A : memref<!tpu.dma_semaphore, #tpu.memory_space<semaphore_mem>>)
        %dma_wait3A = tpu.memref_slice %arg3[%add3A_22] : memref<160000xi32, #tpu.memory_space<hbm>> -> memref<200xi32, #tpu.memory_space<hbm>>
        %dma_wait3A_26 = tpu.memref_slice %arg3[%add3A_22] : memref<160000xi32, #tpu.memory_space<hbm>> -> memref<200xi32, #tpu.memory_space<hbm>>
        tpu.wait_dma2 semaphore(%run_scoped3A : memref<!tpu.dma_semaphore, #tpu.memory_space<semaphore_mem>>) src(%dma_wait3A_26 : memref<200xi32, #tpu.memory_space<hbm>>) dst(%arg7 : memref<200xi32, #tpu.memory_space<vmem>>)
        tpu.yield
      }) : () -> ()
      %mul3A_23 = arith.constant 128 : i32
      %mul3A_24 = arith.muli %arg0, %mul3A_23 : i32
      "tpu.region"() ({
        %run_scoped3A = tpu.sem_alloc : memref<!tpu.dma_semaphore, #tpu.memory_space<semaphore_mem>>
        %dma_start3A = tpu.memref_slice %arg2[%add3A_22, %mul3A_24] : memref<160000x256xf32, #tpu.memory_space<hbm>> -> memref<200x128xf32, #tpu.memory_space<hbm>>
        %dma_start3A_25 = tpu.memref_slice %arg2[%add3A_22, %mul3A_24] : memref<160000x256xf32, #tpu.memory_space<hbm>> -> memref<200x128xf32, #tpu.memory_space<hbm>>
        tpu.enqueue_dma source(%dma_start3A_25 : memref<200x128xf32, #tpu.memory_space<hbm>>) target(%arg8 : memref<200x128xf32, #tpu.memory_space<vmem>>) target_semaphore(%run_scoped3A : memref<!tpu.dma_semaphore, #tpu.memory_space<semaphore_mem>>)
        %dma_wait3A = tpu.memref_slice %arg2[%add3A_22, %mul3A_24] : memref<160000x256xf32, #tpu.memory_space<hbm>> -> memref<200x128xf32, #tpu.memory_space<hbm>>
        %dma_wait3A_26 = tpu.memref_slice %arg2[%add3A_22, %mul3A_24] : memref<160000x256xf32, #tpu.memory_space<hbm>> -> memref<200x128xf32, #tpu.memory_space<hbm>>
        tpu.wait_dma2 semaphore(%run_scoped3A : memref<!tpu.dma_semaphore, #tpu.memory_space<semaphore_mem>>) src(%dma_wait3A_26 : memref<200x128xf32, #tpu.memory_space<hbm>>) dst(%arg8 : memref<200x128xf32, #tpu.memory_space<vmem>>)
        tpu.yield
      }) : () -> ()
      "tpu.region"() ({
        %run_scoped3A = tpu.sem_alloc : memref<!tpu.dma_semaphore, #tpu.memory_space<semaphore_mem>>
        %dma_start3A = arith.constant 0 : i32
        %dma_start3A_25 = arith.constant 0 : i32
        %dma_start3A_26 = tpu.memref_slice %arg6[%dma_start3A, %dma_start3A_25] : memref<10112x128xf32, #tpu.memory_space<vmem_shared>> -> memref<10112x128xf32, #tpu.memory_space<vmem_shared>>
        tpu.enqueue_indirect_dma source(%arg8 : memref<200x128xf32, #tpu.memory_space<vmem>>) target(%dma_start3A_26 : memref<10112x128xf32, #tpu.memory_space<vmem_shared>>) offsets(%arg7 : memref<200xi32, #tpu.memory_space<vmem>>) semaphore(%run_scoped3A : memref<!tpu.dma_semaphore, #tpu.memory_space<semaphore_mem>>) {add = true}
        %dma_wait3A = arith.constant 0 : i32
        %dma_wait3A_27 = arith.constant 0 : i32
        %dma_wait3A_28 = tpu.memref_slice %arg6[%dma_wait3A, %dma_wait3A_27] : memref<10112x128xf32, #tpu.memory_space<vmem_shared>> -> memref<10112x128xf32, #tpu.memory_space<vmem_shared>>
        tpu.wait_indirect_dma semaphore(%run_scoped3A : memref<!tpu.dma_semaphore, #tpu.memory_space<semaphore_mem>>) src(%arg8 : memref<200x128xf32, #tpu.memory_space<vmem>>) dst(%dma_wait3A_28 : memref<10112x128xf32, #tpu.memory_space<vmem_shared>>)
        tpu.yield
      }) : () -> ()
    }
    %scan3A_6 = arith.constant 50 : i32
    %barrier3A_7 = arith.constant 0 : index
    tpu.barrier barrier_id(%barrier3A_7)
    %mul3A_8 = arith.constant 632 : i32
    %mul3A_9 = arith.muli %arg1, %mul3A_8 : i32
    %mul3A_10 = arith.constant 632 : i32
    %mul3A_11 = arith.muli %arg1, %mul3A_10 : i32
    %mul3A_12 = arith.constant 128 : i32
    %mul3A_13 = arith.muli %arg0, %mul3A_12 : i32
    "tpu.region"() ({
      %run_scoped3A = tpu.sem_alloc : memref<!tpu.dma_semaphore, #tpu.memory_space<semaphore_mem>>
      %dma_start3A = tpu.memref_slice %arg5[%mul3A_11, %mul3A_13] : memref<10112x256xf32, #tpu.memory_space<hbm>> -> memref<632x128xf32, #tpu.memory_space<hbm>>
      %dma_start3A_14 = arith.constant 0 : i32
      %dma_start3A_15 = tpu.memref_slice %arg6[%mul3A_9, %dma_start3A_14] : memref<10112x128xf32, #tpu.memory_space<vmem_shared>> -> memref<632x128xf32, #tpu.memory_space<vmem_shared>>
      tpu.enqueue_dma source(%dma_start3A_15 : memref<632x128xf32, #tpu.memory_space<vmem_shared>>) target(%dma_start3A : memref<632x128xf32, #tpu.memory_space<hbm>>) target_semaphore(%run_scoped3A : memref<!tpu.dma_semaphore, #tpu.memory_space<semaphore_mem>>)
      %dma_wait3A = tpu.memref_slice %arg5[%mul3A_11, %mul3A_13] : memref<10112x256xf32, #tpu.memory_space<hbm>> -> memref<632x128xf32, #tpu.memory_space<hbm>>
      %dma_wait3A_16 = arith.constant 0 : i32
      %dma_wait3A_17 = tpu.memref_slice %arg6[%mul3A_9, %dma_wait3A_16] : memref<10112x128xf32, #tpu.memory_space<vmem_shared>> -> memref<632x128xf32, #tpu.memory_space<vmem_shared>>
      tpu.wait_dma2 semaphore(%run_scoped3A : memref<!tpu.dma_semaphore, #tpu.memory_space<semaphore_mem>>) src(%dma_wait3A_17 : memref<632x128xf32, #tpu.memory_space<vmem_shared>>) dst(%dma_wait3A : memref<632x128xf32, #tpu.memory_space<hbm>>)
      tpu.yield
    }) : () -> ()
    return
  }
}

#map = affine_map<(d0, d1) -> (0, 0)>
#map1 = affine_map<(d0, d1) -> (0)>
module attributes {stable_mosaic.version = 14 : i64} {
  func.func @gk(%arg0: i32, %arg1: i32, %arg2: memref<10000x256xf32, #tpu.memory_space<hbm>>, %arg3: memref<160000xi32, #tpu.memory_space<hbm>>, %arg4: memref<160000x256xf32, #tpu.memory_space<hbm>>, %arg5: memref<200xi32, #tpu.memory_space<vmem>>, %arg6: memref<200x256xf32, #tpu.memory_space<vmem>>, %arg7: memref<!tpu.dma_semaphore, #tpu.memory_space<semaphore_mem>>) attributes {dimension_semantics = [#tpu.dimension_semantics<core_parallel>, #tpu.dimension_semantics<subcore_parallel>], iteration_bounds = array<i64: 2, 16>, scalar_prefetch = 0 : i64, scratch_operands = 3 : i64, tpu.core_type = #tpu.core_type<sc_vector_subcore>, window_params = [{transform_indices = #map}, {transform_indices = #map1}, {transform_indices = #map}]} {
    %mul3A = arith.constant 2 : i32
    %mul3A_0 = arith.muli %arg1, %mul3A : i32
    %add3A = arith.addi %mul3A_0, %arg0 : i32
    %mul3A_1 = arith.constant 5000 : i32
    %mul3A_2 = arith.muli %add3A, %mul3A_1 : i32
    %scan3A = arith.constant 0 : i32
    %scan3A_3 = arith.constant 25 : i32
    %scan3A_4 = arith.addi %scan3A, %scan3A_3 : i32
    %scan3A_5 = arith.constant 1 : i32
    scf.for %scan3A_7 = %scan3A to %scan3A_4 step %scan3A_5  : i32 {
      %mul3A_8 = arith.constant 1 : i32
      %mul3A_9 = arith.muli %scan3A_7, %mul3A_8 : i32
      %add3A_10 = arith.constant 0 : i32
      %add3A_11 = arith.addi %add3A_10, %mul3A_9 : i32
      %mul3A_12 = arith.constant 200 : i32
      %mul3A_13 = arith.muli %add3A_11, %mul3A_12 : i32
      %add3A_14 = arith.addi %mul3A_2, %mul3A_13 : i32
      "tpu.region"() ({
        %run_scoped3A = tpu.sem_alloc : memref<!tpu.dma_semaphore, #tpu.memory_space<semaphore_mem>>
        %dma_start3A_19 = tpu.memref_slice %arg3[%add3A_14] : memref<160000xi32, #tpu.memory_space<hbm>> -> memref<200xi32, #tpu.memory_space<hbm>>
        %dma_start3A_20 = tpu.memref_slice %arg3[%add3A_14] : memref<160000xi32, #tpu.memory_space<hbm>> -> memref<200xi32, #tpu.memory_space<hbm>>
        tpu.enqueue_dma source(%dma_start3A_20 : memref<200xi32, #tpu.memory_space<hbm>>) target(%arg5 : memref<200xi32, #tpu.memory_space<vmem>>) target_semaphore(%run_scoped3A : memref<!tpu.dma_semaphore, #tpu.memory_space<semaphore_mem>>)
        %dma_wait3A_21 = tpu.memref_slice %arg3[%add3A_14] : memref<160000xi32, #tpu.memory_space<hbm>> -> memref<200xi32, #tpu.memory_space<hbm>>
        %dma_wait3A_22 = tpu.memref_slice %arg3[%add3A_14] : memref<160000xi32, #tpu.memory_space<hbm>> -> memref<200xi32, #tpu.memory_space<hbm>>
        tpu.wait_dma2 semaphore(%run_scoped3A : memref<!tpu.dma_semaphore, #tpu.memory_space<semaphore_mem>>) src(%dma_wait3A_22 : memref<200xi32, #tpu.memory_space<hbm>>) dst(%arg5 : memref<200xi32, #tpu.memory_space<vmem>>)
        tpu.yield
      }) : () -> ()
      %dma_start3A = arith.constant 0 : i32
      %dma_start3A_15 = arith.constant 0 : i32
      %dma_start3A_16 = tpu.memref_slice %arg2[%dma_start3A, %dma_start3A_15] : memref<10000x256xf32, #tpu.memory_space<hbm>> -> memref<10000x256xf32, #tpu.memory_space<hbm>>
      tpu.enqueue_indirect_dma source(%dma_start3A_16 : memref<10000x256xf32, #tpu.memory_space<hbm>>) target(%arg6 : memref<200x256xf32, #tpu.memory_space<vmem>>) offsets(%arg5 : memref<200xi32, #tpu.memory_space<vmem>>) semaphore(%arg7 : memref<!tpu.dma_semaphore, #tpu.memory_space<semaphore_mem>>)
      %dma_wait3A = arith.constant 0 : i32
      %dma_wait3A_17 = arith.constant 0 : i32
      %dma_wait3A_18 = tpu.memref_slice %arg2[%dma_wait3A, %dma_wait3A_17] : memref<10000x256xf32, #tpu.memory_space<hbm>> -> memref<10000x256xf32, #tpu.memory_space<hbm>>
      tpu.wait_indirect_dma semaphore(%arg7 : memref<!tpu.dma_semaphore, #tpu.memory_space<semaphore_mem>>) src(%dma_wait3A_18 : memref<10000x256xf32, #tpu.memory_space<hbm>>) dst(%arg6 : memref<200x256xf32, #tpu.memory_space<vmem>>)
      "tpu.region"() ({
        %run_scoped3A = tpu.sem_alloc : memref<!tpu.dma_semaphore, #tpu.memory_space<semaphore_mem>>
        %dma_start3A_19 = arith.constant 0 : i32
        %dma_start3A_20 = tpu.memref_slice %arg4[%add3A_14, %dma_start3A_19] : memref<160000x256xf32, #tpu.memory_space<hbm>> -> memref<200x256xf32, #tpu.memory_space<hbm>>
        %dma_start3A_21 = arith.constant 0 : i32
        %dma_start3A_22 = tpu.memref_slice %arg4[%add3A_14, %dma_start3A_21] : memref<160000x256xf32, #tpu.memory_space<hbm>> -> memref<200x256xf32, #tpu.memory_space<hbm>>
        tpu.enqueue_dma source(%arg6 : memref<200x256xf32, #tpu.memory_space<vmem>>) target(%dma_start3A_22 : memref<200x256xf32, #tpu.memory_space<hbm>>) target_semaphore(%run_scoped3A : memref<!tpu.dma_semaphore, #tpu.memory_space<semaphore_mem>>)
        %dma_wait3A_23 = arith.constant 0 : i32
        %dma_wait3A_24 = tpu.memref_slice %arg4[%add3A_14, %dma_wait3A_23] : memref<160000x256xf32, #tpu.memory_space<hbm>> -> memref<200x256xf32, #tpu.memory_space<hbm>>
        %dma_wait3A_25 = arith.constant 0 : i32
        %dma_wait3A_26 = tpu.memref_slice %arg4[%add3A_14, %dma_wait3A_25] : memref<160000x256xf32, #tpu.memory_space<hbm>> -> memref<200x256xf32, #tpu.memory_space<hbm>>
        tpu.wait_dma2 semaphore(%run_scoped3A : memref<!tpu.dma_semaphore, #tpu.memory_space<semaphore_mem>>) src(%arg6 : memref<200x256xf32, #tpu.memory_space<vmem>>) dst(%dma_wait3A_26 : memref<200x256xf32, #tpu.memory_space<hbm>>)
        tpu.yield
      }) : () -> ()
    }
    %scan3A_6 = arith.constant 25 : i32
    return
  }
}

#map = affine_map<(d0, d1) -> (0, 0)>
#map1 = affine_map<(d0, d1) -> (0)>
module attributes {stable_mosaic.version = 14 : i64} {
  func.func @sk(%arg0: i32, %arg1: i32, %arg2: memref<160000x256xf32, #tpu.memory_space<hbm>>, %arg3: memref<160000xi32, #tpu.memory_space<hbm>>, %arg4: memref<10112x128xf32, #tpu.memory_space<hbm>>, %arg5: memref<10112x256xf32, #tpu.memory_space<hbm>>, %arg6: memref<10112x128xf32, #tpu.memory_space<vmem_shared>>, %arg7: memref<200xi32, #tpu.memory_space<vmem>>, %arg8: memref<200x128xf32, #tpu.memory_space<vmem>>) attributes {dimension_semantics = [#tpu.dimension_semantics<core_parallel>, #tpu.dimension_semantics<subcore_parallel>], iteration_bounds = array<i64: 2, 16>, scalar_prefetch = 0 : i64, scratch_operands = 3 : i64, tpu.core_type = #tpu.core_type<sc_vector_subcore>, window_params = [{transform_indices = #map}, {transform_indices = #map1}, {transform_indices = #map}, {transform_indices = #map}]} {
    %mul3A = arith.constant 632 : i32
    %mul3A_0 = arith.muli %arg1, %mul3A : i32
    %mul3A_1 = arith.constant 632 : i32
    %mul3A_2 = arith.muli %arg1, %mul3A_1 : i32
    "tpu.region"() ({
      %run_scoped3A = tpu.sem_alloc : memref<!tpu.dma_semaphore, #tpu.memory_space<semaphore_mem>>
      %dma_start3A = arith.constant 0 : i32
      %dma_start3A_14 = tpu.memref_slice %arg6[%mul3A_2, %dma_start3A] : memref<10112x128xf32, #tpu.memory_space<vmem_shared>> -> memref<632x128xf32, #tpu.memory_space<vmem_shared>>
      %dma_start3A_15 = arith.constant 0 : i32
      %dma_start3A_16 = tpu.memref_slice %arg4[%mul3A_0, %dma_start3A_15] : memref<10112x128xf32, #tpu.memory_space<hbm>> -> memref<632x128xf32, #tpu.memory_space<hbm>>
      tpu.enqueue_dma source(%dma_start3A_16 : memref<632x128xf32, #tpu.memory_space<hbm>>) target(%dma_start3A_14 : memref<632x128xf32, #tpu.memory_space<vmem_shared>>) target_semaphore(%run_scoped3A : memref<!tpu.dma_semaphore, #tpu.memory_space<semaphore_mem>>)
      %dma_wait3A = arith.constant 0 : i32
      %dma_wait3A_17 = tpu.memref_slice %arg6[%mul3A_2, %dma_wait3A] : memref<10112x128xf32, #tpu.memory_space<vmem_shared>> -> memref<632x128xf32, #tpu.memory_space<vmem_shared>>
      %dma_wait3A_18 = arith.constant 0 : i32
      %dma_wait3A_19 = tpu.memref_slice %arg4[%mul3A_0, %dma_wait3A_18] : memref<10112x128xf32, #tpu.memory_space<hbm>> -> memref<632x128xf32, #tpu.memory_space<hbm>>
      tpu.wait_dma2 semaphore(%run_scoped3A : memref<!tpu.dma_semaphore, #tpu.memory_space<semaphore_mem>>) src(%dma_wait3A_19 : memref<632x128xf32, #tpu.memory_space<hbm>>) dst(%dma_wait3A_17 : memref<632x128xf32, #tpu.memory_space<vmem_shared>>)
      tpu.yield
    }) : () -> ()
    %barrier3A = arith.constant 0 : index
    tpu.barrier barrier_id(%barrier3A)
    %scan3A = arith.constant 0 : i32
    %scan3A_3 = arith.constant 50 : i32
    %scan3A_4 = arith.addi %scan3A, %scan3A_3 : i32
    %scan3A_5 = arith.constant 1 : i32
    scf.for %scan3A_14 = %scan3A to %scan3A_4 step %scan3A_5  : i32 {
      %mul3A_15 = arith.constant 1 : i32
      %mul3A_16 = arith.muli %scan3A_14, %mul3A_15 : i32
      %add3A = arith.constant 0 : i32
      %add3A_17 = arith.addi %add3A, %mul3A_16 : i32
      %mul3A_18 = arith.constant 10000 : i32
      %mul3A_19 = arith.muli %arg1, %mul3A_18 : i32
      %mul3A_20 = arith.constant 200 : i32
      %mul3A_21 = arith.muli %add3A_17, %mul3A_20 : i32
      %add3A_22 = arith.addi %mul3A_19, %mul3A_21 : i32
      "tpu.region"() ({
        %run_scoped3A = tpu.sem_alloc : memref<!tpu.dma_semaphore, #tpu.memory_space<semaphore_mem>>
        %dma_start3A = tpu.memref_slice %arg3[%add3A_22] : memref<160000xi32, #tpu.memory_space<hbm>> -> memref<200xi32, #tpu.memory_space<hbm>>
        %dma_start3A_25 = tpu.memref_slice %arg3[%add3A_22] : memref<160000xi32, #tpu.memory_space<hbm>> -> memref<200xi32, #tpu.memory_space<hbm>>
        tpu.enqueue_dma source(%dma_start3A_25 : memref<200xi32, #tpu.memory_space<hbm>>) target(%arg7 : memref<200xi32, #tpu.memory_space<vmem>>) target_semaphore(%run_scoped3A : memref<!tpu.dma_semaphore, #tpu.memory_space<semaphore_mem>>)
        %dma_wait3A = tpu.memref_slice %arg3[%add3A_22] : memref<160000xi32, #tpu.memory_space<hbm>> -> memref<200xi32, #tpu.memory_space<hbm>>
        %dma_wait3A_26 = tpu.memref_slice %arg3[%add3A_22] : memref<160000xi32, #tpu.memory_space<hbm>> -> memref<200xi32, #tpu.memory_space<hbm>>
        tpu.wait_dma2 semaphore(%run_scoped3A : memref<!tpu.dma_semaphore, #tpu.memory_space<semaphore_mem>>) src(%dma_wait3A_26 : memref<200xi32, #tpu.memory_space<hbm>>) dst(%arg7 : memref<200xi32, #tpu.memory_space<vmem>>)
        tpu.yield
      }) : () -> ()
      %mul3A_23 = arith.constant 128 : i32
      %mul3A_24 = arith.muli %arg0, %mul3A_23 : i32
      "tpu.region"() ({
        %run_scoped3A = tpu.sem_alloc : memref<!tpu.dma_semaphore, #tpu.memory_space<semaphore_mem>>
        %dma_start3A = tpu.memref_slice %arg2[%add3A_22, %mul3A_24] : memref<160000x256xf32, #tpu.memory_space<hbm>> -> memref<200x128xf32, #tpu.memory_space<hbm>>
        %dma_start3A_25 = tpu.memref_slice %arg2[%add3A_22, %mul3A_24] : memref<160000x256xf32, #tpu.memory_space<hbm>> -> memref<200x128xf32, #tpu.memory_space<hbm>>
        tpu.enqueue_dma source(%dma_start3A_25 : memref<200x128xf32, #tpu.memory_space<hbm>>) target(%arg8 : memref<200x128xf32, #tpu.memory_space<vmem>>) target_semaphore(%run_scoped3A : memref<!tpu.dma_semaphore, #tpu.memory_space<semaphore_mem>>)
        %dma_wait3A = tpu.memref_slice %arg2[%add3A_22, %mul3A_24] : memref<160000x256xf32, #tpu.memory_space<hbm>> -> memref<200x128xf32, #tpu.memory_space<hbm>>
        %dma_wait3A_26 = tpu.memref_slice %arg2[%add3A_22, %mul3A_24] : memref<160000x256xf32, #tpu.memory_space<hbm>> -> memref<200x128xf32, #tpu.memory_space<hbm>>
        tpu.wait_dma2 semaphore(%run_scoped3A : memref<!tpu.dma_semaphore, #tpu.memory_space<semaphore_mem>>) src(%dma_wait3A_26 : memref<200x128xf32, #tpu.memory_space<hbm>>) dst(%arg8 : memref<200x128xf32, #tpu.memory_space<vmem>>)
        tpu.yield
      }) : () -> ()
      "tpu.region"() ({
        %run_scoped3A = tpu.sem_alloc : memref<!tpu.dma_semaphore, #tpu.memory_space<semaphore_mem>>
        %dma_start3A = arith.constant 0 : i32
        %dma_start3A_25 = arith.constant 0 : i32
        %dma_start3A_26 = tpu.memref_slice %arg6[%dma_start3A, %dma_start3A_25] : memref<10112x128xf32, #tpu.memory_space<vmem_shared>> -> memref<10112x128xf32, #tpu.memory_space<vmem_shared>>
        tpu.enqueue_indirect_dma source(%arg8 : memref<200x128xf32, #tpu.memory_space<vmem>>) target(%dma_start3A_26 : memref<10112x128xf32, #tpu.memory_space<vmem_shared>>) offsets(%arg7 : memref<200xi32, #tpu.memory_space<vmem>>) semaphore(%run_scoped3A : memref<!tpu.dma_semaphore, #tpu.memory_space<semaphore_mem>>) {add = true}
        %dma_wait3A = arith.constant 0 : i32
        %dma_wait3A_27 = arith.constant 0 : i32
        %dma_wait3A_28 = tpu.memref_slice %arg6[%dma_wait3A, %dma_wait3A_27] : memref<10112x128xf32, #tpu.memory_space<vmem_shared>> -> memref<10112x128xf32, #tpu.memory_space<vmem_shared>>
        tpu.wait_indirect_dma semaphore(%run_scoped3A : memref<!tpu.dma_semaphore, #tpu.memory_space<semaphore_mem>>) src(%arg8 : memref<200x128xf32, #tpu.memory_space<vmem>>) dst(%dma_wait3A_28 : memref<10112x128xf32, #tpu.memory_space<vmem_shared>>)
        tpu.yield
      }) : () -> ()
    }
    %scan3A_6 = arith.constant 50 : i32
    %barrier3A_7 = arith.constant 0 : index
    tpu.barrier barrier_id(%barrier3A_7)
    %mul3A_8 = arith.constant 632 : i32
    %mul3A_9 = arith.muli %arg1, %mul3A_8 : i32
    %mul3A_10 = arith.constant 632 : i32
    %mul3A_11 = arith.muli %arg1, %mul3A_10 : i32
    %mul3A_12 = arith.constant 128 : i32
    %mul3A_13 = arith.muli %arg0, %mul3A_12 : i32
    "tpu.region"() ({
      %run_scoped3A = tpu.sem_alloc : memref<!tpu.dma_semaphore, #tpu.memory_space<semaphore_mem>>
      %dma_start3A = tpu.memref_slice %arg5[%mul3A_11, %mul3A_13] : memref<10112x256xf32, #tpu.memory_space<hbm>> -> memref<632x128xf32, #tpu.memory_space<hbm>>
      %dma_start3A_14 = arith.constant 0 : i32
      %dma_start3A_15 = tpu.memref_slice %arg6[%mul3A_9, %dma_start3A_14] : memref<10112x128xf32, #tpu.memory_space<vmem_shared>> -> memref<632x128xf32, #tpu.memory_space<vmem_shared>>
      tpu.enqueue_dma source(%dma_start3A_15 : memref<632x128xf32, #tpu.memory_space<vmem_shared>>) target(%dma_start3A : memref<632x128xf32, #tpu.memory_space<hbm>>) target_semaphore(%run_scoped3A : memref<!tpu.dma_semaphore, #tpu.memory_space<semaphore_mem>>)
      %dma_wait3A = tpu.memref_slice %arg5[%mul3A_11, %mul3A_13] : memref<10112x256xf32, #tpu.memory_space<hbm>> -> memref<632x128xf32, #tpu.memory_space<hbm>>
      %dma_wait3A_16 = arith.constant 0 : i32
      %dma_wait3A_17 = tpu.memref_slice %arg6[%mul3A_9, %dma_wait3A_16] : memref<10112x128xf32, #tpu.memory_space<vmem_shared>> -> memref<632x128xf32, #tpu.memory_space<vmem_shared>>
      tpu.wait_dma2 semaphore(%run_scoped3A : memref<!tpu.dma_semaphore, #tpu.memory_space<semaphore_mem>>) src(%dma_wait3A_17 : memref<632x128xf32, #tpu.memory_space<vmem_shared>>) dst(%dma_wait3A : memref<632x128xf32, #tpu.memory_space<hbm>>)
      tpu.yield
    }) : () -> ()
    return
  }
}

module attributes {stable_mosaic.version = 14 : i64} {
  func.func @body(%arg0: i32, %arg1: memref<1000x256xf32, #tpu.memory_space<vmem>>, %arg2: memref<256x256xf32, #tpu.memory_space<vmem>>, %arg3: memref<1x256xf32, #tpu.memory_space<vmem>>, %arg4: memref<256x256xf32, #tpu.memory_space<vmem>>, %arg5: memref<1x256xf32, #tpu.memory_space<vmem>>, %arg6: memref<256x256xf32, #tpu.memory_space<vmem>>, %arg7: memref<1x256xf32, #tpu.memory_space<vmem>>, %arg8: memref<1000x256xf32, #tpu.memory_space<vmem>>, %arg9: memref<1000x256xf32, #tpu.memory_space<vmem>>, %arg10: memref<1000x256xf32, #tpu.memory_space<vmem>>) attributes {dimension_semantics = [#tpu.dimension_semantics<arbitrary>], iteration_bounds = array<i64: 10>, scalar_prefetch = 0 : i64, scratch_operands = 0 : i64, tpu.core_type = #tpu.core_type<tc>, window_params = [{transform_indices = @transform_0, window_bounds = array<i64: 1000, 256>}, {pipeline_mode = #tpu.pipeline_mode<synchronous>, transform_indices = @transform_1, window_bounds = array<i64: 256, 256>}, {pipeline_mode = #tpu.pipeline_mode<synchronous>, transform_indices = @transform_2, window_bounds = array<i64: 1, 256>}, {pipeline_mode = #tpu.pipeline_mode<synchronous>, transform_indices = @transform_3, window_bounds = array<i64: 256, 256>}, {pipeline_mode = #tpu.pipeline_mode<synchronous>, transform_indices = @transform_4, window_bounds = array<i64: 1, 256>}, {pipeline_mode = #tpu.pipeline_mode<synchronous>, transform_indices = @transform_5, window_bounds = array<i64: 256, 256>}, {pipeline_mode = #tpu.pipeline_mode<synchronous>, transform_indices = @transform_6, window_bounds = array<i64: 1, 256>}, {transform_indices = @transform_7, window_bounds = array<i64: 1000, 256>}, {transform_indices = @transform_8, window_bounds = array<i64: 1000, 256>}, {transform_indices = @transform_9, window_bounds = array<i64: 1000, 256>}]} {
    %get3A = arith.constant 0 : index
    %get3A_0 = arith.constant 0 : index
    %get3A_1 = vector.load %arg1[%get3A, %get3A_0] : memref<1000x256xf32, #tpu.memory_space<vmem>>, vector<1000x256xf32>
    %get3A_2 = arith.constant 0 : index
    %get3A_3 = arith.constant 0 : index
    %get3A_4 = vector.load %arg2[%get3A_2, %get3A_3] : memref<256x256xf32, #tpu.memory_space<vmem>>, vector<256x256xf32>
    %dot_general3A = arith.constant dense<0.000000e+00> : vector<1000x256xf32>
    %dot_general3A_5 = tpu.matmul %get3A_1, %get3A_4, %dot_general3A {dimension_numbers = #tpu.dot_dimension_numbers<[1], [0], [0], [1], [0, 0, 1, 1], [], []>, transpose_lhs_hint = false} : vector<1000x256xf32>, vector<256x256xf32>, vector<1000x256xf32> -> vector<1000x256xf32>
    %get3A_6 = arith.constant 0 : index
    %get3A_7 = arith.constant 0 : index
    %get3A_8 = vector.load %arg3[%get3A_6, %get3A_7] : memref<1x256xf32, #tpu.memory_space<vmem>>, vector<1x256xf32>
    %add3A = vector.broadcast %get3A_8 : vector<1x256xf32> to vector<1000x256xf32>
    %add3A_9 = arith.addf %dot_general3A_5, %add3A : vector<1000x256xf32>
    %swap3A = arith.constant 0 : index
    %swap3A_10 = arith.constant 0 : index
    %swap3A_11 = vector.load %arg8[%swap3A, %swap3A_10] : memref<1000x256xf32, #tpu.memory_space<vmem>>, vector<1000x256xf32>
    tpu.vector_store %arg8[%swap3A, %swap3A_10], %add3A_9 {strides = array<i32>} : memref<1000x256xf32, #tpu.memory_space<vmem>>, vector<1000x256xf32>,
    %get3A_12 = arith.constant 0 : index
    %get3A_13 = arith.constant 0 : index
    %get3A_14 = vector.load %arg4[%get3A_12, %get3A_13] : memref<256x256xf32, #tpu.memory_space<vmem>>, vector<256x256xf32>
    %dot_general3A_15 = arith.constant dense<0.000000e+00> : vector<1000x256xf32>
    %dot_general3A_16 = tpu.matmul %add3A_9, %get3A_14, %dot_general3A_15 {dimension_numbers = #tpu.dot_dimension_numbers<[1], [0], [0], [1], [0, 0, 1, 1], [], []>, transpose_lhs_hint = false} : vector<1000x256xf32>, vector<256x256xf32>, vector<1000x256xf32> -> vector<1000x256xf32>
    %get3A_17 = arith.constant 0 : index
    %get3A_18 = arith.constant 0 : index
    %get3A_19 = vector.load %arg5[%get3A_17, %get3A_18] : memref<1x256xf32, #tpu.memory_space<vmem>>, vector<1x256xf32>
    %add3A_20 = vector.broadcast %get3A_19 : vector<1x256xf32> to vector<1000x256xf32>
    %add3A_21 = arith.addf %dot_general3A_16, %add3A_20 : vector<1000x256xf32>
    %swap3A_22 = arith.constant 0 : index
    %swap3A_23 = arith.constant 0 : index
    %swap3A_24 = vector.load %arg9[%swap3A_22, %swap3A_23] : memref<1000x256xf32, #tpu.memory_space<vmem>>, vector<1000x256xf32>
    tpu.vector_store %arg9[%swap3A_22, %swap3A_23], %add3A_21 {strides = array<i32>} : memref<1000x256xf32, #tpu.memory_space<vmem>>, vector<1000x256xf32>,
    %get3A_25 = arith.constant 0 : index
    %get3A_26 = arith.constant 0 : index
    %get3A_27 = vector.load %arg6[%get3A_25, %get3A_26] : memref<256x256xf32, #tpu.memory_space<vmem>>, vector<256x256xf32>
    %dot_general3A_28 = arith.constant dense<0.000000e+00> : vector<1000x256xf32>
    %dot_general3A_29 = tpu.matmul %add3A_9, %get3A_27, %dot_general3A_28 {dimension_numbers = #tpu.dot_dimension_numbers<[1], [0], [0], [1], [0, 0, 1, 1], [], []>, transpose_lhs_hint = false} : vector<1000x256xf32>, vector<256x256xf32>, vector<1000x256xf32> -> vector<1000x256xf32>
    %get3A_30 = arith.constant 0 : index
    %get3A_31 = arith.constant 0 : index
    %get3A_32 = vector.load %arg7[%get3A_30, %get3A_31] : memref<1x256xf32, #tpu.memory_space<vmem>>, vector<1x256xf32>
    %add3A_33 = vector.broadcast %get3A_32 : vector<1x256xf32> to vector<1000x256xf32>
    %add3A_34 = arith.addf %dot_general3A_29, %add3A_33 : vector<1000x256xf32>
    %swap3A_35 = arith.constant 0 : index
    %swap3A_36 = arith.constant 0 : index
    %swap3A_37 = vector.load %arg10[%swap3A_35, %swap3A_36] : memref<1000x256xf32, #tpu.memory_space<vmem>>, vector<1000x256xf32>
    tpu.vector_store %arg10[%swap3A_35, %swap3A_36], %add3A_34 {strides = array<i32>} : memref<1000x256xf32, #tpu.memory_space<vmem>>, vector<1000x256xf32>,
    return
  }
  func.func @transform_0(%arg0: i32) -> (i32, i32) {
    %c0_i32 = arith.constant 0 : i32
    %c0_i32_0 = arith.constant 0 : i32
    return %arg0, %c0_i32 : i32, i32
  }
  func.func @transform_1(%arg0: i32) -> (i32, i32) {
    %c0_i32 = arith.constant 0 : i32
    %c0_i32_0 = arith.constant 0 : i32
    %c0_i32_1 = arith.constant 0 : i32
    return %c0_i32, %c0_i32_0 : i32, i32
  }
  func.func @transform_2(%arg0: i32) -> (i32, i32) {
    %c0_i32 = arith.constant 0 : i32
    %c0_i32_0 = arith.constant 0 : i32
    %c0_i32_1 = arith.constant 0 : i32
    return %c0_i32, %c0_i32_0 : i32, i32
  }
  func.func @transform_3(%arg0: i32) -> (i32, i32) {
    %c0_i32 = arith.constant 0 : i32
    %c0_i32_0 = arith.constant 0 : i32
    %c0_i32_1 = arith.constant 0 : i32
    return %c0_i32, %c0_i32_0 : i32, i32
  }
  func.func @transform_4(%arg0: i32) -> (i32, i32) {
    %c0_i32 = arith.constant 0 : i32
    %c0_i32_0 = arith.constant 0 : i32
    %c0_i32_1 = arith.constant 0 : i32
    return %c0_i32, %c0_i32_0 : i32, i32
  }
  func.func @transform_5(%arg0: i32) -> (i32, i32) {
    %c0_i32 = arith.constant 0 : i32
    %c0_i32_0 = arith.constant 0 : i32
    %c0_i32_1 = arith.constant 0 : i32
    return %c0_i32, %c0_i32_0 : i32, i32
  }
  func.func @transform_6(%arg0: i32) -> (i32, i32) {
    %c0_i32 = arith.constant 0 : i32
    %c0_i32_0 = arith.constant 0 : i32
    %c0_i32_1 = arith.constant 0 : i32
    return %c0_i32, %c0_i32_0 : i32, i32
  }
  func.func @transform_7(%arg0: i32) -> (i32, i32) {
    %c0_i32 = arith.constant 0 : i32
    %c0_i32_0 = arith.constant 0 : i32
    return %arg0, %c0_i32 : i32, i32
  }
  func.func @transform_8(%arg0: i32) -> (i32, i32) {
    %c0_i32 = arith.constant 0 : i32
    %c0_i32_0 = arith.constant 0 : i32
    return %arg0, %c0_i32 : i32, i32
  }
  func.func @transform_9(%arg0: i32) -> (i32, i32) {
    %c0_i32 = arith.constant 0 : i32
    %c0_i32_0 = arith.constant 0 : i32
    return %arg0, %c0_i32 : i32, i32
  }
}

module attributes {stable_mosaic.version = 14 : i64} {
  func.func @body(%arg0: i32, %arg1: memref<2000x256xf32, #tpu.memory_space<vmem>>, %arg2: memref<2000x1xf32, #tpu.memory_space<vmem>>, %arg3: memref<1x128xf32, #tpu.memory_space<vmem>>, %arg4: memref<1x128xf32, #tpu.memory_space<vmem>>, %arg5: memref<128x128xf32, #tpu.memory_space<vmem>>, %arg6: memref<1x128xf32, #tpu.memory_space<vmem>>, %arg7: memref<128x256xf32, #tpu.memory_space<vmem>>, %arg8: memref<256x256xf32, #tpu.memory_space<vmem>>, %arg9: memref<1x256xf32, #tpu.memory_space<vmem>>, %arg10: memref<2000x256xf32, #tpu.memory_space<vmem>>) attributes {dimension_semantics = [#tpu.dimension_semantics<arbitrary>], iteration_bounds = array<i64: 80>, scalar_prefetch = 0 : i64, scratch_operands = 0 : i64, tpu.core_type = #tpu.core_type<tc>, window_params = [{transform_indices = @transform_0, window_bounds = array<i64: 2000, 256>}, {transform_indices = @transform_1, window_bounds = array<i64: 2000, 1>}, {pipeline_mode = #tpu.pipeline_mode<synchronous>, transform_indices = @transform_2, window_bounds = array<i64: 1, 128>}, {pipeline_mode = #tpu.pipeline_mode<synchronous>, transform_indices = @transform_3, window_bounds = array<i64: 1, 128>}, {pipeline_mode = #tpu.pipeline_mode<synchronous>, transform_indices = @transform_4, window_bounds = array<i64: 128, 128>}, {pipeline_mode = #tpu.pipeline_mode<synchronous>, transform_indices = @transform_5, window_bounds = array<i64: 1, 128>}, {pipeline_mode = #tpu.pipeline_mode<synchronous>, transform_indices = @transform_6, window_bounds = array<i64: 128, 256>}, {pipeline_mode = #tpu.pipeline_mode<synchronous>, transform_indices = @transform_7, window_bounds = array<i64: 256, 256>}, {pipeline_mode = #tpu.pipeline_mode<synchronous>, transform_indices = @transform_8, window_bounds = array<i64: 1, 256>}, {transform_indices = @transform_9, window_bounds = array<i64: 2000, 256>}]} {
    %get3A = arith.constant 0 : index
    %get3A_0 = arith.constant 0 : index
    %get3A_1 = vector.load %arg2[%get3A, %get3A_0] : memref<2000x1xf32, #tpu.memory_space<vmem>>, vector<2000x1xf32>
    %sqrt3A = math.sqrt %get3A_1 : vector<2000x1xf32>
    %get3A_2 = arith.constant 0 : index
    %get3A_3 = arith.constant 0 : index
    %get3A_4 = vector.load %arg3[%get3A_2, %get3A_3] : memref<1x128xf32, #tpu.memory_space<vmem>>, vector<1x128xf32>
    %mul3A = vector.broadcast %sqrt3A : vector<2000x1xf32> to vector<2000x128xf32>
    %mul3A_5 = vector.broadcast %get3A_4 : vector<1x128xf32> to vector<2000x128xf32>
    %mul3A_6 = arith.mulf %mul3A, %mul3A_5 : vector<2000x128xf32>
    %get3A_7 = arith.constant 0 : index
    %get3A_8 = arith.constant 0 : index
    %get3A_9 = vector.load %arg4[%get3A_7, %get3A_8] : memref<1x128xf32, #tpu.memory_space<vmem>>, vector<1x128xf32>
    %add3A = vector.broadcast %get3A_9 : vector<1x128xf32> to vector<2000x128xf32>
    %add3A_10 = arith.addf %mul3A_6, %add3A : vector<2000x128xf32>
    %logistic3A = arith.negf %add3A_10 : vector<2000x128xf32>
    %logistic3A_11 = math.exp %logistic3A : vector<2000x128xf32>
    %logistic3A_12 = arith.constant 1.000000e+00 : f32
    %logistic3A_13 = vector.broadcast %logistic3A_12 : f32 to vector<2000x128xf32>
    %logistic3A_14 = arith.addf %logistic3A_13, %logistic3A_11 : vector<2000x128xf32>
    %logistic3A_15 = arith.divf %logistic3A_13, %logistic3A_14 : vector<2000x128xf32>
    %mul3A_16 = arith.mulf %add3A_10, %logistic3A_15 : vector<2000x128xf32>
    %get3A_17 = arith.constant 0 : index
    %get3A_18 = arith.constant 0 : index
    %get3A_19 = vector.load %arg5[%get3A_17, %get3A_18] : memref<128x128xf32, #tpu.memory_space<vmem>>, vector<128x128xf32>
    %dot_general3A = arith.constant dense<0.000000e+00> : vector<2000x128xf32>
    %dot_general3A_20 = tpu.matmul %mul3A_16, %get3A_19, %dot_general3A {dimension_numbers = #tpu.dot_dimension_numbers<[1], [0], [0], [1], [0, 0, 1, 1], [], []>, transpose_lhs_hint = false} : vector<2000x128xf32>, vector<128x128xf32>, vector<2000x128xf32> -> vector<2000x128xf32>
    %get3A_21 = arith.constant 0 : index
    %get3A_22 = arith.constant 0 : index
    %get3A_23 = vector.load %arg6[%get3A_21, %get3A_22] : memref<1x128xf32, #tpu.memory_space<vmem>>, vector<1x128xf32>
    %add3A_24 = vector.broadcast %get3A_23 : vector<1x128xf32> to vector<2000x128xf32>
    %add3A_25 = arith.addf %dot_general3A_20, %add3A_24 : vector<2000x128xf32>
    %logistic3A_26 = arith.negf %add3A_25 : vector<2000x128xf32>
    %logistic3A_27 = math.exp %logistic3A_26 : vector<2000x128xf32>
    %logistic3A_28 = arith.constant 1.000000e+00 : f32
    %logistic3A_29 = vector.broadcast %logistic3A_28 : f32 to vector<2000x128xf32>
    %logistic3A_30 = arith.addf %logistic3A_29, %logistic3A_27 : vector<2000x128xf32>
    %logistic3A_31 = arith.divf %logistic3A_29, %logistic3A_30 : vector<2000x128xf32>
    %mul3A_32 = arith.mulf %add3A_25, %logistic3A_31 : vector<2000x128xf32>
    %get3A_33 = arith.constant 0 : index
    %get3A_34 = arith.constant 0 : index
    %get3A_35 = vector.load %arg1[%get3A_33, %get3A_34] : memref<2000x256xf32, #tpu.memory_space<vmem>>, vector<2000x256xf32>
    %get3A_36 = arith.constant 0 : index
    %get3A_37 = arith.constant 0 : index
    %get3A_38 = vector.load %arg7[%get3A_36, %get3A_37] : memref<128x256xf32, #tpu.memory_space<vmem>>, vector<128x256xf32>
    %dot_general3A_39 = arith.constant dense<0.000000e+00> : vector<2000x256xf32>
    %dot_general3A_40 = tpu.matmul %mul3A_32, %get3A_38, %dot_general3A_39 {dimension_numbers = #tpu.dot_dimension_numbers<[1], [0], [0], [1], [0, 0, 1, 1], [], []>, transpose_lhs_hint = false} : vector<2000x128xf32>, vector<128x256xf32>, vector<2000x256xf32> -> vector<2000x256xf32>
    %add3A_41 = arith.addf %get3A_35, %dot_general3A_40 : vector<2000x256xf32>
    %logistic3A_42 = arith.negf %add3A_41 : vector<2000x256xf32>
    %logistic3A_43 = math.exp %logistic3A_42 : vector<2000x256xf32>
    %logistic3A_44 = arith.constant 1.000000e+00 : f32
    %logistic3A_45 = vector.broadcast %logistic3A_44 : f32 to vector<2000x256xf32>
    %logistic3A_46 = arith.addf %logistic3A_45, %logistic3A_43 : vector<2000x256xf32>
    %logistic3A_47 = arith.divf %logistic3A_45, %logistic3A_46 : vector<2000x256xf32>
    %mul3A_48 = arith.mulf %add3A_41, %logistic3A_47 : vector<2000x256xf32>
    %get3A_49 = arith.constant 0 : index
    %get3A_50 = arith.constant 0 : index
    %get3A_51 = vector.load %arg8[%get3A_49, %get3A_50] : memref<256x256xf32, #tpu.memory_space<vmem>>, vector<256x256xf32>
    %dot_general3A_52 = arith.constant dense<0.000000e+00> : vector<2000x256xf32>
    %dot_general3A_53 = tpu.matmul %mul3A_48, %get3A_51, %dot_general3A_52 {dimension_numbers = #tpu.dot_dimension_numbers<[1], [0], [0], [1], [0, 0, 1, 1], [], []>, transpose_lhs_hint = false} : vector<2000x256xf32>, vector<256x256xf32>, vector<2000x256xf32> -> vector<2000x256xf32>
    %get3A_54 = arith.constant 0 : index
    %get3A_55 = arith.constant 0 : index
    %get3A_56 = vector.load %arg9[%get3A_54, %get3A_55] : memref<1x256xf32, #tpu.memory_space<vmem>>, vector<1x256xf32>
    %add3A_57 = vector.broadcast %get3A_56 : vector<1x256xf32> to vector<2000x256xf32>
    %add3A_58 = arith.addf %dot_general3A_53, %add3A_57 : vector<2000x256xf32>
    %logistic3A_59 = arith.negf %add3A_58 : vector<2000x256xf32>
    %logistic3A_60 = math.exp %logistic3A_59 : vector<2000x256xf32>
    %logistic3A_61 = arith.constant 1.000000e+00 : f32
    %logistic3A_62 = vector.broadcast %logistic3A_61 : f32 to vector<2000x256xf32>
    %logistic3A_63 = arith.addf %logistic3A_62, %logistic3A_60 : vector<2000x256xf32>
    %logistic3A_64 = arith.divf %logistic3A_62, %logistic3A_63 : vector<2000x256xf32>
    %mul3A_65 = arith.mulf %add3A_58, %logistic3A_64 : vector<2000x256xf32>
    %mul3A_66 = arith.constant 1.000000e-01 : f32
    %mul3A_67 = vector.broadcast %mul3A_66 : f32 to vector<2000x1xf32>
    %mul3A_68 = arith.mulf %sqrt3A, %mul3A_67 : vector<2000x1xf32>
    %integer_pow3A = arith.mulf %mul3A_68, %mul3A_68 : vector<2000x1xf32>
    %sub3A = arith.constant 1.000000e+00 : f32
    %sub3A_69 = vector.broadcast %sub3A : f32 to vector<2000x1xf32>
    %sub3A_70 = arith.subf %sub3A_69, %integer_pow3A : vector<2000x1xf32>
    %jit3A = arith.constant 0.000000e+00 : f32
    %jit3A_71 = arith.constant 1.000000e+00 : f32
    %max3A = vector.broadcast %jit3A : f32 to vector<2000x1xf32>
    %max3A_72 = arith.maximumf %max3A, %sub3A_70 : vector<2000x1xf32>
    %min3A = vector.broadcast %jit3A_71 : f32 to vector<2000x1xf32>
    %min3A_73 = arith.minimumf %min3A, %max3A_72 : vector<2000x1xf32>
    %lt3A = arith.constant 1.000000e+01 : f32
    %lt3A_74 = vector.broadcast %lt3A : f32 to vector<2000x1xf32>
    %lt3A_75 = arith.cmpf olt, %sqrt3A, %lt3A_74 : vector<2000x1xf32>
    %convert_element_type3A = arith.extui %lt3A_75 : vector<2000x1xi1> to vector<2000x1xi32>
    %convert_element_type3A_76 = arith.sitofp %convert_element_type3A : vector<2000x1xi32> to vector<2000x1xf32>
    %mul3A_77 = arith.mulf %min3A_73, %convert_element_type3A_76 : vector<2000x1xf32>
    %mul3A_78 = vector.broadcast %mul3A_77 : vector<2000x1xf32> to vector<2000x256xf32>
    %mul3A_79 = arith.mulf %mul3A_65, %mul3A_78 : vector<2000x256xf32>
    %swap3A = arith.constant 0 : index
    %swap3A_80 = arith.constant 0 : index
    %swap3A_81 = vector.load %arg10[%swap3A, %swap3A_80] : memref<2000x256xf32, #tpu.memory_space<vmem>>, vector<2000x256xf32>
    tpu.vector_store %arg10[%swap3A, %swap3A_80], %mul3A_79 {strides = array<i32>} : memref<2000x256xf32, #tpu.memory_space<vmem>>, vector<2000x256xf32>,
    return
  }
  func.func @transform_0(%arg0: i32) -> (i32, i32) {
    %c0_i32 = arith.constant 0 : i32
    %c0_i32_0 = arith.constant 0 : i32
    return %arg0, %c0_i32 : i32, i32
  }
  func.func @transform_1(%arg0: i32) -> (i32, i32) {
    %c0_i32 = arith.constant 0 : i32
    %c0_i32_0 = arith.constant 0 : i32
    return %arg0, %c0_i32 : i32, i32
  }
  func.func @transform_2(%arg0: i32) -> (i32, i32) {
    %c0_i32 = arith.constant 0 : i32
    %c0_i32_0 = arith.constant 0 : i32
    %c0_i32_1 = arith.constant 0 : i32
    return %c0_i32, %c0_i32_0 : i32, i32
  }
  func.func @transform_3(%arg0: i32) -> (i32, i32) {
    %c0_i32 = arith.constant 0 : i32
    %c0_i32_0 = arith.constant 0 : i32
    %c0_i32_1 = arith.constant 0 : i32
    return %c0_i32, %c0_i32_0 : i32, i32
  }
  func.func @transform_4(%arg0: i32) -> (i32, i32) {
    %c0_i32 = arith.constant 0 : i32
    %c0_i32_0 = arith.constant 0 : i32
    %c0_i32_1 = arith.constant 0 : i32
    return %c0_i32, %c0_i32_0 : i32, i32
  }
  func.func @transform_5(%arg0: i32) -> (i32, i32) {
    %c0_i32 = arith.constant 0 : i32
    %c0_i32_0 = arith.constant 0 : i32
    %c0_i32_1 = arith.constant 0 : i32
    return %c0_i32, %c0_i32_0 : i32, i32
  }
  func.func @transform_6(%arg0: i32) -> (i32, i32) {
    %c0_i32 = arith.constant 0 : i32
    %c0_i32_0 = arith.constant 0 : i32
    %c0_i32_1 = arith.constant 0 : i32
    return %c0_i32, %c0_i32_0 : i32, i32
  }
  func.func @transform_7(%arg0: i32) -> (i32, i32) {
    %c0_i32 = arith.constant 0 : i32
    %c0_i32_0 = arith.constant 0 : i32
    %c0_i32_1 = arith.constant 0 : i32
    return %c0_i32, %c0_i32_0 : i32, i32
  }
  func.func @transform_8(%arg0: i32) -> (i32, i32) {
    %c0_i32 = arith.constant 0 : i32
    %c0_i32_0 = arith.constant 0 : i32
    %c0_i32_1 = arith.constant 0 : i32
    return %c0_i32, %c0_i32_0 : i32, i32
  }
  func.func @transform_9(%arg0: i32) -> (i32, i32) {
    %c0_i32 = arith.constant 0 : i32
    %c0_i32_0 = arith.constant 0 : i32
    return %arg0, %c0_i32 : i32, i32
  }
}

module attributes {stable_mosaic.version = 14 : i64} {
  func.func @body(%arg0: i32, %arg1: memref<1000x256xf32, #tpu.memory_space<vmem>>, %arg2: memref<1000x256xf32, #tpu.memory_space<vmem>>, %arg3: memref<1000x256xf32, #tpu.memory_space<vmem>>, %arg4: memref<1x1x1000xi32, #tpu.memory_space<vmem>>, %arg5: memref<1000x256xf32, #tpu.memory_space<vmem>>, %arg6: memref<8x128xf32, #tpu.memory_space<vmem>>) attributes {dimension_semantics = [#tpu.dimension_semantics<arbitrary>], iteration_bounds = array<i64: 10>, scalar_prefetch = 0 : i64, scratch_operands = 0 : i64, tpu.core_type = #tpu.core_type<tc>, window_params = [{transform_indices = @transform_0, window_bounds = array<i64: 1000, 256>}, {transform_indices = @transform_1, window_bounds = array<i64: 1000, 256>}, {transform_indices = @transform_2, window_bounds = array<i64: 1000, 256>}, {transform_indices = @transform_3, window_bounds = array<i64: 1, 1, 1000>}, {transform_indices = @transform_4, window_bounds = array<i64: 1000, 256>}, {pipeline_mode = #tpu.pipeline_mode<synchronous>, transform_indices = @transform_5, window_bounds = array<i64: 8, 128>}]} {
    %get3A = arith.constant 0 : index
    %get3A_0 = arith.constant 0 : index
    %get3A_1 = vector.load %arg1[%get3A, %get3A_0] : memref<1000x256xf32, #tpu.memory_space<vmem>>, vector<1000x256xf32>
    %get3A_2 = arith.constant 0 : index
    %get3A_3 = arith.constant 0 : index
    %get3A_4 = vector.load %arg2[%get3A_2, %get3A_3] : memref<1000x256xf32, #tpu.memory_space<vmem>>, vector<1000x256xf32>
    %add3A = arith.addf %get3A_1, %get3A_4 : vector<1000x256xf32>
    %get3A_5 = arith.constant 0 : index
    %get3A_6 = arith.constant 0 : index
    %get3A_7 = vector.load %arg3[%get3A_5, %get3A_6] : memref<1000x256xf32, #tpu.memory_space<vmem>>, vector<1000x256xf32>
    %add3A_8 = arith.addf %add3A, %get3A_7 : vector<1000x256xf32>
    %swap3A = arith.constant 0 : index
    %swap3A_9 = arith.constant 0 : index
    %swap3A_10 = vector.load %arg5[%swap3A, %swap3A_9] : memref<1000x256xf32, #tpu.memory_space<vmem>>, vector<1000x256xf32>
    tpu.vector_store %arg5[%swap3A, %swap3A_9], %add3A_8 {strides = array<i32>} : memref<1000x256xf32, #tpu.memory_space<vmem>>, vector<1000x256xf32>,
    %reduce_sum3A = arith.constant dense<0.000000e+00> : vector<1000xf32>
    %reduce_sum3A_11 = vector.multi_reduction <add>, %add3A_8, %reduce_sum3A [1] : vector<1000x256xf32> to vector<1000xf32>
    %broadcast_in_dim3A = vector.shape_cast %reduce_sum3A_11 : vector<1000xf32> to vector<1000x1xf32>
    %mul3A = arith.mulf %add3A_8, %add3A_8 : vector<1000x256xf32>
    %reduce_sum3A_12 = arith.constant dense<0.000000e+00> : vector<1000xf32>
    %reduce_sum3A_13 = vector.multi_reduction <add>, %mul3A, %reduce_sum3A_12 [1] : vector<1000x256xf32> to vector<1000xf32>
    %broadcast_in_dim3A_14 = vector.shape_cast %reduce_sum3A_13 : vector<1000xf32> to vector<1000x1xf32>
    %broadcast_in_dim3A_15 = arith.constant 1.000000e+00 : f32
    %broadcast_in_dim3A_16 = vector.broadcast %broadcast_in_dim3A_15 : f32 to vector<1000x1xf32>
    %broadcast_in_dim3A_17 = arith.constant 0.000000e+00 : f32
    %broadcast_in_dim3A_18 = vector.broadcast %broadcast_in_dim3A_17 : f32 to vector<1000x125xf32>
    %concatenate3A = tpu.concatenate %broadcast_in_dim3A, %broadcast_in_dim3A_14, %broadcast_in_dim3A_16, %broadcast_in_dim3A_18 in 1 : vector<1000x1xf32>, vector<1000x1xf32>, vector<1000x1xf32>, vector<1000x125xf32> -> vector<1000x128xf32>
    %iota3A = tpu.iota {dimensions = array<i32: 0>} : vector<8x1000xi32>
    %get3A_19 = arith.constant 0 : index
    %get3A_20 = arith.constant 0 : index
    %get3A_21 = arith.constant 0 : index
    %get3A_22 = vector.load %arg4[%get3A_19, %get3A_20, %get3A_21] : memref<1x1x1000xi32, #tpu.memory_space<vmem>>, vector<1x1x1000xi32>
    %reshape3A = vector.shape_cast %get3A_22 : vector<1x1x1000xi32> to vector<1x1000xi32>
    %eq3A = vector.broadcast %reshape3A : vector<1x1000xi32> to vector<8x1000xi32>
    %eq3A_23 = arith.cmpi eq, %eq3A, %iota3A : vector<8x1000xi32>
    %convert_element_type3A = arith.extui %eq3A_23 : vector<8x1000xi1> to vector<8x1000xi32>
    %convert_element_type3A_24 = arith.sitofp %convert_element_type3A : vector<8x1000xi32> to vector<8x1000xf32>
    %dot_general3A = arith.constant dense<0.000000e+00> : vector<8x128xf32>
    %dot_general3A_25 = tpu.matmul %convert_element_type3A_24, %concatenate3A, %dot_general3A {dimension_numbers = #tpu.dot_dimension_numbers<[1], [0], [0], [1], [0, 0, 1, 1], [], []>, transpose_lhs_hint = false} : vector<8x1000xf32>, vector<1000x128xf32>, vector<8x128xf32> -> vector<8x128xf32>
    %eq3A_26 = arith.constant 0 : i32
    %eq3A_27 = arith.cmpi eq, %arg0, %eq3A_26 : i32
    %convert_element_type3A_28 = arith.extui %eq3A_27 : i1 to i32
    %cond3A = arith.constant 0 : i32
    %cond3A_29 = arith.cmpi ne, %convert_element_type3A_28, %cond3A : i32
    scf.if %cond3A_29 {
      %broadcast_in_dim3A_37 = arith.constant 0.000000e+00 : f32
      %broadcast_in_dim3A_38 = vector.broadcast %broadcast_in_dim3A_37 : f32 to vector<8x128xf32>
      %swap3A_39 = arith.constant 0 : index
      %swap3A_40 = arith.constant 0 : index
      %swap3A_41 = vector.load %arg6[%swap3A_39, %swap3A_40] : memref<8x128xf32, #tpu.memory_space<vmem>>, vector<8x128xf32>
      tpu.vector_store %arg6[%swap3A_39, %swap3A_40], %broadcast_in_dim3A_38 {strides = array<i32>} : memref<8x128xf32, #tpu.memory_space<vmem>>, vector<8x128xf32>,
    } else {
    }
    %get3A_30 = arith.constant 0 : index
    %get3A_31 = arith.constant 0 : index
    %get3A_32 = vector.load %arg6[%get3A_30, %get3A_31] : memref<8x128xf32, #tpu.memory_space<vmem>>, vector<8x128xf32>
    %add3A_33 = arith.addf %get3A_32, %dot_general3A_25 : vector<8x128xf32>
    %swap3A_34 = arith.constant 0 : index
    %swap3A_35 = arith.constant 0 : index
    %swap3A_36 = vector.load %arg6[%swap3A_34, %swap3A_35] : memref<8x128xf32, #tpu.memory_space<vmem>>, vector<8x128xf32>
    tpu.vector_store %arg6[%swap3A_34, %swap3A_35], %add3A_33 {strides = array<i32>} : memref<8x128xf32, #tpu.memory_space<vmem>>, vector<8x128xf32>,
    return
  }
  func.func @transform_0(%arg0: i32) -> (i32, i32) {
    %c0_i32 = arith.constant 0 : i32
    %c0_i32_0 = arith.constant 0 : i32
    return %arg0, %c0_i32 : i32, i32
  }
  func.func @transform_1(%arg0: i32) -> (i32, i32) {
    %c0_i32 = arith.constant 0 : i32
    %c0_i32_0 = arith.constant 0 : i32
    return %arg0, %c0_i32 : i32, i32
  }
  func.func @transform_2(%arg0: i32) -> (i32, i32) {
    %c0_i32 = arith.constant 0 : i32
    %c0_i32_0 = arith.constant 0 : i32
    return %arg0, %c0_i32 : i32, i32
  }
  func.func @transform_3(%arg0: i32) -> (i32, i32, i32) {
    %c0_i32 = arith.constant 0 : i32
    %c0_i32_0 = arith.constant 0 : i32
    %c0_i32_1 = arith.constant 0 : i32
    return %arg0, %c0_i32, %c0_i32_0 : i32, i32, i32
  }
  func.func @transform_4(%arg0: i32) -> (i32, i32) {
    %c0_i32 = arith.constant 0 : i32
    %c0_i32_0 = arith.constant 0 : i32
    return %arg0, %c0_i32 : i32, i32
  }
  func.func @transform_5(%arg0: i32) -> (i32, i32) {
    %c0_i32 = arith.constant 0 : i32
    %c0_i32_0 = arith.constant 0 : i32
    %c0_i32_1 = arith.constant 0 : i32
    return %c0_i32, %c0_i32_0 : i32, i32
  }
}

module attributes {stable_mosaic.version = 14 : i64} {
  func.func @body(%arg0: i32, %arg1: memref<1000x256xf32, #tpu.memory_space<vmem>>, %arg2: memref<1000x1xi32, #tpu.memory_space<vmem>>, %arg3: memref<8x128xf32, #tpu.memory_space<vmem>>, %arg4: memref<1x256xf32, #tpu.memory_space<vmem>>, %arg5: memref<1x256xf32, #tpu.memory_space<vmem>>, %arg6: memref<256x256xf32, #tpu.memory_space<vmem>>, %arg7: memref<1x256xf32, #tpu.memory_space<vmem>>, %arg8: memref<256x256xf32, #tpu.memory_space<vmem>>, %arg9: memref<1x256xf32, #tpu.memory_space<vmem>>, %arg10: memref<1000x256xf32, #tpu.memory_space<vmem>>, %arg11: memref<1000x256xf32, #tpu.memory_space<vmem>>, %arg12: memref<1000x256xf32, #tpu.memory_space<vmem>>) attributes {dimension_semantics = [#tpu.dimension_semantics<arbitrary>], iteration_bounds = array<i64: 10>, scalar_prefetch = 0 : i64, scratch_operands = 0 : i64, tpu.core_type = #tpu.core_type<tc>, window_params = [{transform_indices = @transform_0, window_bounds = array<i64: 1000, 256>}, {transform_indices = @transform_1, window_bounds = array<i64: 1000, 1>}, {pipeline_mode = #tpu.pipeline_mode<synchronous>, transform_indices = @transform_2, window_bounds = array<i64: 8, 128>}, {pipeline_mode = #tpu.pipeline_mode<synchronous>, transform_indices = @transform_3, window_bounds = array<i64: 1, 256>}, {pipeline_mode = #tpu.pipeline_mode<synchronous>, transform_indices = @transform_4, window_bounds = array<i64: 1, 256>}, {pipeline_mode = #tpu.pipeline_mode<synchronous>, transform_indices = @transform_5, window_bounds = array<i64: 256, 256>}, {pipeline_mode = #tpu.pipeline_mode<synchronous>, transform_indices = @transform_6, window_bounds = array<i64: 1, 256>}, {pipeline_mode = #tpu.pipeline_mode<synchronous>, transform_indices = @transform_7, window_bounds = array<i64: 256, 256>}, {pipeline_mode = #tpu.pipeline_mode<synchronous>, transform_indices = @transform_8, window_bounds = array<i64: 1, 256>}, {transform_indices = @transform_9, window_bounds = array<i64: 1000, 256>}, {transform_indices = @transform_10, window_bounds = array<i64: 1000, 256>}, {transform_indices = @transform_11, window_bounds = array<i64: 1000, 256>}]} {
    %get3A = arith.constant 0 : index
    %get3A_0 = arith.constant 0 : index
    %get3A_1 = vector.load %arg3[%get3A, %get3A_0] : memref<8x128xf32, #tpu.memory_space<vmem>>, vector<8x1xf32>
    %get3A_2 = arith.constant 0 : index
    %get3A_3 = arith.constant 1 : index
    %get3A_4 = vector.load %arg3[%get3A_2, %get3A_3] : memref<8x128xf32, #tpu.memory_space<vmem>>, vector<8x1xf32>
    %get3A_5 = arith.constant 0 : index
    %get3A_6 = arith.constant 2 : index
    %get3A_7 = vector.load %arg3[%get3A_5, %get3A_6] : memref<8x128xf32, #tpu.memory_space<vmem>>, vector<8x1xf32>
    %max3A = arith.constant 1.000000e+00 : f32
    %max3A_8 = vector.broadcast %max3A : f32 to vector<8x1xf32>
    %max3A_9 = arith.maximumf %get3A_7, %max3A_8 : vector<8x1xf32>
    %mul3A = arith.constant 2.560000e+02 : f32
    %mul3A_10 = vector.broadcast %mul3A : f32 to vector<8x1xf32>
    %mul3A_11 = arith.mulf %max3A_9, %mul3A_10 : vector<8x1xf32>
    %div3A = arith.divf %get3A_1, %mul3A_11 : vector<8x1xf32>
    %div3A_12 = arith.divf %get3A_4, %mul3A_11 : vector<8x1xf32>
    %mul3A_13 = arith.mulf %div3A, %div3A : vector<8x1xf32>
    %sub3A = arith.subf %div3A_12, %mul3A_13 : vector<8x1xf32>
    %add3A = arith.constant 9.99999974E-6 : f32
    %add3A_14 = vector.broadcast %add3A : f32 to vector<8x1xf32>
    %add3A_15 = arith.addf %sub3A, %add3A_14 : vector<8x1xf32>
    %rsqrt3A = math.rsqrt %add3A_15 : vector<8x1xf32>
    %iota3A = tpu.iota {dimensions = array<i32: 1>} : vector<1000x8xi32>
    %get3A_16 = arith.constant 0 : index
    %get3A_17 = arith.constant 0 : index
    %get3A_18 = vector.load %arg2[%get3A_16, %get3A_17] : memref<1000x1xi32, #tpu.memory_space<vmem>>, vector<1000x1xi32>
    %eq3A = vector.broadcast %get3A_18 : vector<1000x1xi32> to vector<1000x8xi32>
    %eq3A_19 = arith.cmpi eq, %eq3A, %iota3A : vector<1000x8xi32>
    %convert_element_type3A = arith.extui %eq3A_19 : vector<1000x8xi1> to vector<1000x8xi32>
    %convert_element_type3A_20 = arith.sitofp %convert_element_type3A : vector<1000x8xi32> to vector<1000x8xf32>
    %dot_general3A = arith.constant dense<0.000000e+00> : vector<1000x1xf32>
    %dot_general3A_21 = tpu.matmul %convert_element_type3A_20, %div3A, %dot_general3A {dimension_numbers = #tpu.dot_dimension_numbers<[1], [0], [0], [1], [0, 0, 1, 1], [], []>, transpose_lhs_hint = false} : vector<1000x8xf32>, vector<8x1xf32>, vector<1000x1xf32> -> vector<1000x1xf32>
    %dot_general3A_22 = arith.constant dense<0.000000e+00> : vector<1000x1xf32>
    %dot_general3A_23 = tpu.matmul %convert_element_type3A_20, %rsqrt3A, %dot_general3A_22 {dimension_numbers = #tpu.dot_dimension_numbers<[1], [0], [0], [1], [0, 0, 1, 1], [], []>, transpose_lhs_hint = false} : vector<1000x8xf32>, vector<8x1xf32>, vector<1000x1xf32> -> vector<1000x1xf32>
    %get3A_24 = arith.constant 0 : index
    %get3A_25 = arith.constant 0 : index
    %get3A_26 = vector.load %arg1[%get3A_24, %get3A_25] : memref<1000x256xf32, #tpu.memory_space<vmem>>, vector<1000x256xf32>
    %sub3A_27 = vector.broadcast %dot_general3A_21 : vector<1000x1xf32> to vector<1000x256xf32>
    %sub3A_28 = arith.subf %get3A_26, %sub3A_27 : vector<1000x256xf32>
    %mul3A_29 = vector.broadcast %dot_general3A_23 : vector<1000x1xf32> to vector<1000x256xf32>
    %mul3A_30 = arith.mulf %sub3A_28, %mul3A_29 : vector<1000x256xf32>
    %get3A_31 = arith.constant 0 : index
    %get3A_32 = arith.constant 0 : index
    %get3A_33 = vector.load %arg4[%get3A_31, %get3A_32] : memref<1x256xf32, #tpu.memory_space<vmem>>, vector<1x256xf32>
    %mul3A_34 = vector.broadcast %get3A_33 : vector<1x256xf32> to vector<1000x256xf32>
    %mul3A_35 = arith.mulf %mul3A_30, %mul3A_34 : vector<1000x256xf32>
    %get3A_36 = arith.constant 0 : index
    %get3A_37 = arith.constant 0 : index
    %get3A_38 = vector.load %arg5[%get3A_36, %get3A_37] : memref<1x256xf32, #tpu.memory_space<vmem>>, vector<1x256xf32>
    %add3A_39 = vector.broadcast %get3A_38 : vector<1x256xf32> to vector<1000x256xf32>
    %add3A_40 = arith.addf %mul3A_35, %add3A_39 : vector<1000x256xf32>
    %max3A_41 = arith.constant 0.000000e+00 : f32
    %max3A_42 = vector.broadcast %max3A_41 : f32 to vector<1000x256xf32>
    %max3A_43 = arith.maximumf %add3A_40, %max3A_42 : vector<1000x256xf32>
    %swap3A = arith.constant 0 : index
    %swap3A_44 = arith.constant 0 : index
    %swap3A_45 = vector.load %arg10[%swap3A, %swap3A_44] : memref<1000x256xf32, #tpu.memory_space<vmem>>, vector<1000x256xf32>
    tpu.vector_store %arg10[%swap3A, %swap3A_44], %max3A_43 {strides = array<i32>} : memref<1000x256xf32, #tpu.memory_space<vmem>>, vector<1000x256xf32>,
    %get3A_46 = arith.constant 0 : index
    %get3A_47 = arith.constant 0 : index
    %get3A_48 = vector.load %arg6[%get3A_46, %get3A_47] : memref<256x256xf32, #tpu.memory_space<vmem>>, vector<256x256xf32>
    %dot_general3A_49 = arith.constant dense<0.000000e+00> : vector<1000x256xf32>
    %dot_general3A_50 = tpu.matmul %max3A_43, %get3A_48, %dot_general3A_49 {dimension_numbers = #tpu.dot_dimension_numbers<[1], [0], [0], [1], [0, 0, 1, 1], [], []>, transpose_lhs_hint = false} : vector<1000x256xf32>, vector<256x256xf32>, vector<1000x256xf32> -> vector<1000x256xf32>
    %get3A_51 = arith.constant 0 : index
    %get3A_52 = arith.constant 0 : index
    %get3A_53 = vector.load %arg7[%get3A_51, %get3A_52] : memref<1x256xf32, #tpu.memory_space<vmem>>, vector<1x256xf32>
    %add3A_54 = vector.broadcast %get3A_53 : vector<1x256xf32> to vector<1000x256xf32>
    %add3A_55 = arith.addf %dot_general3A_50, %add3A_54 : vector<1000x256xf32>
    %swap3A_56 = arith.constant 0 : index
    %swap3A_57 = arith.constant 0 : index
    %swap3A_58 = vector.load %arg11[%swap3A_56, %swap3A_57] : memref<1000x256xf32, #tpu.memory_space<vmem>>, vector<1000x256xf32>
    tpu.vector_store %arg11[%swap3A_56, %swap3A_57], %add3A_55 {strides = array<i32>} : memref<1000x256xf32, #tpu.memory_space<vmem>>, vector<1000x256xf32>,
    %get3A_59 = arith.constant 0 : index
    %get3A_60 = arith.constant 0 : index
    %get3A_61 = vector.load %arg8[%get3A_59, %get3A_60] : memref<256x256xf32, #tpu.memory_space<vmem>>, vector<256x256xf32>
    %dot_general3A_62 = arith.constant dense<0.000000e+00> : vector<1000x256xf32>
    %dot_general3A_63 = tpu.matmul %max3A_43, %get3A_61, %dot_general3A_62 {dimension_numbers = #tpu.dot_dimension_numbers<[1], [0], [0], [1], [0, 0, 1, 1], [], []>, transpose_lhs_hint = false} : vector<1000x256xf32>, vector<256x256xf32>, vector<1000x256xf32> -> vector<1000x256xf32>
    %get3A_64 = arith.constant 0 : index
    %get3A_65 = arith.constant 0 : index
    %get3A_66 = vector.load %arg9[%get3A_64, %get3A_65] : memref<1x256xf32, #tpu.memory_space<vmem>>, vector<1x256xf32>
    %add3A_67 = vector.broadcast %get3A_66 : vector<1x256xf32> to vector<1000x256xf32>
    %add3A_68 = arith.addf %dot_general3A_63, %add3A_67 : vector<1000x256xf32>
    %swap3A_69 = arith.constant 0 : index
    %swap3A_70 = arith.constant 0 : index
    %swap3A_71 = vector.load %arg12[%swap3A_69, %swap3A_70] : memref<1000x256xf32, #tpu.memory_space<vmem>>, vector<1000x256xf32>
    tpu.vector_store %arg12[%swap3A_69, %swap3A_70], %add3A_68 {strides = array<i32>} : memref<1000x256xf32, #tpu.memory_space<vmem>>, vector<1000x256xf32>,
    return
  }
  func.func @transform_0(%arg0: i32) -> (i32, i32) {
    %c0_i32 = arith.constant 0 : i32
    %c0_i32_0 = arith.constant 0 : i32
    return %arg0, %c0_i32 : i32, i32
  }
  func.func @transform_1(%arg0: i32) -> (i32, i32) {
    %c0_i32 = arith.constant 0 : i32
    %c0_i32_0 = arith.constant 0 : i32
    return %arg0, %c0_i32 : i32, i32
  }
  func.func @transform_2(%arg0: i32) -> (i32, i32) {
    %c0_i32 = arith.constant 0 : i32
    %c0_i32_0 = arith.constant 0 : i32
    %c0_i32_1 = arith.constant 0 : i32
    return %c0_i32, %c0_i32_0 : i32, i32
  }
  func.func @transform_3(%arg0: i32) -> (i32, i32) {
    %c0_i32 = arith.constant 0 : i32
    %c0_i32_0 = arith.constant 0 : i32
    %c0_i32_1 = arith.constant 0 : i32
    return %c0_i32, %c0_i32_0 : i32, i32
  }
  func.func @transform_4(%arg0: i32) -> (i32, i32) {
    %c0_i32 = arith.constant 0 : i32
    %c0_i32_0 = arith.constant 0 : i32
    %c0_i32_1 = arith.constant 0 : i32
    return %c0_i32, %c0_i32_0 : i32, i32
  }
  func.func @transform_5(%arg0: i32) -> (i32, i32) {
    %c0_i32 = arith.constant 0 : i32
    %c0_i32_0 = arith.constant 0 : i32
    %c0_i32_1 = arith.constant 0 : i32
    return %c0_i32, %c0_i32_0 : i32, i32
  }
  func.func @transform_6(%arg0: i32) -> (i32, i32) {
    %c0_i32 = arith.constant 0 : i32
    %c0_i32_0 = arith.constant 0 : i32
    %c0_i32_1 = arith.constant 0 : i32
    return %c0_i32, %c0_i32_0 : i32, i32
  }
  func.func @transform_7(%arg0: i32) -> (i32, i32) {
    %c0_i32 = arith.constant 0 : i32
    %c0_i32_0 = arith.constant 0 : i32
    %c0_i32_1 = arith.constant 0 : i32
    return %c0_i32, %c0_i32_0 : i32, i32
  }
  func.func @transform_8(%arg0: i32) -> (i32, i32) {
    %c0_i32 = arith.constant 0 : i32
    %c0_i32_0 = arith.constant 0 : i32
    %c0_i32_1 = arith.constant 0 : i32
    return %c0_i32, %c0_i32_0 : i32, i32
  }
  func.func @transform_9(%arg0: i32) -> (i32, i32) {
    %c0_i32 = arith.constant 0 : i32
    %c0_i32_0 = arith.constant 0 : i32
    return %arg0, %c0_i32 : i32, i32
  }
  func.func @transform_10(%arg0: i32) -> (i32, i32) {
    %c0_i32 = arith.constant 0 : i32
    %c0_i32_0 = arith.constant 0 : i32
    return %arg0, %c0_i32 : i32, i32
  }
  func.func @transform_11(%arg0: i32) -> (i32, i32) {
    %c0_i32 = arith.constant 0 : i32
    %c0_i32_0 = arith.constant 0 : i32
    return %arg0, %c0_i32 : i32, i32
  }
}

module attributes {stable_mosaic.version = 14 : i64} {
  func.func @body(%arg0: i32, %arg1: memref<1000x256xf32, #tpu.memory_space<vmem>>, %arg2: memref<1000x1xi32, #tpu.memory_space<vmem>>, %arg3: memref<1x1x1000xi32, #tpu.memory_space<vmem>>, %arg4: memref<8x128xf32, #tpu.memory_space<vmem>>, %arg5: memref<1x256xf32, #tpu.memory_space<vmem>>, %arg6: memref<1x256xf32, #tpu.memory_space<vmem>>, %arg7: memref<8x256xf32, #tpu.memory_space<vmem>>) attributes {dimension_semantics = [#tpu.dimension_semantics<arbitrary>], iteration_bounds = array<i64: 10>, scalar_prefetch = 0 : i64, scratch_operands = 0 : i64, tpu.core_type = #tpu.core_type<tc>, window_params = [{transform_indices = @transform_0, window_bounds = array<i64: 1000, 256>}, {transform_indices = @transform_1, window_bounds = array<i64: 1000, 1>}, {transform_indices = @transform_2, window_bounds = array<i64: 1, 1, 1000>}, {pipeline_mode = #tpu.pipeline_mode<synchronous>, transform_indices = @transform_3, window_bounds = array<i64: 8, 128>}, {pipeline_mode = #tpu.pipeline_mode<synchronous>, transform_indices = @transform_4, window_bounds = array<i64: 1, 256>}, {pipeline_mode = #tpu.pipeline_mode<synchronous>, transform_indices = @transform_5, window_bounds = array<i64: 1, 256>}, {pipeline_mode = #tpu.pipeline_mode<synchronous>, transform_indices = @transform_6, window_bounds = array<i64: 8, 256>}]} {
    %get3A = arith.constant 0 : index
    %get3A_0 = arith.constant 0 : index
    %get3A_1 = vector.load %arg4[%get3A, %get3A_0] : memref<8x128xf32, #tpu.memory_space<vmem>>, vector<8x1xf32>
    %get3A_2 = arith.constant 0 : index
    %get3A_3 = arith.constant 1 : index
    %get3A_4 = vector.load %arg4[%get3A_2, %get3A_3] : memref<8x128xf32, #tpu.memory_space<vmem>>, vector<8x1xf32>
    %get3A_5 = arith.constant 0 : index
    %get3A_6 = arith.constant 2 : index
    %get3A_7 = vector.load %arg4[%get3A_5, %get3A_6] : memref<8x128xf32, #tpu.memory_space<vmem>>, vector<8x1xf32>
    %max3A = arith.constant 1.000000e+00 : f32
    %max3A_8 = vector.broadcast %max3A : f32 to vector<8x1xf32>
    %max3A_9 = arith.maximumf %get3A_7, %max3A_8 : vector<8x1xf32>
    %mul3A = arith.constant 2.560000e+02 : f32
    %mul3A_10 = vector.broadcast %mul3A : f32 to vector<8x1xf32>
    %mul3A_11 = arith.mulf %max3A_9, %mul3A_10 : vector<8x1xf32>
    %div3A = arith.divf %get3A_1, %mul3A_11 : vector<8x1xf32>
    %div3A_12 = arith.divf %get3A_4, %mul3A_11 : vector<8x1xf32>
    %mul3A_13 = arith.mulf %div3A, %div3A : vector<8x1xf32>
    %sub3A = arith.subf %div3A_12, %mul3A_13 : vector<8x1xf32>
    %add3A = arith.constant 9.99999974E-6 : f32
    %add3A_14 = vector.broadcast %add3A : f32 to vector<8x1xf32>
    %add3A_15 = arith.addf %sub3A, %add3A_14 : vector<8x1xf32>
    %rsqrt3A = math.rsqrt %add3A_15 : vector<8x1xf32>
    %iota3A = tpu.iota {dimensions = array<i32: 1>} : vector<1000x8xi32>
    %get3A_16 = arith.constant 0 : index
    %get3A_17 = arith.constant 0 : index
    %get3A_18 = vector.load %arg2[%get3A_16, %get3A_17] : memref<1000x1xi32, #tpu.memory_space<vmem>>, vector<1000x1xi32>
    %eq3A = vector.broadcast %get3A_18 : vector<1000x1xi32> to vector<1000x8xi32>
    %eq3A_19 = arith.cmpi eq, %eq3A, %iota3A : vector<1000x8xi32>
    %convert_element_type3A = arith.extui %eq3A_19 : vector<1000x8xi1> to vector<1000x8xi32>
    %convert_element_type3A_20 = arith.sitofp %convert_element_type3A : vector<1000x8xi32> to vector<1000x8xf32>
    %dot_general3A = arith.constant dense<0.000000e+00> : vector<1000x1xf32>
    %dot_general3A_21 = tpu.matmul %convert_element_type3A_20, %div3A, %dot_general3A {dimension_numbers = #tpu.dot_dimension_numbers<[1], [0], [0], [1], [0, 0, 1, 1], [], []>, transpose_lhs_hint = false} : vector<1000x8xf32>, vector<8x1xf32>, vector<1000x1xf32> -> vector<1000x1xf32>
    %dot_general3A_22 = arith.constant dense<0.000000e+00> : vector<1000x1xf32>
    %dot_general3A_23 = tpu.matmul %convert_element_type3A_20, %rsqrt3A, %dot_general3A_22 {dimension_numbers = #tpu.dot_dimension_numbers<[1], [0], [0], [1], [0, 0, 1, 1], [], []>, transpose_lhs_hint = false} : vector<1000x8xf32>, vector<8x1xf32>, vector<1000x1xf32> -> vector<1000x1xf32>
    %get3A_24 = arith.constant 0 : index
    %get3A_25 = arith.constant 0 : index
    %get3A_26 = vector.load %arg1[%get3A_24, %get3A_25] : memref<1000x256xf32, #tpu.memory_space<vmem>>, vector<1000x256xf32>
    %sub3A_27 = vector.broadcast %dot_general3A_21 : vector<1000x1xf32> to vector<1000x256xf32>
    %sub3A_28 = arith.subf %get3A_26, %sub3A_27 : vector<1000x256xf32>
    %mul3A_29 = vector.broadcast %dot_general3A_23 : vector<1000x1xf32> to vector<1000x256xf32>
    %mul3A_30 = arith.mulf %sub3A_28, %mul3A_29 : vector<1000x256xf32>
    %get3A_31 = arith.constant 0 : index
    %get3A_32 = arith.constant 0 : index
    %get3A_33 = vector.load %arg5[%get3A_31, %get3A_32] : memref<1x256xf32, #tpu.memory_space<vmem>>, vector<1x256xf32>
    %mul3A_34 = vector.broadcast %get3A_33 : vector<1x256xf32> to vector<1000x256xf32>
    %mul3A_35 = arith.mulf %mul3A_30, %mul3A_34 : vector<1000x256xf32>
    %get3A_36 = arith.constant 0 : index
    %get3A_37 = arith.constant 0 : index
    %get3A_38 = vector.load %arg6[%get3A_36, %get3A_37] : memref<1x256xf32, #tpu.memory_space<vmem>>, vector<1x256xf32>
    %add3A_39 = vector.broadcast %get3A_38 : vector<1x256xf32> to vector<1000x256xf32>
    %add3A_40 = arith.addf %mul3A_35, %add3A_39 : vector<1000x256xf32>
    %iota3A_41 = tpu.iota {dimensions = array<i32: 0>} : vector<8x1000xi32>
    %get3A_42 = arith.constant 0 : index
    %get3A_43 = arith.constant 0 : index
    %get3A_44 = arith.constant 0 : index
    %get3A_45 = vector.load %arg3[%get3A_42, %get3A_43, %get3A_44] : memref<1x1x1000xi32, #tpu.memory_space<vmem>>, vector<1x1x1000xi32>
    %reshape3A = vector.shape_cast %get3A_45 : vector<1x1x1000xi32> to vector<1x1000xi32>
    %eq3A_46 = vector.broadcast %reshape3A : vector<1x1000xi32> to vector<8x1000xi32>
    %eq3A_47 = arith.cmpi eq, %eq3A_46, %iota3A_41 : vector<8x1000xi32>
    %convert_element_type3A_48 = arith.extui %eq3A_47 : vector<8x1000xi1> to vector<8x1000xi32>
    %convert_element_type3A_49 = arith.sitofp %convert_element_type3A_48 : vector<8x1000xi32> to vector<8x1000xf32>
    %dot_general3A_50 = arith.constant dense<0.000000e+00> : vector<8x256xf32>
    %dot_general3A_51 = tpu.matmul %convert_element_type3A_49, %add3A_40, %dot_general3A_50 {dimension_numbers = #tpu.dot_dimension_numbers<[1], [0], [0], [1], [0, 0, 1, 1], [], []>, transpose_lhs_hint = false} : vector<8x1000xf32>, vector<1000x256xf32>, vector<8x256xf32> -> vector<8x256xf32>
    %eq3A_52 = arith.constant 0 : i32
    %eq3A_53 = arith.cmpi eq, %arg0, %eq3A_52 : i32
    %convert_element_type3A_54 = arith.extui %eq3A_53 : i1 to i32
    %cond3A = arith.constant 0 : i32
    %cond3A_55 = arith.cmpi ne, %convert_element_type3A_54, %cond3A : i32
    scf.if %cond3A_55 {
      %broadcast_in_dim3A = arith.constant 0.000000e+00 : f32
      %broadcast_in_dim3A_62 = vector.broadcast %broadcast_in_dim3A : f32 to vector<8x256xf32>
      %swap3A_63 = arith.constant 0 : index
      %swap3A_64 = arith.constant 0 : index
      %swap3A_65 = vector.load %arg7[%swap3A_63, %swap3A_64] : memref<8x256xf32, #tpu.memory_space<vmem>>, vector<8x256xf32>
      tpu.vector_store %arg7[%swap3A_63, %swap3A_64], %broadcast_in_dim3A_62 {strides = array<i32>} : memref<8x256xf32, #tpu.memory_space<vmem>>, vector<8x256xf32>,
    } else {
    }
    %get3A_56 = arith.constant 0 : index
    %get3A_57 = arith.constant 0 : index
    %get3A_58 = vector.load %arg7[%get3A_56, %get3A_57] : memref<8x256xf32, #tpu.memory_space<vmem>>, vector<8x256xf32>
    %add3A_59 = arith.addf %get3A_58, %dot_general3A_51 : vector<8x256xf32>
    %swap3A = arith.constant 0 : index
    %swap3A_60 = arith.constant 0 : index
    %swap3A_61 = vector.load %arg7[%swap3A, %swap3A_60] : memref<8x256xf32, #tpu.memory_space<vmem>>, vector<8x256xf32>
    tpu.vector_store %arg7[%swap3A, %swap3A_60], %add3A_59 {strides = array<i32>} : memref<8x256xf32, #tpu.memory_space<vmem>>, vector<8x256xf32>,
    return
  }
  func.func @transform_0(%arg0: i32) -> (i32, i32) {
    %c0_i32 = arith.constant 0 : i32
    %c0_i32_0 = arith.constant 0 : i32
    return %arg0, %c0_i32 : i32, i32
  }
  func.func @transform_1(%arg0: i32) -> (i32, i32) {
    %c0_i32 = arith.constant 0 : i32
    %c0_i32_0 = arith.constant 0 : i32
    return %arg0, %c0_i32 : i32, i32
  }
  func.func @transform_2(%arg0: i32) -> (i32, i32, i32) {
    %c0_i32 = arith.constant 0 : i32
    %c0_i32_0 = arith.constant 0 : i32
    %c0_i32_1 = arith.constant 0 : i32
    return %arg0, %c0_i32, %c0_i32_0 : i32, i32, i32
  }
  func.func @transform_3(%arg0: i32) -> (i32, i32) {
    %c0_i32 = arith.constant 0 : i32
    %c0_i32_0 = arith.constant 0 : i32
    %c0_i32_1 = arith.constant 0 : i32
    return %c0_i32, %c0_i32_0 : i32, i32
  }
  func.func @transform_4(%arg0: i32) -> (i32, i32) {
    %c0_i32 = arith.constant 0 : i32
    %c0_i32_0 = arith.constant 0 : i32
    %c0_i32_1 = arith.constant 0 : i32
    return %c0_i32, %c0_i32_0 : i32, i32
  }
  func.func @transform_5(%arg0: i32) -> (i32, i32) {
    %c0_i32 = arith.constant 0 : i32
    %c0_i32_0 = arith.constant 0 : i32
    %c0_i32_1 = arith.constant 0 : i32
    return %c0_i32, %c0_i32_0 : i32, i32
  }
  func.func @transform_6(%arg0: i32) -> (i32, i32) {
    %c0_i32 = arith.constant 0 : i32
    %c0_i32_0 = arith.constant 0 : i32
    %c0_i32_1 = arith.constant 0 : i32
    return %c0_i32, %c0_i32_0 : i32, i32
  }
}

module attributes {stable_mosaic.version = 14 : i64} {
  func.func @body(%arg0: i32, %arg1: memref<8x256xf32, #tpu.memory_space<vmem>>, %arg2: memref<8x128xf32, #tpu.memory_space<vmem>>, %arg3: memref<256x256xf32, #tpu.memory_space<vmem>>, %arg4: memref<1x256xf32, #tpu.memory_space<vmem>>, %arg5: memref<256x256xf32, #tpu.memory_space<vmem>>, %arg6: memref<1x256xf32, #tpu.memory_space<vmem>>, %arg7: memref<256x128xf32, #tpu.memory_space<vmem>>, %arg8: memref<1x128xf32, #tpu.memory_space<vmem>>, %arg9: memref<8x128xf32, #tpu.memory_space<vmem>>, %arg10: memref<8x256xf32, #tpu.memory_space<vmem>>) attributes {dimension_semantics = [#tpu.dimension_semantics<arbitrary>], iteration_bounds = array<i64: 1>, scalar_prefetch = 0 : i64, scratch_operands = 0 : i64, tpu.core_type = #tpu.core_type<tc>, window_params = [{pipeline_mode = #tpu.pipeline_mode<synchronous>, transform_indices = @transform_0, window_bounds = array<i64: 8, 256>}, {pipeline_mode = #tpu.pipeline_mode<synchronous>, transform_indices = @transform_1, window_bounds = array<i64: 8, 128>}, {pipeline_mode = #tpu.pipeline_mode<synchronous>, transform_indices = @transform_2, window_bounds = array<i64: 256, 256>}, {pipeline_mode = #tpu.pipeline_mode<synchronous>, transform_indices = @transform_3, window_bounds = array<i64: 1, 256>}, {pipeline_mode = #tpu.pipeline_mode<synchronous>, transform_indices = @transform_4, window_bounds = array<i64: 256, 256>}, {pipeline_mode = #tpu.pipeline_mode<synchronous>, transform_indices = @transform_5, window_bounds = array<i64: 1, 256>}, {pipeline_mode = #tpu.pipeline_mode<synchronous>, transform_indices = @transform_6, window_bounds = array<i64: 256, 128>}, {pipeline_mode = #tpu.pipeline_mode<synchronous>, transform_indices = @transform_7, window_bounds = array<i64: 1, 128>}, {pipeline_mode = #tpu.pipeline_mode<synchronous>, transform_indices = @transform_8, window_bounds = array<i64: 8, 128>}, {pipeline_mode = #tpu.pipeline_mode<synchronous>, transform_indices = @transform_9, window_bounds = array<i64: 8, 256>}]} {
    %get3A = arith.constant 0 : index
    %get3A_0 = arith.constant 2 : index
    %get3A_1 = vector.load %arg2[%get3A, %get3A_0] : memref<8x128xf32, #tpu.memory_space<vmem>>, vector<8x1xf32>
    %get3A_2 = arith.constant 0 : index
    %get3A_3 = arith.constant 0 : index
    %get3A_4 = vector.load %arg1[%get3A_2, %get3A_3] : memref<8x256xf32, #tpu.memory_space<vmem>>, vector<8x256xf32>
    %max3A = arith.constant 1.000000e+00 : f32
    %max3A_5 = vector.broadcast %max3A : f32 to vector<8x1xf32>
    %max3A_6 = arith.maximumf %get3A_1, %max3A_5 : vector<8x1xf32>
    %div3A = vector.broadcast %max3A_6 : vector<8x1xf32> to vector<8x256xf32>
    %div3A_7 = arith.divf %get3A_4, %div3A : vector<8x256xf32>
    %get3A_8 = arith.constant 0 : index
    %get3A_9 = arith.constant 0 : index
    %get3A_10 = vector.load %arg3[%get3A_8, %get3A_9] : memref<256x256xf32, #tpu.memory_space<vmem>>, vector<256x256xf32>
    %dot_general3A = arith.constant dense<0.000000e+00> : vector<8x256xf32>
    %dot_general3A_11 = tpu.matmul %div3A_7, %get3A_10, %dot_general3A {dimension_numbers = #tpu.dot_dimension_numbers<[1], [0], [0], [1], [0, 0, 1, 1], [], []>, transpose_lhs_hint = false} : vector<8x256xf32>, vector<256x256xf32>, vector<8x256xf32> -> vector<8x256xf32>
    %get3A_12 = arith.constant 0 : index
    %get3A_13 = arith.constant 0 : index
    %get3A_14 = vector.load %arg4[%get3A_12, %get3A_13] : memref<1x256xf32, #tpu.memory_space<vmem>>, vector<1x256xf32>
    %add3A = vector.broadcast %get3A_14 : vector<1x256xf32> to vector<8x256xf32>
    %add3A_15 = arith.addf %dot_general3A_11, %add3A : vector<8x256xf32>
    %max3A_16 = arith.constant 0.000000e+00 : f32
    %max3A_17 = vector.broadcast %max3A_16 : f32 to vector<8x256xf32>
    %max3A_18 = arith.maximumf %add3A_15, %max3A_17 : vector<8x256xf32>
    %get3A_19 = arith.constant 0 : index
    %get3A_20 = arith.constant 0 : index
    %get3A_21 = vector.load %arg5[%get3A_19, %get3A_20] : memref<256x256xf32, #tpu.memory_space<vmem>>, vector<256x256xf32>
    %dot_general3A_22 = arith.constant dense<0.000000e+00> : vector<8x256xf32>
    %dot_general3A_23 = tpu.matmul %max3A_18, %get3A_21, %dot_general3A_22 {dimension_numbers = #tpu.dot_dimension_numbers<[1], [0], [0], [1], [0, 0, 1, 1], [], []>, transpose_lhs_hint = false} : vector<8x256xf32>, vector<256x256xf32>, vector<8x256xf32> -> vector<8x256xf32>
    %get3A_24 = arith.constant 0 : index
    %get3A_25 = arith.constant 0 : index
    %get3A_26 = vector.load %arg6[%get3A_24, %get3A_25] : memref<1x256xf32, #tpu.memory_space<vmem>>, vector<1x256xf32>
    %add3A_27 = vector.broadcast %get3A_26 : vector<1x256xf32> to vector<8x256xf32>
    %add3A_28 = arith.addf %dot_general3A_23, %add3A_27 : vector<8x256xf32>
    %max3A_29 = arith.constant 0.000000e+00 : f32
    %max3A_30 = vector.broadcast %max3A_29 : f32 to vector<8x256xf32>
    %max3A_31 = arith.maximumf %add3A_28, %max3A_30 : vector<8x256xf32>
    %swap3A = arith.constant 0 : index
    %swap3A_32 = arith.constant 0 : index
    %swap3A_33 = vector.load %arg10[%swap3A, %swap3A_32] : memref<8x256xf32, #tpu.memory_space<vmem>>, vector<8x256xf32>
    tpu.vector_store %arg10[%swap3A, %swap3A_32], %max3A_31 {strides = array<i32>} : memref<8x256xf32, #tpu.memory_space<vmem>>, vector<8x256xf32>,
    %get3A_34 = arith.constant 0 : index
    %get3A_35 = arith.constant 0 : index
    %get3A_36 = vector.load %arg7[%get3A_34, %get3A_35] : memref<256x128xf32, #tpu.memory_space<vmem>>, vector<256x128xf32>
    %dot_general3A_37 = arith.constant dense<0.000000e+00> : vector<8x128xf32>
    %dot_general3A_38 = tpu.matmul %max3A_31, %get3A_36, %dot_general3A_37 {dimension_numbers = #tpu.dot_dimension_numbers<[1], [0], [0], [1], [0, 0, 1, 1], [], []>, transpose_lhs_hint = false} : vector<8x256xf32>, vector<256x128xf32>, vector<8x128xf32> -> vector<8x128xf32>
    %get3A_39 = arith.constant 0 : index
    %get3A_40 = arith.constant 0 : index
    %get3A_41 = vector.load %arg8[%get3A_39, %get3A_40] : memref<1x128xf32, #tpu.memory_space<vmem>>, vector<1x128xf32>
    %add3A_42 = vector.broadcast %get3A_41 : vector<1x128xf32> to vector<8x128xf32>
    %add3A_43 = arith.addf %dot_general3A_38, %add3A_42 : vector<8x128xf32>
    %swap3A_44 = arith.constant 0 : index
    %swap3A_45 = arith.constant 0 : index
    %swap3A_46 = vector.load %arg9[%swap3A_44, %swap3A_45] : memref<8x128xf32, #tpu.memory_space<vmem>>, vector<8x128xf32>
    tpu.vector_store %arg9[%swap3A_44, %swap3A_45], %add3A_43 {strides = array<i32>} : memref<8x128xf32, #tpu.memory_space<vmem>>, vector<8x128xf32>,
    return
  }
  func.func @transform_0(%arg0: i32) -> (i32, i32) {
    %c0_i32 = arith.constant 0 : i32
    %c0_i32_0 = arith.constant 0 : i32
    %c0_i32_1 = arith.constant 0 : i32
    return %c0_i32, %c0_i32_0 : i32, i32
  }
  func.func @transform_1(%arg0: i32) -> (i32, i32) {
    %c0_i32 = arith.constant 0 : i32
    %c0_i32_0 = arith.constant 0 : i32
    %c0_i32_1 = arith.constant 0 : i32
    return %c0_i32, %c0_i32_0 : i32, i32
  }
  func.func @transform_2(%arg0: i32) -> (i32, i32) {
    %c0_i32 = arith.constant 0 : i32
    %c0_i32_0 = arith.constant 0 : i32
    %c0_i32_1 = arith.constant 0 : i32
    return %c0_i32, %c0_i32_0 : i32, i32
  }
  func.func @transform_3(%arg0: i32) -> (i32, i32) {
    %c0_i32 = arith.constant 0 : i32
    %c0_i32_0 = arith.constant 0 : i32
    %c0_i32_1 = arith.constant 0 : i32
    return %c0_i32, %c0_i32_0 : i32, i32
  }
  func.func @transform_4(%arg0: i32) -> (i32, i32) {
    %c0_i32 = arith.constant 0 : i32
    %c0_i32_0 = arith.constant 0 : i32
    %c0_i32_1 = arith.constant 0 : i32
    return %c0_i32, %c0_i32_0 : i32, i32
  }
  func.func @transform_5(%arg0: i32) -> (i32, i32) {
    %c0_i32 = arith.constant 0 : i32
    %c0_i32_0 = arith.constant 0 : i32
    %c0_i32_1 = arith.constant 0 : i32
    return %c0_i32, %c0_i32_0 : i32, i32
  }
  func.func @transform_6(%arg0: i32) -> (i32, i32) {
    %c0_i32 = arith.constant 0 : i32
    %c0_i32_0 = arith.constant 0 : i32
    %c0_i32_1 = arith.constant 0 : i32
    return %c0_i32, %c0_i32_0 : i32, i32
  }
  func.func @transform_7(%arg0: i32) -> (i32, i32) {
    %c0_i32 = arith.constant 0 : i32
    %c0_i32_0 = arith.constant 0 : i32
    %c0_i32_1 = arith.constant 0 : i32
    return %c0_i32, %c0_i32_0 : i32, i32
  }
  func.func @transform_8(%arg0: i32) -> (i32, i32) {
    %c0_i32 = arith.constant 0 : i32
    %c0_i32_0 = arith.constant 0 : i32
    %c0_i32_1 = arith.constant 0 : i32
    return %c0_i32, %c0_i32_0 : i32, i32
  }
  func.func @transform_9(%arg0: i32) -> (i32, i32) {
    %c0_i32 = arith.constant 0 : i32
    %c0_i32_0 = arith.constant 0 : i32
    %c0_i32_1 = arith.constant 0 : i32
    return %c0_i32, %c0_i32_0 : i32, i32
  }
}

</mosaic_0001>

<sc_bundles>
// kernel: kernel.20.cloned.1.call-start
scs
__scs_entry_jumppad:
0x0: {  	(pc) =	sbr.rel $0x88, $3  }
0x1: {  	(tag) =	ssettag $0x0;
	lr =	simm.s32 $0x1  }
0x2: {  	[smem:$0x3F71] =	sst lr;
	_ =	strace $0xD0000000  }
0x3: {  	_ = 	snop  }
0x4: {  	_ = 	snop  }
0x5: {  	_ = 	snop  }
0x6: {  	_ = 	snop  }
0x7: {  	_ = 	snop  }
__scs_overlays_trampoline_lowered:
0x8: {  	[smem:$0x3F80] =	sst s0  }
0x9: {  	[smem:$0x3F81] =	sst s1  }
0xa: {  	[smem:$0x3F82] =	sst s2  }
0xb: {  	[smem:$0x3F83] =	sst s3  }
0xc: {  	[smem:$0x3F84] =	sst s4  }
0xd: {  	[smem:$0x3F85] =	sst s5  }
0xe: {  	[smem:$0x3F86] =	sst s6  }
0xf: {  	[smem:$0x3F87] =	sst s7  }
0x10: {  	[smem:$0x3F88] =	sst s8  }
0x11: {  	[smem:$0x3F89] =	sst s9;
	s0 =	simm.s32 @!p0 $0x0  }
0x12: {  	s1 =	sld [smem:$0x3F6F];
	s0 =	simm.s32 @p0 $0x1  }
0x13: {  	[smem:$0x3F8A] =	sst s0;
	s0 =	simm.s32 @!p1 $0x0  }
0x14: {  	s2 =	sld [smem:$0x3F6E];
	s0 =	simm.s32 @p1 $0x1  }
0x15: {  	[smem:$0x3F8B] =	sst s0;
	s0 =	simm.s32 @!p2 $0x0  }
0x16: {  	s3 =	sld [smem:$0x3FDB];
	s0 =	simm.s32 @p2 $0x1  }
0x17: {  	s4 =	simm.s32 $0x1BF5;
	[smem:$0x3F8D] =	sst s0  }
0x18: {  	s0 =	sld [smem:$0x3F70];
	_ =	swait.ge [sflag:s4], $0x0  }
0x19: {  	s7 =	sld [smem:$0x3F71]  }
0x1a: {  	s8 =	sadd.s32 $0xFFFFE003, lr  }
0x1b: {  	s9 =	sadd.s32 $0xFFFFFEF7, lr;
	s5 =	simm.s32 $0xFFFFFFFF;
	p2 =	slt.u32 s8, $0xFFFFF086  }
0x1c: {  	p1 =	slt.u32 s9, $0xF7A;
	s5 =	simm.s32 @!p2 $0x0  }
0x1d: {  	s5 =	simm.s32 @p1 $0x1;
	p0 =	seq.s32 s7, s2  }
0x1e: {  	s7 =	smul.u32 @!p0 $0xF7A, s2;
	p2 =	seq.s32 @!p0 s5, $0x0  }
0x1f: {  	s9 =	smul.u32 $0xF7A, s1;
	s8 =	simm.s32 @!p0 $0x1BF5;
	p2 =	por !p2, p0  }
0x20: {  	[sflag:s8] =	ssyncset.s32 @!p0 $0xFFFFF086;
	s6 =	sadd.s32 @!p0 s3, s7;
	s7 =	simm.s32 @!p0 $0x108  }
0x21: {  	s3 =	sadd.s32 s3, s9;
	s6 =	sadd.s32 @!p0 $0x88, s6;
	s7 =	simm.s32 @p2 $0x1082  }
0x22: {  	[simem:s7], [sflag:s8] =	dma.local @!p0 [hbm:s6], $0xF7A  }
0x23: {  	s9 =	sor.u32 $0xD0000000, s2;
	s6 =	simm.s32 $0x108;
	_ =	swait.ge @!p0 [sflag:s8], $0x0  }
0x24: {  	s3 =	sadd.s32 $0x88, s3;
	s6 =	simm.s32 @!p1 $0x1082;
	[sflag:s4] =	ssyncset.s32 $0xFFFFF086  }
0x25: {  	[simem:s6], [sflag:s4] =	dma.local [hbm:s3], $0xF7A  }
0x26: {  	[smem:$0x3F71] =	sst s1;
	(tag) =	ssettag s2;
	_ =	strace s9  }
0x27: {  	s1 =	sld [smem:$0x3F81]  }
0x28: {  	s2 =	sld [smem:$0x3F82]  }
0x29: {  	s4 =	sld [smem:$0x3F84]  }
0x2a: {  	p0 =	seq.s32 s5, $0x0;
	s5 =	sld [smem:$0x3F85]  }
0x2b: {  	s6 =	sld [smem:$0x3F86]  }
0x2c: {  	s7 =	sld [smem:$0x3F87]  }
0x2d: {  	s3 =	simm.s32 $0x108;
	s8 =	sld [smem:$0x3F88]  }
0x2e: {  	s3 =	simm.s32 @!p0 $0x1082;
	s9 =	sld [smem:$0x3F89]  }
0x2f: {  	lr =	sadd.s32 s0, s3;
	s0 =	sld [smem:$0x3F80]  }
0x30: {  	s3 =	sld [smem:$0x3F83]  }
0x31: {  	[smem:$0x3F8C] =	sst s10  }
0x32: {  	s10 =	sld [smem:$0x3F8A];
	_ =	sdelay $0x3  }
0x33: {  	p0 =	seq.s32 s10, $0x1;
	s10 =	sld [smem:$0x3F8C];
	_ =	sdelay $0x3  }
0x34: {  	[smem:$0x3F8C] =	sst s10  }
0x35: {  	s10 =	sld [smem:$0x3F8B];
	_ =	sdelay $0x3  }
0x36: {  	p1 =	seq.s32 s10, $0x1;
	s10 =	sld [smem:$0x3F8C];
	_ =	sdelay $0x3  }
0x37: {  	[smem:$0x3F8C] =	sst s10  }
0x38: {  	s10 =	sld [smem:$0x3F8D]  }
0x39: {  	_ = 	snop;
	(pc) =	sbr.ind lr, $3  }
0x3a: {  	_ = 	snop  }
0x3b: {  	_ = 	snop  }
0x3c: {  	p2 =	seq.s32 s10, $0x1;
	s10 =	sld [smem:$0x3F8C]  }
0x3d: {  	_ =	shalt  }
0x3e: {  	_ =	shalt  }
0x3f: {  	_ =	shalt  }
0x40: {  	_ =	shalt  }
0x41: {  	_ =	shalt  }
0x42: {  	_ =	shalt  }
0x43: {  	_ =	shalt  }
0x44: {  	_ =	shalt  }
0x45: {  	_ =	shalt  }
0x46: {  	_ =	shalt  }
0x47: {  	_ =	shalt  }
0x48: {  	_ =	shalt  }
0x49: {  	_ =	shalt  }
0x4a: {  	_ =	shalt  }
0x4b: {  	_ =	shalt  }
0x4c: {  	_ =	shalt  }
0x4d: {  	_ =	shalt  }
0x4e: {  	_ =	shalt  }
0x4f: {  	_ =	shalt  }
0x50: {  	_ =	shalt  }
0x51: {  	_ =	shalt  }
0x52: {  	_ =	shalt  }
0x53: {  	_ =	shalt  }
0x54: {  	_ =	shalt  }
0x55: {  	_ =	shalt  }
0x56: {  	_ =	shalt  }
0x57: {  	_ =	shalt  }
0x58: {  	_ =	shalt  }
0x59: {  	_ =	shalt  }
0x5a: {  	_ =	shalt  }
0x5b: {  	_ =	shalt  }
0x5c: {  	_ =	shalt  }
0x5d: {  	_ =	shalt  }
0x5e: {  	_ =	shalt  }
0x5f: {  	_ =	shalt  }
0x60: {  	_ =	shalt  }
0x61: {  	_ =	shalt  }
0x62: {  	_ =	shalt  }
0x63: {  	_ =	shalt  }
0x64: {  	_ =	shalt  }
0x65: {  	_ =	shalt  }
0x66: {  	_ =	shalt  }
0x67: {  	_ =	shalt  }
0x68: {  	_ =	shalt  }
0x69: {  	_ =	shalt  }
0x6a: {  	_ =	shalt  }
0x6b: {  	_ =	shalt  }
0x6c: {  	_ =	shalt  }
0x6d: {  	_ =	shalt  }
0x6e: {  	_ =	shalt  }
0x6f: {  	_ =	shalt  }
0x70: {  	_ =	shalt  }
0x71: {  	_ =	shalt  }
0x72: {  	_ =	shalt  }
0x73: {  	_ =	shalt  }
0x74: {  	_ =	shalt  }
0x75: {  	_ =	shalt  }
0x76: {  	_ =	shalt  }
0x77: {  	_ =	shalt  }
0x78: {  	_ =	shalt  }
0x79: {  	_ =	shalt  }
0x7a: {  	_ =	shalt  }
0x7b: {  	_ =	shalt  }
0x7c: {  	_ =	shalt  }
0x7d: {  	_ =	shalt  }
0x7e: {  	_ =	shalt  }
0x7f: {  	_ =	shalt  }
0x80: {  	_ =	shalt  }
0x81: {  	_ =	shalt  }
0x82: {  	_ =	shalt  }
0x83: {  	_ =	shalt  }
0x84: {  	_ =	shalt  }
0x85: {  	_ =	shalt  }
0x86: {  	_ =	shalt  }
0x87: {  	_ =	shalt  }
.Lfunc_end0:
.L_simem_size_0:
called_computation_lowered:
.L_overlay_start_0:
0x88: {  	s2 =	sld [smem:$0x3FD9]  }
0x89: {  	s3 =	sld [smem:$0x3FFE];
	_ =	sdelay $0x1  }
0x8a: {  	s1 =	srdreg.scid  }
0x8b: {  	s0 =	sand.u32 $0x1, s1  }
0x8c: {  	s16 =	sshll.u32 s0, $0xA;
	s2 =	sadd.s32 s3, s2  }
0x8d: {  	s2 =	sadd.s32 s2, s16  }
0x8e: {  	[smem:$0x3F98] =	sst s2  }
0x8f: {  	_ = 	snop  }
0x90: {  	(tm) =	ssettm $0x1  }
0x91: {  	s17 =	sld [smem:$0x3FFB];
	_ =	sdelay $0x3  }
0x92: {  	_ =	strace s17  }
0x93: {  	s2 =	sld [smem:$0x3FFC];
	_ =	sdelay $0x3  }
0x94: {  	_ =	strace s2  }
0x95: {  	s2 =	sld [smem:$0x3FFD];
	_ =	sdelay $0x3  }
0x96: {  	_ =	strace s2  }
0x97: {  	_ =	strace $0x8FFFFFFF  }
0x98: {  	s18 =	sld [smem:$0x3FDB];
	_ =	sdelay $0x1  }
0x99: {  	s19 =	simm.s32 $_scs_section_size  }
0x9a: {  	s4 =	simm.s32 $_size__tile_overlayer_lowered;
	s5 =	simm.s32 $_tile_overlayer_lowered  }
0x9b: {  	s22 =	simm.s32 $0x1BFF;
	s21 =	sshll.u32 s5, $0x1;
	s2 =	sadd.s32 s19, s18  }
0x9c: {  	s6 =	simm.s32 $0x0;
	s20 =	sshll.u32 s4, $0x1;
	s4 =	sadd.s32 s21, s2  }
0x9d: {  	[timem:s6], [sflag:s22] =	dma.local [hbm:s4], s20  }
0x9e: {  	_ =	swait.ge [sflag:s22], s20  }
0x9f: {  	s3 =	ssub.s32 $0x0, s20;
	[sflag:s22] =	ssyncset.done $0x0  }
0xa0: {  	[sflag:s22] =	ssyncadd.s32 s3;
	_ =	sdelay $0x1  }
0xa1: {  	s23 =	simm.s32 $0x1B8B  }
0xa2: {  	_ =	swait.ge [sflag:s23], $0x1  }
0xa3: {  	[sflag:s23] =	ssyncset.done $0x0  }
0xa4: {  	s25 =	simm.s32 $0x1B8E;
	s24 =	sld [smem:$0x3FFE];
	[sflag:s23] =	ssyncadd.s32 $0xFFFFFFFF  }
0xa5: {  	s26 =	simm.s32 $execute0_lowered;
	[smem:$0x3FD2] =	sst s25  }
0xa6: {  	s4 =	sshll.u32 s26, $0x1;
	_ =	strace $0x80000046;
	[dreg:$0x1] =	wrdreg $0xFFFFFFFF  }
0xa7: {  	s28 =	simm.s32 $_size_execute0_lowered;
	s2 =	sadd.s32 s2, s4;
	[dreg:$0x0] =	wrdreg $0x0  }
0xa8: {  	s4 =	sshll.u32 s28, $0x1;
	[dreg:$0x2] =	wrdreg s2  }
0xa9: {  	[dreg:$0x3] =	wrdreg s4  }
0xaa: {  	[dreg:$0x4] =	wrdreg $0xC0  }
0xab: {  	_ =	task [dreg:s6], $0x5FFFF  }
0xac: {  	[dreg:$0x1] =	wrdreg $0xFFFFFFFF  }
0xad: {  	[dreg:$0x0] =	wrdreg $0x60  }
0xae: {  	[dreg:$0x2] =	wrdreg s24  }
0xaf: {  	[dreg:$0x3] =	wrdreg $0x9  }
0xb0: {  	_ =	task.clear_ibuf [dreg:s6], $0x4FFFF;
	_ =	strace $0x90000046  }
0xb1: {  	s29 =	simm.s32 $0x9;
	_ =	strace $0x80000048  }
0xb2: {  	_ =	swait.ge [sflag:s29], $0x1  }
0xb3: {  	[sflag:s29] =	ssyncadd.s32 $0xFFFFFFFF  }
0xb4: {  	_ =	strace $0x90000048  }
0xb5: {  	_ =	sfence  }
0xb6: {  	s30 =	sld [smem:$0x0];
	_ =	sdelay $0x2  }
0xb7: {  	s31 =	sshll.u32 s1, $0xD;
	s1 =	sshrl.u32 s1, $0x2  }
0xb8: {  	s3 =	sand.u32 $0x4000, s31;
	s1 =	sadd.s32 s1, s30  }
0xb9: {  	s0 =	sor.u32 s3, s0;
	s1 =	sshll.u32 s1, $0x11  }
0xba: {  	s0 =	sor.u32 s1, s0  }
0xbb: {  	s0 =	sadd.s32 $0x8F2B, s0  }
0xbc: {  	[sflag:s0] =	ssyncadd.remote.s32 $0x1  }
0xbd: {  	_ =	sfence.sel $0xFFFF  }
0xbe: {  	[dreg:$0x0] =	wrdreg $0xFFFFFFFF;
	(pc) =	sbr.abs _section_cstart, $3  }
0xbf: {  	[dreg:$0x1] =	wrdreg $0xFFFFFFFF  }
0xc0: {  	_ =	task.clear_ibuf [dreg:s6], $0x2FFFF;
	_ =	strace $0x9FFFFFFF  }
0xc1: {  	(tm) =	ssettm $0x7FFFFFFF  }
tec
execute0_lowered:
.L_overlay_start_1:
0x0: {  	(tag) =	ssettag $0x1  }
0x1: {  	s6 =	rddreg [dreg:$0x0]  }
0x2: {  	s0 =	rddreg [dreg:$0x1]  }
0x3: {  	s3 =	srdreg.scid;
	s1 =	stileid.u32;
	s2 =	simm.s32 $0x0  }
0x4: {  	s11 =	simm.s32 $0x2780;
	s12 =	simm.s32 $0x4F00;
	s13 =	simm.s32 $0x7680  }
0x5: {  	s14 =	simm.s32 $0x8A80;
	s5 =	sand.u32 $0x1, s3;
	s30 =	sshll.u32 s1, $0x1  }
0x6: {  	s15 =	simm.s32 $0x9E80;
	s16 =	simm.s32 $0x0;
	s3 =	sor.u32 s5, s30  }
0x7: {  	[smem:$0x7FF] =	sst s2;
	s4 =	sadd.s32 $0x14800, s6;
	s7 =	smul.u32 $0x272, s3  }
0x8: {  	_ =	strace $0x80000047;
	s8 =	ssub.s32 $0x2, s5;
	s5 =	sadd.s32 $0x14200, s6  }
0x9: {  	s3 =	sadd.s32 $0x14E00, s6;
	s31 =	sshrl.u32 s8, $0x1;
	s9 =	sadd.s32 s7, s6  }
0xa: {  	s10 =	ssub.s32 s8, s31;
	s6 =	sadd.s32 $0x15400, s9;
	s7 =	sadd.s32 $0x1A400, s9  }
0xb: {  	s8 =	sadd.s32 $0x1F400, s9;
	s9 =	smax.u32 s10, $0x1;
	s10 =	simm.s32 $0x1  }
.LBB2_1:
0xc: {  	[tilespmem:s2], [sflag:$0x1] =	stream.linear.gather [hbm4b:s3+s2], $0x2780, $0x38;
	[tilespmem:$0xB280] =	vst v63  }
0xd: {  	_ =	swait.ge [sflag:s10], $0x2780  }
0xe: {  	[sflag:s10] =	ssyncset.done $0x0  }
0xf: {  	[sflag:s10] =	ssyncadd.s32 $0xFFFFD880  }
0x10: {  	[tilespmem:s11], [sflag:$0x1] =	stream.linear.gather [hbm4b:s4+s2], $0x2780, $0x38;
	[tilespmem:$0xB280] =	vst v63  }
0x11: {  	_ =	swait.ge [sflag:s10], $0x2780  }
0x12: {  	[sflag:s10] =	ssyncset.done $0x0  }
0x13: {  	[sflag:s10] =	ssyncadd.s32 $0xFFFFD880  }
0x14: {  	[tilespmem:s12], [sflag:$0x1] =	stream.linear.gather [hbm4b:s5+s2], $0x2780, $0x38;
	[tilespmem:$0xB280] =	vst v63  }
0x15: {  	_ =	swait.ge [sflag:s10], $0x2780  }
0x16: {  	[sflag:s10] =	ssyncset.done $0x0  }
0x17: {  	[sflag:s10] =	ssyncadd.s32 $0xFFFFD880  }
0x18: {  	[tilespmem:s13], [sflag:$0x1] =	stream.linear.gather [hbm4b:s6+s2], $0x1390, $0x38;
	[tilespmem:$0xB280] =	vst v63  }
0x19: {  	_ =	swait.ge [sflag:s10], $0x1390  }
0x1a: {  	[sflag:s10] =	ssyncset.done $0x0  }
0x1b: {  	[sflag:s10] =	ssyncadd.s32 $0xFFFFEC70  }
0x1c: {  	[tilespmem:s14], [sflag:$0x1] =	stream.linear.gather [hbm4b:s7+s2], $0x1390, $0x38;
	[tilespmem:$0xB280] =	vst v63  }
0x1d: {  	_ =	swait.ge [sflag:s10], $0x1390  }
0x1e: {  	[sflag:s10] =	ssyncset.done $0x0  }
0x1f: {  	s17 =	simm.s32 $0x0;
	[sflag:s10] =	ssyncadd.s32 $0xFFFFEC70  }
0x20: {  	v0 =	vld [tilespmem:s17+$0x7680]  }
0x21: {  	v1 =	vld [tilespmem:s17+$0x8A80];
	_ =	sdelay $0x6  }
0x22: {  	v2 =	vld.idx.msk [tilespmem:v0+s2+$0x0], $0xffff  }
0x23: {  	v3 =	vld.idx.msk [tilespmem:v1+s2+$0x0], $0xffff  }
0x24: {  	v4 =	vld.idx.msk [tilespmem:v1+s11+$0x0], $0xffff  }
0x25: {  	v5 =	vld.idx.msk [tilespmem:v0+s11+$0x0], $0xffff  }
0x26: {  	v6 =	vld.idx.msk [tilespmem:v1+s12+$0x0], $0xffff  }
0x27: {  	v7 =	vld.idx.msk [tilespmem:v0+s12+$0x0], $0xffff;
	_ =	sdelay $0x2  }
0x28: {  	s18 =	simm.s32 $0x10;
	v3 =	vsub.f32 v3, v2;
	v4 =	vsub.f32 v4, v5  }
0x29: {  	v0 =	vld [tilespmem:s18+$0x7680]  }
0x2a: {  	v1 =	vld [tilespmem:s18+$0x8A80];
	v2 =	vsub.f32 v6, v7;
	v3 =	vmul.f32 v3, v3;
	v4 =	vmul.f32 v4, v4  }
0x2b: {  	s19 =	simm.s32 $0x80  }
.LBB2_2:
0x2c: {  	p0 =	sne.s32 s19, $0x4E00;
	v3 =	vadd.f32 v4, v3;
	v2 =	vmul.f32 v2, v2;
	_ =	sdelay $0x1  }
0x2d: {  	v2 =	vadd.f32 v2, v3;
	_ =	sdelay $0x1  }
0x2e: {  	[tilespmem:s17+$0x9E80] =	vst v2;
	s17 =	smov.u32 s18  }
0x2f: {  	v2 =	vld.idx.msk [tilespmem:v0+s2+$0x0], $0xffff  }
0x30: {  	v3 =	vld.idx.msk [tilespmem:v1+s2+$0x0], $0xffff  }
0x31: {  	v4 =	vld.idx.msk [tilespmem:v1+s11+$0x0], $0xffff  }
0x32: {  	v5 =	vld.idx.msk [tilespmem:v0+s11+$0x0], $0xffff  }
0x33: {  	v6 =	vld.idx.msk [tilespmem:v1+s12+$0x0], $0xffff  }
0x34: {  	v7 =	vld.idx.msk [tilespmem:v0+s12+$0x0], $0xffff;
	_ =	sdelay $0x2  }
.Ltmp0:
0x35: {  	(pc) =	sbr.rel @p0 .LBB2_2-.Ltmp0, $4  }
0x36: {  	s18 =	sshra.s32 s19, $0x2;
	v3 =	vsub.f32 v3, v2;
	v4 =	vsub.f32 v4, v5  }
0x37: {  	v0 =	vld [tilespmem:s18+$0x7680]  }
0x38: {  	v3 =	vmul.f32 v3, v3;
	v2 =	vsub.f32 v6, v7;
	v4 =	vmul.f32 v4, v4;
	v1 =	vld [tilespmem:s18+$0x8A80]  }
0x39: {  	s19 =	sadd.s32 $0x40, s19  }
0x3a: {  	_ = 	snop  }
0x3b: {  	v3 =	vadd.f32 v4, v3;
	v2 =	vmul.f32 v2, v2;
	_ =	sdelay $0x1  }
0x3c: {  	v2 =	vadd.f32 v2, v3;
	_ =	sdelay $0x1  }
0x3d: {  	[tilespmem:s17+$0x9E80] =	vst v2  }
0x3e: {  	v2 =	vld.idx.msk [tilespmem:v0+s2+$0x0], $0xffff  }
0x3f: {  	v57 =	vld.idx.msk [tilespmem:v1+s2+$0x0], $0xffff  }
0x40: {  	v58 =	vld.idx.msk [tilespmem:v1+s11+$0x0], $0xffff  }
0x41: {  	v5 =	vld.idx.msk [tilespmem:v0+s11+$0x0], $0xffff  }
0x42: {  	v59 =	vld.idx.msk [tilespmem:v1+s12+$0x0], $0xffff  }
0x43: {  	v60 =	vld.idx.msk [tilespmem:v0+s12+$0x0], $0xffff;
	_ =	sdelay $0x2  }
0x44: {  	v2 =	vsub.f32 v57, v2;
	v61 =	vsub.f32 v58, v5;
	_ =	sdelay $0x1  }
0x45: {  	v0 =	vsub.f32 v59, v60;
	v62 =	vmul.f32 v2, v2;
	v63 =	vmul.f32 v61, v61;
	_ =	sdelay $0x1  }
0x46: {  	v0 =	vmul.f32 v0, v0;
	v1 =	vadd.f32 v63, v62;
	_ =	sdelay $0x1  }
0x47: {  	s16 =	sadd.s32 $0x1, s16;
	v0 =	vadd.f32 v0, v1  }
0x48: {  	p0 =	sne.s32 s16, s9  }
.Ltmp1:
0x49: {  	[tilespmem:s18+$0x9E80] =	vst v0;
	(pc) =	sbr.rel @p0 .LBB2_1-.Ltmp1, $4  }
0x4a: {  	[hbm4b:s8+s2] =	stream.linear.scatter [tilespmem:s15], [sflag:$0x1], $0x1390, $0x38;
	[tilespmem:$0xB280] =	vst v63  }
0x4b: {  	_ =	swait.ge [sflag:s10], $0x1390  }
0x4c: {  	[sflag:s10] =	ssyncset.done $0x0  }
0x4d: {  	[sflag:s10] =	ssyncadd.s32 $0xFFFFEC70  }
0x4e: {  	_ =	sfence.sel $0x180000  }
0x4f: {  	[bflag:$0x0] =	sbarrier.arrive $0xFFFF  }
0x50: {  	p0 =	sne.s32 s1, $0x0;
	_ =	strace $0x90000047  }
0x51: {  	s0 =	sadd.s32 @!p0 $0x100000, s0;
	[bflag:$0x2] =	sbarrier.arrive $0xFFFF  }
0x52: {  	[sflag:s0] =	ssyncadd.tile.s32 @!p0 $0x1;
	_ =	shalt  }
.Lfunc_end2:
_tile_overlayer_lowered:
.L_overlay_start_2:
0x53: {  	(tag) =	ssettag $0x2  }
0x54: {  	s0 =	rddreg [dreg:$0x0];
	s2 =	stileid.u32  }
0x55: {  	s1 =	rddreg [dreg:$0x1];
	p0 =	sne.s32 s2, $0x0  }
0x56: {  	s3 =	rddreg [dreg:$0x2];
	[bflag:$0x3] =	sbarrier.arrive $0xFFFF;
	s2 =	simm.s32 @!p0 $0x1C01  }
0x57: {  	[timem:s3], [sflag:s2] =	dma.local @!p0 [hbm:s0], s1  }
0x58: {  	s0 =	simm.s32 @!p0 $0x1  }
0x59: {  	_ =	swait.ge @!p0 [sflag:s0], s1  }
0x5a: {  	s1 =	ssub.s32 @!p0 $0x0, s1;
	[sflag:s0] =	ssyncset.done @!p0 $0x0  }
0x5b: {  	[sflag:s0] =	ssyncadd.s32 @!p0 s1  }
0x5c: {  	[bflag:$0x3] =	sbarrier.arrive $0xFFFF  }
0x5d: {  	_ =	shalt  }

// kernel: kernel.23.cloned.1.call-start
scs
__scs_entry_jumppad:
0x0: {  	(pc) =	sbr.rel $0x88, $3  }
0x1: {  	(tag) =	ssettag $0x0;
	lr =	simm.s32 $0x1  }
0x2: {  	[smem:$0x3F71] =	sst lr;
	_ =	strace $0xD0000000  }
0x3: {  	_ = 	snop  }
0x4: {  	_ = 	snop  }
0x5: {  	_ = 	snop  }
0x6: {  	_ = 	snop  }
0x7: {  	_ = 	snop  }
__scs_overlays_trampoline_lowered:
0x8: {  	[smem:$0x3F80] =	sst s0  }
0x9: {  	[smem:$0x3F81] =	sst s1  }
0xa: {  	[smem:$0x3F82] =	sst s2  }
0xb: {  	[smem:$0x3F83] =	sst s3  }
0xc: {  	[smem:$0x3F84] =	sst s4  }
0xd: {  	[smem:$0x3F85] =	sst s5  }
0xe: {  	[smem:$0x3F86] =	sst s6  }
0xf: {  	[smem:$0x3F87] =	sst s7  }
0x10: {  	[smem:$0x3F88] =	sst s8  }
0x11: {  	[smem:$0x3F89] =	sst s9;
	s0 =	simm.s32 @!p0 $0x0  }
0x12: {  	s1 =	sld [smem:$0x3F6F];
	s0 =	simm.s32 @p0 $0x1  }
0x13: {  	[smem:$0x3F8A] =	sst s0;
	s0 =	simm.s32 @!p1 $0x0  }
0x14: {  	s2 =	sld [smem:$0x3F6E];
	s0 =	simm.s32 @p1 $0x1  }
0x15: {  	[smem:$0x3F8B] =	sst s0;
	s0 =	simm.s32 @!p2 $0x0  }
0x16: {  	s3 =	sld [smem:$0x3FDB];
	s0 =	simm.s32 @p2 $0x1  }
0x17: {  	s4 =	simm.s32 $0x1BF5;
	[smem:$0x3F8D] =	sst s0  }
0x18: {  	s0 =	sld [smem:$0x3F70];
	_ =	swait.ge [sflag:s4], $0x0  }
0x19: {  	s7 =	sld [smem:$0x3F71]  }
0x1a: {  	s8 =	sadd.s32 $0xFFFFE003, lr  }
0x1b: {  	s9 =	sadd.s32 $0xFFFFFEF7, lr;
	s5 =	simm.s32 $0xFFFFFFFF;
	p2 =	slt.u32 s8, $0xFFFFF086  }
0x1c: {  	p1 =	slt.u32 s9, $0xF7A;
	s5 =	simm.s32 @!p2 $0x0  }
0x1d: {  	s5 =	simm.s32 @p1 $0x1;
	p0 =	seq.s32 s7, s2  }
0x1e: {  	s7 =	smul.u32 @!p0 $0xF7A, s2;
	p2 =	seq.s32 @!p0 s5, $0x0  }
0x1f: {  	s9 =	smul.u32 $0xF7A, s1;
	s8 =	simm.s32 @!p0 $0x1BF5;
	p2 =	por !p2, p0  }
0x20: {  	[sflag:s8] =	ssyncset.s32 @!p0 $0xFFFFF086;
	s6 =	sadd.s32 @!p0 s3, s7;
	s7 =	simm.s32 @!p0 $0x108  }
0x21: {  	s3 =	sadd.s32 s3, s9;
	s6 =	sadd.s32 @!p0 $0x88, s6;
	s7 =	simm.s32 @p2 $0x1082  }
0x22: {  	[simem:s7], [sflag:s8] =	dma.local @!p0 [hbm:s6], $0xF7A  }
0x23: {  	s9 =	sor.u32 $0xD0000000, s2;
	s6 =	simm.s32 $0x108;
	_ =	swait.ge @!p0 [sflag:s8], $0x0  }
0x24: {  	s3 =	sadd.s32 $0x88, s3;
	s6 =	simm.s32 @!p1 $0x1082;
	[sflag:s4] =	ssyncset.s32 $0xFFFFF086  }
0x25: {  	[simem:s6], [sflag:s4] =	dma.local [hbm:s3], $0xF7A  }
0x26: {  	[smem:$0x3F71] =	sst s1;
	(tag) =	ssettag s2;
	_ =	strace s9  }
0x27: {  	s1 =	sld [smem:$0x3F81]  }
0x28: {  	s2 =	sld [smem:$0x3F82]  }
0x29: {  	s4 =	sld [smem:$0x3F84]  }
0x2a: {  	p0 =	seq.s32 s5, $0x0;
	s5 =	sld [smem:$0x3F85]  }
0x2b: {  	s6 =	sld [smem:$0x3F86]  }
0x2c: {  	s7 =	sld [smem:$0x3F87]  }
0x2d: {  	s3 =	simm.s32 $0x108;
	s8 =	sld [smem:$0x3F88]  }
0x2e: {  	s3 =	simm.s32 @!p0 $0x1082;
	s9 =	sld [smem:$0x3F89]  }
0x2f: {  	lr =	sadd.s32 s0, s3;
	s0 =	sld [smem:$0x3F80]  }
0x30: {  	s3 =	sld [smem:$0x3F83]  }
0x31: {  	[smem:$0x3F8C] =	sst s10  }
0x32: {  	s10 =	sld [smem:$0x3F8A];
	_ =	sdelay $0x3  }
0x33: {  	p0 =	seq.s32 s10, $0x1;
	s10 =	sld [smem:$0x3F8C];
	_ =	sdelay $0x3  }
0x34: {  	[smem:$0x3F8C] =	sst s10  }
0x35: {  	s10 =	sld [smem:$0x3F8B];
	_ =	sdelay $0x3  }
0x36: {  	p1 =	seq.s32 s10, $0x1;
	s10 =	sld [smem:$0x3F8C];
	_ =	sdelay $0x3  }
0x37: {  	[smem:$0x3F8C] =	sst s10  }
0x38: {  	s10 =	sld [smem:$0x3F8D]  }
0x39: {  	_ = 	snop;
	(pc) =	sbr.ind lr, $3  }
0x3a: {  	_ = 	snop  }
0x3b: {  	_ = 	snop  }
0x3c: {  	p2 =	seq.s32 s10, $0x1;
	s10 =	sld [smem:$0x3F8C]  }
0x3d: {  	_ =	shalt  }
0x3e: {  	_ =	shalt  }
0x3f: {  	_ =	shalt  }
0x40: {  	_ =	shalt  }
0x41: {  	_ =	shalt  }
0x42: {  	_ =	shalt  }
0x43: {  	_ =	shalt  }
0x44: {  	_ =	shalt  }
0x45: {  	_ =	shalt  }
0x46: {  	_ =	shalt  }
0x47: {  	_ =	shalt  }
0x48: {  	_ =	shalt  }
0x49: {  	_ =	shalt  }
0x4a: {  	_ =	shalt  }
0x4b: {  	_ =	shalt  }
0x4c: {  	_ =	shalt  }
0x4d: {  	_ =	shalt  }
0x4e: {  	_ =	shalt  }
0x4f: {  	_ =	shalt  }
0x50: {  	_ =	shalt  }
0x51: {  	_ =	shalt  }
0x52: {  	_ =	shalt  }
0x53: {  	_ =	shalt  }
0x54: {  	_ =	shalt  }
0x55: {  	_ =	shalt  }
0x56: {  	_ =	shalt  }
0x57: {  	_ =	shalt  }
0x58: {  	_ =	shalt  }
0x59: {  	_ =	shalt  }
0x5a: {  	_ =	shalt  }
0x5b: {  	_ =	shalt  }
0x5c: {  	_ =	shalt  }
0x5d: {  	_ =	shalt  }
0x5e: {  	_ =	shalt  }
0x5f: {  	_ =	shalt  }
0x60: {  	_ =	shalt  }
0x61: {  	_ =	shalt  }
0x62: {  	_ =	shalt  }
0x63: {  	_ =	shalt  }
0x64: {  	_ =	shalt  }
0x65: {  	_ =	shalt  }
0x66: {  	_ =	shalt  }
0x67: {  	_ =	shalt  }
0x68: {  	_ =	shalt  }
0x69: {  	_ =	shalt  }
0x6a: {  	_ =	shalt  }
0x6b: {  	_ =	shalt  }
0x6c: {  	_ =	shalt  }
0x6d: {  	_ =	shalt  }
0x6e: {  	_ =	shalt  }
0x6f: {  	_ =	shalt  }
0x70: {  	_ =	shalt  }
0x71: {  	_ =	shalt  }
0x72: {  	_ =	shalt  }
0x73: {  	_ =	shalt  }
0x74: {  	_ =	shalt  }
0x75: {  	_ =	shalt  }
0x76: {  	_ =	shalt  }
0x77: {  	_ =	shalt  }
0x78: {  	_ =	shalt  }
0x79: {  	_ =	shalt  }
0x7a: {  	_ =	shalt  }
0x7b: {  	_ =	shalt  }
0x7c: {  	_ =	shalt  }
0x7d: {  	_ =	shalt  }
0x7e: {  	_ =	shalt  }
0x7f: {  	_ =	shalt  }
0x80: {  	_ =	shalt  }
0x81: {  	_ =	shalt  }
0x82: {  	_ =	shalt  }
0x83: {  	_ =	shalt  }
0x84: {  	_ =	shalt  }
0x85: {  	_ =	shalt  }
0x86: {  	_ =	shalt  }
0x87: {  	_ =	shalt  }
.Lfunc_end0:
.L_simem_size_0:
called_computation.1_lowered:
.L_overlay_start_0:
0x88: {  	s2 =	sld [smem:$0x3FD9]  }
0x89: {  	s3 =	sld [smem:$0x3FFE];
	_ =	sdelay $0x1  }
0x8a: {  	s1 =	srdreg.scid  }
0x8b: {  	s0 =	sand.u32 $0x1, s1  }
0x8c: {  	s17 =	sshll.u32 s0, $0xA;
	s2 =	sadd.s32 s3, s2  }
0x8d: {  	s2 =	sadd.s32 s2, s17  }
0x8e: {  	[smem:$0x3F98] =	sst s2  }
0x8f: {  	_ = 	snop  }
0x90: {  	(tm) =	ssettm $0x1  }
0x91: {  	s18 =	sld [smem:$0x3FFB];
	_ =	sdelay $0x3  }
0x92: {  	_ =	strace s18  }
0x93: {  	s2 =	sld [smem:$0x3FFC];
	_ =	sdelay $0x3  }
0x94: {  	_ =	strace s2  }
0x95: {  	s2 =	sld [smem:$0x3FFD];
	_ =	sdelay $0x3  }
0x96: {  	_ =	strace s2  }
0x97: {  	_ =	strace $0x8FFFFFFF  }
0x98: {  	s19 =	sld [smem:$0x3FDB];
	_ =	sdelay $0x1  }
0x99: {  	s20 =	simm.s32 $_scs_section_size  }
0x9a: {  	s4 =	simm.s32 $_size__tile_overlayer_lowered;
	s5 =	simm.s32 $_tile_overlayer_lowered  }
0x9b: {  	s6 =	simm.s32 $0x1BFF;
	s21 =	sshll.u32 s5, $0x1;
	s3 =	sadd.s32 s20, s19  }
0x9c: {  	s22 =	simm.s32 $0x0;
	s4 =	sshll.u32 s4, $0x1;
	s5 =	sadd.s32 s21, s3  }
0x9d: {  	[timem:s22], [sflag:s6] =	dma.local [hbm:s5], s4  }
0x9e: {  	_ =	swait.ge [sflag:s6], s4  }
0x9f: {  	s4 =	ssub.s32 $0x0, s4;
	[sflag:s6] =	ssyncset.done $0x0  }
0xa0: {  	[sflag:s6] =	ssyncadd.s32 s4;
	_ =	sdelay $0x1  }
0xa1: {  	s23 =	simm.s32 $0x1B8B  }
0xa2: {  	_ =	swait.ge [sflag:s23], $0x1  }
0xa3: {  	[sflag:s23] =	ssyncset.done $0x0  }
0xa4: {  	[sflag:s23] =	ssyncadd.s32 $0xFFFFFFFF  }
0xa5: {  	s4 =	sld [smem:$0x0]  }
0xa6: {  	s5 =	sand.u32 $0xFFFFFFFE, s1  }
0xa7: {  	p0 =	sne.s32 s1, s5  }
0xa8: {  	s5 =	sshll.u32 @p0 s5, $0xE  }
0xa9: {  	s5 =	sadd.s32 @p0 $0x11B8D, s5;
	s6 =	sshll.u32 @p0 s4, $0x11  }
0xaa: {  	s5 =	sor.u32 @p0 s6, s5  }
0xab: {  	[sflag:s5] =	ssyncadd.remote.s32 @p0 $0x1;
	_ =	sdelay $0x1  }
0xac: {  	s5 =	simm.s32 @p0 $0x1B8D  }
0xad: {  	_ =	swait.eq @p0 [sflag:s5], $0x1  }
0xae: {  	[sflag:s5] =	ssyncadd.s32 @p0 $0xFFFFFFFF  }
0xaf: {  	s6 =	sshll.u32 @!p0 s1, $0xE  }
0xb0: {  	s6 =	sor.u32 @!p0 $0x4000, s6;
	s5 =	simm.s32 @!p0 $0x1B8D  }
0xb1: {  	s4 =	sshll.u32 @!p0 s4, $0x11;
	s6 =	sadd.s32 @!p0 $0x11B8D, s6;
	_ =	swait.eq @!p0 [sflag:s5], $0x1  }
0xb2: {  	s4 =	sor.u32 @!p0 s4, s6;
	[sflag:s5] =	ssyncadd.s32 @!p0 $0xFFFFFFFF  }
0xb3: {  	s25 =	simm.s32 $0x1B8E;
	s24 =	sld [smem:$0x3FFE];
	[sflag:s4] =	ssyncadd.remote.s32 @!p0 $0x1  }
0xb4: {  	s26 =	simm.s32 $execute0_lowered;
	[smem:$0x3FD2] =	sst s25  }
0xb5: {  	s5 =	sshll.u32 s26, $0x1;
	_ =	strace $0x80000049;
	[dreg:$0x1] =	wrdreg $0xFFFFFFFF  }
0xb6: {  	s28 =	simm.s32 $_size_execute0_lowered;
	s3 =	sadd.s32 s3, s5;
	[dreg:$0x0] =	wrdreg $0x0  }
0xb7: {  	s5 =	sshll.u32 s28, $0x1;
	[dreg:$0x2] =	wrdreg s3  }
0xb8: {  	[dreg:$0x3] =	wrdreg s5  }
0xb9: {  	[dreg:$0x4] =	wrdreg $0xC0  }
0xba: {  	_ =	task [dreg:s22], $0x5FFFF  }
0xbb: {  	[dreg:$0x1] =	wrdreg $0xFFFFFFFF  }
0xbc: {  	[dreg:$0x0] =	wrdreg $0x60  }
0xbd: {  	[dreg:$0x2] =	wrdreg s24  }
0xbe: {  	[dreg:$0x3] =	wrdreg $0xA  }
0xbf: {  	_ =	task.clear_ibuf [dreg:s22], $0x4FFFF;
	_ =	strace $0x90000049  }
0xc0: {  	s29 =	simm.s32 $0xA;
	_ =	strace $0x8000004B  }
0xc1: {  	_ =	swait.ge [sflag:s29], $0x1  }
0xc2: {  	[sflag:s29] =	ssyncadd.s32 $0xFFFFFFFF  }
0xc3: {  	_ =	strace $0x9000004B  }
0xc4: {  	_ =	sfence  }
0xc5: {  	s30 =	sld [smem:$0x0];
	_ =	sdelay $0x2  }
0xc6: {  	s31 =	sshll.u32 s1, $0xD;
	s1 =	sshrl.u32 s1, $0x2  }
0xc7: {  	s4 =	sand.u32 $0x4000, s31;
	s1 =	sadd.s32 s1, s30  }
0xc8: {  	s0 =	sor.u32 s4, s0;
	s1 =	sshll.u32 s1, $0x11  }
0xc9: {  	s0 =	sor.u32 s1, s0  }
0xca: {  	s0 =	sadd.s32 $0x8F2B, s0  }
0xcb: {  	[sflag:s0] =	ssyncadd.remote.s32 $0x1  }
0xcc: {  	_ =	sfence.sel $0xFFFF  }
0xcd: {  	[dreg:$0x0] =	wrdreg $0xFFFFFFFF;
	(pc) =	sbr.abs _section_cstart, $3  }
0xce: {  	[dreg:$0x1] =	wrdreg $0xFFFFFFFF  }
0xcf: {  	_ =	task.clear_ibuf [dreg:s22], $0x2FFFF;
	_ =	strace $0x9FFFFFFF  }
0xd0: {  	(tm) =	ssettm $0x7FFFFFFF  }
0xd1: {  	_ =	shalt  }
tec
execute0_lowered:
.L_overlay_start_1:
0x0: {  	(tag) =	ssettag $0x1  }
0x1: {  	s0 =	rddreg [dreg:$0x0]  }
0x2: {  	s1 =	srdreg.scid;
	s6 =	stileid.u32  }
0x3: {  	s2 =	simm.s32 $0x0;
	s24 =	simm.s32 $0x900;
	s25 =	simm.s32 $0x1100  }
0x4: {  	s26 =	simm.s32 $0x1900;
	s9 =	simm.s32 $0x2900;
	s10 =	simm.s32 $0x3100  }
0x5: {  	s11 =	simm.s32 $0x3900;
	s12 =	simm.s32 $0x4100;
	s13 =	simm.s32 $0x4900  }
0x6: {  	s14 =	simm.s32 $0x5100;
	s15 =	simm.s32 $0x5900;
	s16 =	simm.s32 $0x6100  }
0x7: {  	s17 =	simm.s32 $0x6900;
	s18 =	simm.s32 $0x7100;
	s19 =	simm.s32 $0x7900  }
0x8: {  	s28 =	simm.s32 $0xB900;
	s29 =	simm.s32 $0xC100;
	s30 =	simm.s32 $0x1  }
0x9: {  	s31 =	simm.s32 $0x0;
	s1 =	sand.u32 $0x1, s1;
	s4 =	smul.u32 $0x2710, s6  }
0xa: {  	[smem:$0x7FF] =	sst s2;
	s3 =	sadd.s32 $0x72600, s0;
	s20 =	smul.u32 $0x4E200, s6  }
0xb: {  	s6 =	simm.s32 $0x2;
	_ =	strace $0x8000004A;
	[dreg:$0x3] =	wrdreg s24  }
0xc: {  	s5 =	smul.u32 $0x1388, s1;
	s21 =	ssub.s32 $0x2, s1;
	[dreg:$0x4] =	wrdreg s25  }
0xd: {  	s1 =	smul.u32 $0x27100, s1;
	[dreg:$0x5] =	wrdreg s26;
	s24 =	simm.s32 $0xA100  }
0xe: {  	s25 =	simm.s32 $0xA900;
	s7 =	sshrl.u32 s21, $0x1;
	s4 =	sadd.s32 s5, s4  }
0xf: {  	s26 =	simm.s32 $0xB100;
	s22 =	ssub.s32 s21, s7;
	s4 =	sshrl.u32 s4, $0x3  }
0x10: {  	s7 =	simm.s32 $0x100;
	s21 =	simm.s32 $0x8900;
	s8 =	sadd.s32 s4, s0  }
0x11: {  	s0 =	sadd.s32 s20, s0;
	s4 =	smax.u32 s22, $0x1;
	s20 =	simm.s32 $0x8100  }
0x12: {  	v2 =	vlaneseq.u32;
	[dreg:$0x6] =	wrdreg s4;
	s0 =	sadd.s32 s1, s0;
	s23 =	sadd.s32 $0xF200, s8  }
0x13: {  	vm0 =	vmmov $0xffff;
	v1 =	vshrl.u32 v2, $0x3;
	s22 =	simm.s32 $0x9100;
	s0 =	sadd.s32 $0x10EA00, s0;
	[dreg:$0x2] =	wrdreg s23  }
0x14: {  	v0 =	vand.u32 $0x7, v2;
	v2 =	vor.u32 $0x8, v2;
	v1 =	vmul.u32 $0x8, v1;
	s8 =	simm.s32 $0x2100;
	s23 =	simm.s32 $0x9900;
	[dreg:$0x7] =	wrdreg s0  }
.LBB2_1:
0x15: {  	s5 =	rddreg [dreg:$0x7];
	s1 =	simm.s32 $0x0  }
.LBB2_2:
0x16: {  	s4 =	rddreg [dreg:$0x2]  }
0x17: {  	s4 =	sadd.s32 s1, s4  }
0x18: {  	[tilespmem:s2], [sflag:$0x2] =	stream.linear.gather [hbm4b:s4+s2], $0xC8, $0x38;
	[tilespmem:$0xC900] =	vst v63  }
0x19: {  	_ =	swait.ge [sflag:s6], $0xC8  }
0x1a: {  	[sflag:s6] =	ssyncset.done $0x0  }
0x1b: {  	[sflag:s6] =	ssyncadd.s32 $0xFFFFFF38  }
0x1c: {  	v3 =	vld [tilespmem:$0x0];
	_ =	sdelay $0x4  }
0x1d: {  	v4 =	vshll.u32 v3, $0x1  }
0x1e: {  	v3 =	vand.u32 $0x7, v3;
	v4 =	vand.u32 $0xFFFFFFF0, v4  }
0x1f: {  	v3 =	vor.u32 v3, v4  }
0x20: {  	v4 =	vperm.xlane v3, v0;
	_ =	sdelay $0x1  }
0x21: {  	v3 =	vperm.xlane v3, v2;
	v4 =	vadd.s32 v1, v4;
	_ =	sdelay $0x1  }
0x22: {  	v3 =	vadd.s32 v1, v3;
	_ =	sdelay $0x2  }
0x23: {  	[tilespmem:s7], [sflag:$0x1] =	stream.indirect_vreg.gather [hbm4b:s3+s2], $0x80, v4, vm0, $0xb8;
	[tilespmem:$0xC900] =	vst v63  }
0x24: {  	s0 =	rddreg [dreg:$0x3]  }
0x25: {  	[tilespmem:s0], [sflag:$0x1] =	stream.indirect_vreg.gather [hbm4b:s3+s2], $0x80, v3, vm0, $0xb8;
	[tilespmem:$0xC900] =	vst v63  }
0x26: {  	v3 =	vld [tilespmem:$0x10];
	_ =	sdelay $0x4  }
0x27: {  	v52 =	vshll.u32 v3, $0x1  }
0x28: {  	v3 =	vand.u32 $0x7, v3;
	v4 =	vand.u32 $0xFFFFFFF0, v52  }
0x29: {  	v3 =	vor.u32 v3, v4  }
0x2a: {  	v4 =	vperm.xlane v3, v0;
	_ =	sdelay $0x1  }
0x2b: {  	v3 =	vperm.xlane v3, v2;
	v4 =	vadd.s32 v1, v4;
	_ =	sdelay $0x1  }
0x2c: {  	v3 =	vadd.s32 v1, v3;
	_ =	sdelay $0x1  }
0x2d: {  	s4 =	rddreg [dreg:$0x4]  }
0x2e: {  	[tilespmem:s4], [sflag:$0x1] =	stream.indirect_vreg.gather [hbm4b:s3+s2], $0x80, v4, vm0, $0xb8;
	[tilespmem:$0xC900] =	vst v63  }
0x2f: {  	s0 =	rddreg [dreg:$0x5]  }
0x30: {  	[tilespmem:s0], [sflag:$0x1] =	stream.indirect_vreg.gather [hbm4b:s3+s2], $0x80, v3, vm0, $0xb8;
	[tilespmem:$0xC900] =	vst v63  }
0x31: {  	v3 =	vld [tilespmem:$0x20];
	_ =	sdelay $0x4  }
0x32: {  	v53 =	vshll.u32 v3, $0x1  }
0x33: {  	v3 =	vand.u32 $0x7, v3;
	v4 =	vand.u32 $0xFFFFFFF0, v53  }
0x34: {  	v3 =	vor.u32 v3, v4  }
0x35: {  	v4 =	vperm.xlane v3, v0;
	_ =	sdelay $0x1  }
0x36: {  	v3 =	vperm.xlane v3, v2;
	v4 =	vadd.s32 v1, v4;
	_ =	sdelay $0x1  }
0x37: {  	v3 =	vadd.s32 v1, v3;
	_ =	sdelay $0x2  }
0x38: {  	[tilespmem:s8], [sflag:$0x1] =	stream.indirect_vreg.gather [hbm4b:s3+s2], $0x80, v4, vm0, $0xb8;
	[tilespmem:$0xC900] =	vst v63  }
0x39: {  	_ = 	snop  }
0x3a: {  	[tilespmem:s9], [sflag:$0x1] =	stream.indirect_vreg.gather [hbm4b:s3+s2], $0x80, v3, vm0, $0xb8;
	[tilespmem:$0xC900] =	vst v63  }
0x3b: {  	v3 =	vld [tilespmem:$0x30];
	_ =	sdelay $0x4  }
0x3c: {  	v54 =	vshll.u32 v3, $0x1  }
0x3d: {  	v3 =	vand.u32 $0x7, v3;
	v4 =	vand.u32 $0xFFFFFFF0, v54  }
0x3e: {  	v3 =	vor.u32 v3, v4  }
0x3f: {  	v4 =	vperm.xlane v3, v0;
	_ =	sdelay $0x1  }
0x40: {  	v3 =	vperm.xlane v3, v2;
	v4 =	vadd.s32 v1, v4;
	_ =	sdelay $0x1  }
0x41: {  	v3 =	vadd.s32 v1, v3;
	_ =	sdelay $0x2  }
0x42: {  	[tilespmem:s10], [sflag:$0x1] =	stream.indirect_vreg.gather [hbm4b:s3+s2], $0x80, v4, vm0, $0xb8;
	[tilespmem:$0xC900] =	vst v63  }
0x43: {  	_ = 	snop  }
0x44: {  	[tilespmem:s11], [sflag:$0x1] =	stream.indirect_vreg.gather [hbm4b:s3+s2], $0x80, v3, vm0, $0xb8;
	[tilespmem:$0xC900] =	vst v63  }
0x45: {  	v3 =	vld [tilespmem:$0x40];
	_ =	sdelay $0x4  }
0x46: {  	v55 =	vshll.u32 v3, $0x1  }
0x47: {  	v3 =	vand.u32 $0x7, v3;
	v4 =	vand.u32 $0xFFFFFFF0, v55  }
0x48: {  	v3 =	vor.u32 v3, v4  }
0x49: {  	v4 =	vperm.xlane v3, v0;
	_ =	sdelay $0x1  }
0x4a: {  	v3 =	vperm.xlane v3, v2;
	v4 =	vadd.s32 v1, v4;
	_ =	sdelay $0x1  }
0x4b: {  	v3 =	vadd.s32 v1, v3;
	_ =	sdelay $0x2  }
0x4c: {  	[tilespmem:s12], [sflag:$0x1] =	stream.indirect_vreg.gather [hbm4b:s3+s2], $0x80, v4, vm0, $0xb8;
	[tilespmem:$0xC900] =	vst v63  }
0x4d: {  	_ = 	snop  }
0x4e: {  	[tilespmem:s13], [sflag:$0x1] =	stream.indirect_vreg.gather [hbm4b:s3+s2], $0x80, v3, vm0, $0xb8;
	[tilespmem:$0xC900] =	vst v63  }
0x4f: {  	v3 =	vld [tilespmem:$0x50];
	_ =	sdelay $0x4  }
0x50: {  	v56 =	vshll.u32 v3, $0x1  }
0x51: {  	v3 =	vand.u32 $0x7, v3;
	v4 =	vand.u32 $0xFFFFFFF0, v56  }
0x52: {  	v3 =	vor.u32 v3, v4  }
0x53: {  	v4 =	vperm.xlane v3, v0;
	_ =	sdelay $0x1  }
0x54: {  	v3 =	vperm.xlane v3, v2;
	v4 =	vadd.s32 v1, v4;
	_ =	sdelay $0x1  }
0x55: {  	v3 =	vadd.s32 v1, v3;
	_ =	sdelay $0x2  }
0x56: {  	[tilespmem:s14], [sflag:$0x1] =	stream.indirect_vreg.gather [hbm4b:s3+s2], $0x80, v4, vm0, $0xb8;
	[tilespmem:$0xC900] =	vst v63  }
0x57: {  	_ = 	snop  }
0x58: {  	[tilespmem:s15], [sflag:$0x1] =	stream.indirect_vreg.gather [hbm4b:s3+s2], $0x80, v3, vm0, $0xb8;
	[tilespmem:$0xC900] =	vst v63  }
0x59: {  	v3 =	vld [tilespmem:$0x60];
	_ =	sdelay $0x4  }
0x5a: {  	v57 =	vshll.u32 v3, $0x1  }
0x5b: {  	v3 =	vand.u32 $0x7, v3;
	v4 =	vand.u32 $0xFFFFFFF0, v57  }
0x5c: {  	v3 =	vor.u32 v3, v4  }
0x5d: {  	v4 =	vperm.xlane v3, v0;
	_ =	sdelay $0x1  }
0x5e: {  	v3 =	vperm.xlane v3, v2;
	v4 =	vadd.s32 v1, v4;
	_ =	sdelay $0x1  }
0x5f: {  	v3 =	vadd.s32 v1, v3;
	_ =	sdelay $0x2  }
0x60: {  	[tilespmem:s16], [sflag:$0x1] =	stream.indirect_vreg.gather [hbm4b:s3+s2], $0x80, v4, vm0, $0xb8;
	[tilespmem:$0xC900] =	vst v63  }
0x61: {  	_ = 	snop  }
0x62: {  	[tilespmem:s17], [sflag:$0x1] =	stream.indirect_vreg.gather [hbm4b:s3+s2], $0x80, v3, vm0, $0xb8;
	[tilespmem:$0xC900] =	vst v63  }
0x63: {  	v3 =	vld [tilespmem:$0x70];
	_ =	sdelay $0x4  }
0x64: {  	v58 =	vshll.u32 v3, $0x1  }
0x65: {  	v3 =	vand.u32 $0x7, v3;
	v4 =	vand.u32 $0xFFFFFFF0, v58  }
0x66: {  	v3 =	vor.u32 v3, v4  }
0x67: {  	v4 =	vperm.xlane v3, v0;
	_ =	sdelay $0x1  }
0x68: {  	v3 =	vperm.xlane v3, v2;
	v4 =	vadd.s32 v1, v4;
	_ =	sdelay $0x1  }
0x69: {  	v3 =	vadd.s32 v1, v3;
	_ =	sdelay $0x2  }
0x6a: {  	[tilespmem:s18], [sflag:$0x1] =	stream.indirect_vreg.gather [hbm4b:s3+s2], $0x80, v4, vm0, $0xb8;
	[tilespmem:$0xC900] =	vst v63  }
0x6b: {  	_ = 	snop  }
0x6c: {  	[tilespmem:s19], [sflag:$0x1] =	stream.indirect_vreg.gather [hbm4b:s3+s2], $0x80, v3, vm0, $0xb8;
	[tilespmem:$0xC900] =	vst v63  }
0x6d: {  	v3 =	vld [tilespmem:$0x80];
	_ =	sdelay $0x4  }
0x6e: {  	v59 =	vshll.u32 v3, $0x1  }
0x6f: {  	v3 =	vand.u32 $0x7, v3;
	v4 =	vand.u32 $0xFFFFFFF0, v59  }
0x70: {  	v3 =	vor.u32 v3, v4  }
0x71: {  	v4 =	vperm.xlane v3, v0;
	_ =	sdelay $0x1  }
0x72: {  	v3 =	vperm.xlane v3, v2;
	v4 =	vadd.s32 v1, v4;
	_ =	sdelay $0x1  }
0x73: {  	v3 =	vadd.s32 v1, v3;
	_ =	sdelay $0x2  }
0x74: {  	[tilespmem:s20], [sflag:$0x1] =	stream.indirect_vreg.gather [hbm4b:s3+s2], $0x80, v4, vm0, $0xb8;
	[tilespmem:$0xC900] =	vst v63  }
0x75: {  	_ = 	snop  }
0x76: {  	[tilespmem:s21], [sflag:$0x1] =	stream.indirect_vreg.gather [hbm4b:s3+s2], $0x80, v3, vm0, $0xb8;
	[tilespmem:$0xC900] =	vst v63  }
0x77: {  	v3 =	vld [tilespmem:$0x90];
	_ =	sdelay $0x4  }
0x78: {  	v60 =	vshll.u32 v3, $0x1  }
0x79: {  	v3 =	vand.u32 $0x7, v3;
	v4 =	vand.u32 $0xFFFFFFF0, v60  }
0x7a: {  	v3 =	vor.u32 v3, v4  }
0x7b: {  	v4 =	vperm.xlane v3, v0;
	_ =	sdelay $0x1  }
0x7c: {  	v3 =	vperm.xlane v3, v2;
	v4 =	vadd.s32 v1, v4;
	_ =	sdelay $0x1  }
0x7d: {  	v3 =	vadd.s32 v1, v3;
	_ =	sdelay $0x2  }
0x7e: {  	[tilespmem:s22], [sflag:$0x1] =	stream.indirect_vreg.gather [hbm4b:s3+s2], $0x80, v4, vm0, $0xb8;
	[tilespmem:$0xC900] =	vst v63  }
0x7f: {  	_ = 	snop  }
0x80: {  	[tilespmem:s23], [sflag:$0x1] =	stream.indirect_vreg.gather [hbm4b:s3+s2], $0x80, v3, vm0, $0xb8;
	[tilespmem:$0xC900] =	vst v63  }
0x81: {  	v3 =	vld [tilespmem:$0xA0];
	_ =	sdelay $0x4  }
0x82: {  	v61 =	vshll.u32 v3, $0x1  }
0x83: {  	v3 =	vand.u32 $0x7, v3;
	v4 =	vand.u32 $0xFFFFFFF0, v61  }
0x84: {  	v3 =	vor.u32 v3, v4  }
0x85: {  	v4 =	vperm.xlane v3, v0;
	_ =	sdelay $0x1  }
0x86: {  	v3 =	vperm.xlane v3, v2;
	v4 =	vadd.s32 v1, v4;
	_ =	sdelay $0x1  }
0x87: {  	v3 =	vadd.s32 v1, v3;
	_ =	sdelay $0x2  }
0x88: {  	[tilespmem:s24], [sflag:$0x1] =	stream.indirect_vreg.gather [hbm4b:s3+s2], $0x80, v4, vm0, $0xb8;
	[tilespmem:$0xC900] =	vst v63  }
0x89: {  	_ = 	snop  }
0x8a: {  	[tilespmem:s25], [sflag:$0x1] =	stream.indirect_vreg.gather [hbm4b:s3+s2], $0x80, v3, vm0, $0xb8;
	[tilespmem:$0xC900] =	vst v63  }
0x8b: {  	v3 =	vld [tilespmem:$0xB0];
	_ =	sdelay $0x4  }
0x8c: {  	v62 =	vshll.u32 v3, $0x1  }
0x8d: {  	v3 =	vand.u32 $0x7, v3;
	v4 =	vand.u32 $0xFFFFFFF0, v62  }
0x8e: {  	v3 =	vor.u32 v3, v4  }
0x8f: {  	v4 =	vperm.xlane v3, v0;
	_ =	sdelay $0x1  }
0x90: {  	v3 =	vperm.xlane v3, v2;
	v4 =	vadd.s32 v1, v4;
	_ =	sdelay $0x1  }
0x91: {  	v3 =	vadd.s32 v1, v3;
	_ =	sdelay $0x2  }
0x92: {  	[tilespmem:s26], [sflag:$0x1] =	stream.indirect_vreg.gather [hbm4b:s3+s2], $0x80, v4, vm0, $0xb8;
	[tilespmem:$0xC900] =	vst v63  }
0x93: {  	_ = 	snop  }
0x94: {  	[tilespmem:s28], [sflag:$0x1] =	stream.indirect_vreg.gather [hbm4b:s3+s2], $0x80, v3, vm0, $0xb8;
	[tilespmem:$0xC900] =	vst v63  }
0x95: {  	v3 =	vld.msk [tilespmem:$0xC0], $0xff;
	_ =	sdelay $0x4  }
0x96: {  	v63 =	vshll.u32 v3, $0x1  }
0x97: {  	v3 =	vand.u32 $0x7, v3;
	v4 =	vand.u32 $0xFFFFFFF0, v63  }
0x98: {  	v3 =	vor.u32 v3, v4  }
0x99: {  	v3 =	vperm.xlane v3, v0;
	_ =	sdelay $0x1  }
0x9a: {  	v3 =	vadd.s32 v1, v3;
	_ =	sdelay $0x4  }
0x9b: {  	[tilespmem:s29], [sflag:$0x1] =	stream.indirect_vreg.gather [hbm4b:s3+s2], $0x80, v3, vm0, $0xb8;
	[tilespmem:$0xC900] =	vst v63  }
0x9c: {  	_ =	swait.ge [sflag:s30], $0xC800  }
0x9d: {  	p0 =	sne.s32 s1, $0x258;
	[sflag:s30] =	ssyncset.done $0x0  }
.Ltmp0:
0x9e: {  	[sflag:s30] =	ssyncadd.s32 $0xFFFF3800;
	(pc) =	sbr.rel @p0 .LBB2_2-.Ltmp0, $4  }
0x9f: {  	[hbm4b:s5+s2] =	stream.linear.scatter [tilespmem:s7], [sflag:$0x2], $0xC800, $0x38;
	[tilespmem:$0xC900] =	vst v63  }
0xa0: {  	_ =	swait.ge [sflag:s6], $0xC800  }
0xa1: {  	[sflag:s6] =	ssyncset.done $0x0  }
0xa2: {  	s1 =	sadd.s32 $0x19, s1;
	s5 =	sadd.s32 $0x1900, s5;
	[sflag:s6] =	ssyncadd.s32 $0xFFFF3800  }
0xa3: {  	s31 =	sadd.s32 $0x1, s31;
	s0 =	rddreg [dreg:$0x6]  }
0xa4: {  	p0 =	sne.s32 s31, s0  }
.Ltmp1:
0xa5: {  	_ = 	snop;
	(pc) =	sbr.rel @p0 .LBB2_1-.Ltmp1, $1  }
0xa6: {  	_ =	sdelay $0x3  }
0xa7: {  	_ =	sfence.sel $0x180000  }
0xa8: {  	[bflag:$0x0] =	sbarrier.arrive $0xFFFF  }
0xa9: {  	_ =	strace $0x9000004A  }
0xaa: {  	s0 =	stileid.u32;
	[bflag:$0x2] =	sbarrier.arrive $0xFFFF  }
0xab: {  	p0 =	sne.s32 s0, $0x0;
	s0 =	rddreg [dreg:$0x1]  }
0xac: {  	s0 =	sadd.s32 @!p0 $0x100000, s0  }
0xad: {  	[sflag:s0] =	ssyncadd.tile.s32 @!p0 $0x1;
	_ =	shalt  }
.Lfunc_end2:
_tile_overlayer_lowered:
.L_overlay_start_2:
0xae: {  	(tag) =	ssettag $0x2  }
0xaf: {  	s0 =	rddreg [dreg:$0x0];
	s2 =	stileid.u32  }
0xb0: {  	s1 =	rddreg [dreg:$0x1];
	p0 =	sne.s32 s2, $0x0  }
0xb1: {  	s3 =	rddreg [dreg:$0x2];
	[bflag:$0x3] =	sbarrier.arrive $0xFFFF;
	s2 =	simm.s32 @!p0 $0x1C02  }
0xb2: {  	[timem:s3], [sflag:s2] =	dma.local @!p0 [hbm:s0], s1  }
0xb3: {  	s0 =	simm.s32 @!p0 $0x2  }
0xb4: {  	_ =	swait.ge @!p0 [sflag:s0], s1  }
0xb5: {  	s1 =	ssub.s32 @!p0 $0x0, s1;
	[sflag:s0] =	ssyncset.done @!p0 $0x0  }
0xb6: {  	[sflag:s0] =	ssyncadd.s32 @!p0 s1  }
0xb7: {  	[bflag:$0x3] =	sbarrier.arrive $0xFFFF  }
0xb8: {  	_ =	shalt  }

// kernel: kernel.26.cloned.1.call-start
scs
__scs_entry_jumppad:
0x0: {  	(pc) =	sbr.rel $0x88, $3  }
0x1: {  	(tag) =	ssettag $0x0;
	lr =	simm.s32 $0x1  }
0x2: {  	[smem:$0x3F71] =	sst lr;
	_ =	strace $0xD0000000  }
0x3: {  	_ = 	snop  }
0x4: {  	_ = 	snop  }
0x5: {  	_ = 	snop  }
0x6: {  	_ = 	snop  }
0x7: {  	_ = 	snop  }
__scs_overlays_trampoline_lowered:
0x8: {  	[smem:$0x3F80] =	sst s0  }
0x9: {  	[smem:$0x3F81] =	sst s1  }
0xa: {  	[smem:$0x3F82] =	sst s2  }
0xb: {  	[smem:$0x3F83] =	sst s3  }
0xc: {  	[smem:$0x3F84] =	sst s4  }
0xd: {  	[smem:$0x3F85] =	sst s5  }
0xe: {  	[smem:$0x3F86] =	sst s6  }
0xf: {  	[smem:$0x3F87] =	sst s7  }
0x10: {  	[smem:$0x3F88] =	sst s8  }
0x11: {  	[smem:$0x3F89] =	sst s9;
	s0 =	simm.s32 @!p0 $0x0  }
0x12: {  	s1 =	sld [smem:$0x3F6F];
	s0 =	simm.s32 @p0 $0x1  }
0x13: {  	[smem:$0x3F8A] =	sst s0;
	s0 =	simm.s32 @!p1 $0x0  }
0x14: {  	s2 =	sld [smem:$0x3F6E];
	s0 =	simm.s32 @p1 $0x1  }
0x15: {  	[smem:$0x3F8B] =	sst s0;
	s0 =	simm.s32 @!p2 $0x0  }
0x16: {  	s3 =	sld [smem:$0x3FDB];
	s0 =	simm.s32 @p2 $0x1  }
0x17: {  	s4 =	simm.s32 $0x1BF5;
	[smem:$0x3F8D] =	sst s0  }
0x18: {  	s0 =	sld [smem:$0x3F70];
	_ =	swait.ge [sflag:s4], $0x0  }
0x19: {  	s7 =	sld [smem:$0x3F71]  }
0x1a: {  	s8 =	sadd.s32 $0xFFFFE003, lr  }
0x1b: {  	s9 =	sadd.s32 $0xFFFFFEF7, lr;
	s5 =	simm.s32 $0xFFFFFFFF;
	p2 =	slt.u32 s8, $0xFFFFF086  }
0x1c: {  	p1 =	slt.u32 s9, $0xF7A;
	s5 =	simm.s32 @!p2 $0x0  }
0x1d: {  	s5 =	simm.s32 @p1 $0x1;
	p0 =	seq.s32 s7, s2  }
0x1e: {  	s7 =	smul.u32 @!p0 $0xF7A, s2;
	p2 =	seq.s32 @!p0 s5, $0x0  }
0x1f: {  	s9 =	smul.u32 $0xF7A, s1;
	s8 =	simm.s32 @!p0 $0x1BF5;
	p2 =	por !p2, p0  }
0x20: {  	[sflag:s8] =	ssyncset.s32 @!p0 $0xFFFFF086;
	s6 =	sadd.s32 @!p0 s3, s7;
	s7 =	simm.s32 @!p0 $0x108  }
0x21: {  	s3 =	sadd.s32 s3, s9;
	s6 =	sadd.s32 @!p0 $0x88, s6;
	s7 =	simm.s32 @p2 $0x1082  }
0x22: {  	[simem:s7], [sflag:s8] =	dma.local @!p0 [hbm:s6], $0xF7A  }
0x23: {  	s9 =	sor.u32 $0xD0000000, s2;
	s6 =	simm.s32 $0x108;
	_ =	swait.ge @!p0 [sflag:s8], $0x0  }
0x24: {  	s3 =	sadd.s32 $0x88, s3;
	s6 =	simm.s32 @!p1 $0x1082;
	[sflag:s4] =	ssyncset.s32 $0xFFFFF086  }
0x25: {  	[simem:s6], [sflag:s4] =	dma.local [hbm:s3], $0xF7A  }
0x26: {  	[smem:$0x3F71] =	sst s1;
	(tag) =	ssettag s2;
	_ =	strace s9  }
0x27: {  	s1 =	sld [smem:$0x3F81]  }
0x28: {  	s2 =	sld [smem:$0x3F82]  }
0x29: {  	s4 =	sld [smem:$0x3F84]  }
0x2a: {  	p0 =	seq.s32 s5, $0x0;
	s5 =	sld [smem:$0x3F85]  }
0x2b: {  	s6 =	sld [smem:$0x3F86]  }
0x2c: {  	s7 =	sld [smem:$0x3F87]  }
0x2d: {  	s3 =	simm.s32 $0x108;
	s8 =	sld [smem:$0x3F88]  }
0x2e: {  	s3 =	simm.s32 @!p0 $0x1082;
	s9 =	sld [smem:$0x3F89]  }
0x2f: {  	lr =	sadd.s32 s0, s3;
	s0 =	sld [smem:$0x3F80]  }
0x30: {  	s3 =	sld [smem:$0x3F83]  }
0x31: {  	[smem:$0x3F8C] =	sst s10  }
0x32: {  	s10 =	sld [smem:$0x3F8A];
	_ =	sdelay $0x3  }
0x33: {  	p0 =	seq.s32 s10, $0x1;
	s10 =	sld [smem:$0x3F8C];
	_ =	sdelay $0x3  }
0x34: {  	[smem:$0x3F8C] =	sst s10  }
0x35: {  	s10 =	sld [smem:$0x3F8B];
	_ =	sdelay $0x3  }
0x36: {  	p1 =	seq.s32 s10, $0x1;
	s10 =	sld [smem:$0x3F8C];
	_ =	sdelay $0x3  }
0x37: {  	[smem:$0x3F8C] =	sst s10  }
0x38: {  	s10 =	sld [smem:$0x3F8D]  }
0x39: {  	_ = 	snop;
	(pc) =	sbr.ind lr, $3  }
0x3a: {  	_ = 	snop  }
0x3b: {  	_ = 	snop  }
0x3c: {  	p2 =	seq.s32 s10, $0x1;
	s10 =	sld [smem:$0x3F8C]  }
0x3d: {  	_ =	shalt  }
0x3e: {  	_ =	shalt  }
0x3f: {  	_ =	shalt  }
0x40: {  	_ =	shalt  }
0x41: {  	_ =	shalt  }
0x42: {  	_ =	shalt  }
0x43: {  	_ =	shalt  }
0x44: {  	_ =	shalt  }
0x45: {  	_ =	shalt  }
0x46: {  	_ =	shalt  }
0x47: {  	_ =	shalt  }
0x48: {  	_ =	shalt  }
0x49: {  	_ =	shalt  }
0x4a: {  	_ =	shalt  }
0x4b: {  	_ =	shalt  }
0x4c: {  	_ =	shalt  }
0x4d: {  	_ =	shalt  }
0x4e: {  	_ =	shalt  }
0x4f: {  	_ =	shalt  }
0x50: {  	_ =	shalt  }
0x51: {  	_ =	shalt  }
0x52: {  	_ =	shalt  }
0x53: {  	_ =	shalt  }
0x54: {  	_ =	shalt  }
0x55: {  	_ =	shalt  }
0x56: {  	_ =	shalt  }
0x57: {  	_ =	shalt  }
0x58: {  	_ =	shalt  }
0x59: {  	_ =	shalt  }
0x5a: {  	_ =	shalt  }
0x5b: {  	_ =	shalt  }
0x5c: {  	_ =	shalt  }
0x5d: {  	_ =	shalt  }
0x5e: {  	_ =	shalt  }
0x5f: {  	_ =	shalt  }
0x60: {  	_ =	shalt  }
0x61: {  	_ =	shalt  }
0x62: {  	_ =	shalt  }
0x63: {  	_ =	shalt  }
0x64: {  	_ =	shalt  }
0x65: {  	_ =	shalt  }
0x66: {  	_ =	shalt  }
0x67: {  	_ =	shalt  }
0x68: {  	_ =	shalt  }
0x69: {  	_ =	shalt  }
0x6a: {  	_ =	shalt  }
0x6b: {  	_ =	shalt  }
0x6c: {  	_ =	shalt  }
0x6d: {  	_ =	shalt  }
0x6e: {  	_ =	shalt  }
0x6f: {  	_ =	shalt  }
0x70: {  	_ =	shalt  }
0x71: {  	_ =	shalt  }
0x72: {  	_ =	shalt  }
0x73: {  	_ =	shalt  }
0x74: {  	_ =	shalt  }
0x75: {  	_ =	shalt  }
0x76: {  	_ =	shalt  }
0x77: {  	_ =	shalt  }
0x78: {  	_ =	shalt  }
0x79: {  	_ =	shalt  }
0x7a: {  	_ =	shalt  }
0x7b: {  	_ =	shalt  }
0x7c: {  	_ =	shalt  }
0x7d: {  	_ =	shalt  }
0x7e: {  	_ =	shalt  }
0x7f: {  	_ =	shalt  }
0x80: {  	_ =	shalt  }
0x81: {  	_ =	shalt  }
0x82: {  	_ =	shalt  }
0x83: {  	_ =	shalt  }
0x84: {  	_ =	shalt  }
0x85: {  	_ =	shalt  }
0x86: {  	_ =	shalt  }
0x87: {  	_ =	shalt  }
.Lfunc_end0:
.L_simem_size_0:
called_computation.2_lowered:
.L_overlay_start_0:
0x88: {  	s2 =	sld [smem:$0x3FD9]  }
0x89: {  	s3 =	sld [smem:$0x3FFE];
	_ =	sdelay $0x1  }
0x8a: {  	s1 =	srdreg.scid  }
0x8b: {  	s0 =	sand.u32 $0x1, s1  }
0x8c: {  	s16 =	sshll.u32 s0, $0xA;
	s2 =	sadd.s32 s3, s2  }
0x8d: {  	s2 =	sadd.s32 s2, s16  }
0x8e: {  	[smem:$0x3F98] =	sst s2  }
0x8f: {  	_ = 	snop  }
0x90: {  	(tm) =	ssettm $0x1  }
0x91: {  	s17 =	sld [smem:$0x3FFB];
	_ =	sdelay $0x3  }
0x92: {  	_ =	strace s17  }
0x93: {  	s2 =	sld [smem:$0x3FFC];
	_ =	sdelay $0x3  }
0x94: {  	_ =	strace s2  }
0x95: {  	s2 =	sld [smem:$0x3FFD];
	_ =	sdelay $0x3  }
0x96: {  	_ =	strace s2  }
0x97: {  	_ =	strace $0x8FFFFFFF  }
0x98: {  	s18 =	sld [smem:$0x3FDB];
	_ =	sdelay $0x1  }
0x99: {  	s19 =	simm.s32 $_scs_section_size  }
0x9a: {  	s4 =	simm.s32 $_size__tile_overlayer_lowered;
	s5 =	simm.s32 $_tile_overlayer_lowered  }
0x9b: {  	s22 =	simm.s32 $0x1BFF;
	s21 =	sshll.u32 s5, $0x1;
	s2 =	sadd.s32 s19, s18  }
0x9c: {  	s6 =	simm.s32 $0x0;
	s20 =	sshll.u32 s4, $0x1;
	s4 =	sadd.s32 s21, s2  }
0x9d: {  	[timem:s6], [sflag:s22] =	dma.local [hbm:s4], s20  }
0x9e: {  	_ =	swait.ge [sflag:s22], s20  }
0x9f: {  	s3 =	ssub.s32 $0x0, s20;
	[sflag:s22] =	ssyncset.done $0x0  }
0xa0: {  	[sflag:s22] =	ssyncadd.s32 s3;
	_ =	sdelay $0x1  }
0xa1: {  	s23 =	simm.s32 $0x1B8B  }
0xa2: {  	_ =	swait.ge [sflag:s23], $0x1  }
0xa3: {  	[sflag:s23] =	ssyncset.done $0x0  }
0xa4: {  	s25 =	simm.s32 $0x1B8E;
	s24 =	sld [smem:$0x3FFE];
	[sflag:s23] =	ssyncadd.s32 $0xFFFFFFFF  }
0xa5: {  	s26 =	simm.s32 $execute0_lowered;
	[smem:$0x3FD2] =	sst s25  }
0xa6: {  	s4 =	sshll.u32 s26, $0x1;
	_ =	strace $0x8000004C;
	[dreg:$0x1] =	wrdreg $0xFFFFFFFF  }
0xa7: {  	s28 =	simm.s32 $_size_execute0_lowered;
	s2 =	sadd.s32 s2, s4;
	[dreg:$0x0] =	wrdreg $0x0  }
0xa8: {  	s4 =	sshll.u32 s28, $0x1;
	[dreg:$0x2] =	wrdreg s2  }
0xa9: {  	[dreg:$0x3] =	wrdreg s4  }
0xaa: {  	[dreg:$0x4] =	wrdreg $0xC0  }
0xab: {  	_ =	task [dreg:s6], $0x5FFFF  }
0xac: {  	[dreg:$0x1] =	wrdreg $0xFFFFFFFF  }
0xad: {  	[dreg:$0x0] =	wrdreg $0x60  }
0xae: {  	[dreg:$0x2] =	wrdreg s24  }
0xaf: {  	[dreg:$0x3] =	wrdreg $0x0  }
0xb0: {  	[dreg:$0x4] =	wrdreg $0x9  }
0xb1: {  	_ =	task.clear_ibuf [dreg:s6], $0x5FFFF;
	_ =	strace $0x9000004C  }
0xb2: {  	s29 =	simm.s32 $0x9;
	_ =	strace $0x8000004E  }
0xb3: {  	_ =	swait.ge [sflag:s29], $0x1  }
0xb4: {  	[sflag:s29] =	ssyncadd.s32 $0xFFFFFFFF  }
0xb5: {  	_ =	strace $0x9000004E  }
0xb6: {  	_ =	sfence  }
0xb7: {  	s30 =	sld [smem:$0x0];
	_ =	sdelay $0x2  }
0xb8: {  	s31 =	sshll.u32 s1, $0xD;
	s1 =	sshrl.u32 s1, $0x2  }
0xb9: {  	s3 =	sand.u32 $0x4000, s31;
	s1 =	sadd.s32 s1, s30  }
0xba: {  	s0 =	sor.u32 s3, s0;
	s1 =	sshll.u32 s1, $0x11  }
0xbb: {  	s0 =	sor.u32 s1, s0  }
0xbc: {  	s0 =	sadd.s32 $0x8F2B, s0  }
0xbd: {  	[sflag:s0] =	ssyncadd.remote.s32 $0x1  }
0xbe: {  	_ =	sfence.sel $0xFFFF  }
0xbf: {  	[dreg:$0x0] =	wrdreg $0xFFFFFFFF;
	(pc) =	sbr.abs _section_cstart, $3  }
0xc0: {  	[dreg:$0x1] =	wrdreg $0xFFFFFFFF  }
0xc1: {  	_ =	task.clear_ibuf [dreg:s6], $0x2FFFF;
	_ =	strace $0x9FFFFFFF  }
0xc2: {  	(tm) =	ssettm $0x7FFFFFFF  }
0xc3: {  	_ =	shalt  }
tec
execute0_lowered:
.L_overlay_start_1:
0x0: {  	(tag) =	ssettag $0x1  }
0x1: {  	s4 =	rddreg [dreg:$0x0]  }
0x2: {  	s2 =	rddreg [dreg:$0x1]  }
0x3: {  	s0 =	rddreg [dreg:$0x2];
	s3 =	simm.s32 $0x0  }
0x4: {  	s1 =	stileid.u32;
	s7 =	srdreg.scid;
	s14 =	simm.s32 $0x800  }
0x5: {  	s15 =	simm.s32 $0x13D00;
	s16 =	simm.s32 $0xC8;
	s5 =	smul.u32 $0x4E200, s1  }
0x6: {  	s17 =	simm.s32 $0x8;
	s18 =	simm.s32 $0x100;
	s6 =	smul.u32 $0x4E2, s1  }
0x7: {  	s19 =	simm.s32 $0x80;
	s20 =	simm.s32 $0x0;
	s26 =	smul.u32 $0x27800, s1  }
0x8: {  	[smem:$0x7FF] =	sst s3;
	s25 =	sand.u32 $0x1, s7;
	s28 =	smul.u32 $0x2780, s1  }
0x9: {  	s11 =	smul.u32 $0x4F000, s1;
	s31 =	sshll.u32 s1, $0x6;
	_ =	strace $0x8000004D  }
0xa: {  	s10 =	sshll.u32 s25, $0xA;
	s29 =	ssub.s32 $0x2, s25;
	s13 =	sshll.u32 s25, $0x7  }
0xb: {  	s8 =	sadd.s32 s5, s4;
	s9 =	sadd.s32 s6, s4;
	s7 =	sor.u32 s10, s26  }
0xc: {  	s6 =	sadd.s32 s28, s4;
	s12 =	sshrl.u32 s29, $0x1;
	s30 =	sshrl.u32 s11, $0x2  }
0xd: {  	s5 =	sor.u32 $0x1C01, s31;
	s7 =	sshrl.u32 s7, $0x3;
	s10 =	ssub.s32 s29, s12  }
0xe: {  	s8 =	sadd.s32 s13, s8;
	s9 =	sadd.s32 $0xA200, s9;
	s12 =	simm.s32 $0x13C00  }
0xf: {  	s13 =	simm.s32 $0x400;
	s7 =	sadd.s32 s7, s4;
	s4 =	sadd.s32 $0x72600, s6  }
0x10: {  	s11 =	sadd.s32 s30, s2;
	s8 =	sadd.s32 $0x861E00, s8;
	s6 =	sadd.s32 $0x10EA00, s7  }
0x11: {  	s7 =	smax.u32 s10, $0x1;
	s10 =	sshrl.u32 s11, $0x3;
	s11 =	simm.s32 $0x1  }
.LBB2_1:
0x12: {  	[spmem:s10], [sflag:s5] =	dma.local [hbm:s4], $0x2780  }
0x13: {  	_ =	swait.ge [sflag:s11], $0x2780  }
0x14: {  	[sflag:s11] =	ssyncset.done $0x0  }
0x15: {  	[sflag:s11] =	ssyncadd.s32 $0xFFFFD880  }
0x16: {  	s21 =	sadd.s32 $0x0, s9;
	[bflag:$0x0] =	sbarrier.arrive $0xFFFF  }
0x17: {  	[tilespmem:s12], [sflag:$0x1] =	stream.linear.gather [hbm4b:s21+s3], $0xC8, $0x38;
	[tilespmem:$0x1A100] =	vst v63  }
0x18: {  	_ =	swait.ge [sflag:s11], $0xC8  }
0x19: {  	[sflag:s11] =	ssyncset.done $0x0  }
0x1a: {  	[sflag:s11] =	ssyncadd.s32 $0xFFFFFF38  }
0x1b: {  	[tilespmem:s15], [sflag:$0x1] =	stream.strided.gather [hbm4b:s8+s13], $0x6400, s14, s13, $0x38;
	[tilespmem:$0x1A100] =	vst v63  }
0x1c: {  	_ =	swait.ge [sflag:s11], $0x6400  }
0x1d: {  	[sflag:s11] =	ssyncset.done $0x0  }
0x1e: {  	[sflag:s11] =	ssyncadd.s32 $0xFFFF9C00  }
0x1f: {  	[spmem:s2] =	stream.indirect.scatter.add.f32 [tilespmem:s15], [sflag:$0x1], $0x80, s12, s16, $0xb8;
	[tilespmem:$0x1A100] =	vst v63  }
0x20: {  	s22 =	simm.s32 $0x19;
	_ =	swait.ge [sflag:s11], $0x6400  }
0x21: {  	s23 =	simm.s32 $0x32;
	s21 =	sadd.s32 $0x1900, s8;
	[sflag:s11] =	ssyncset.done $0x0  }
.LBB2_2:
0x22: {  	s24 =	sadd.s32 s22, s9  }
0x23: {  	[sflag:s11] =	ssyncadd.s32 $0xFFFF9C00;
	s22 =	smov.u32 s23;
	s25 =	sadd.s32 $0x19, s23  }
0x24: {  	[tilespmem:s12], [sflag:$0x1] =	stream.linear.gather [hbm4b:s24+s3], $0xC8, $0x38;
	[tilespmem:$0x1A100] =	vst v63  }
0x25: {  	p0 =	sne.s32 s23, $0x4C9;
	_ =	swait.ge [sflag:s11], $0xC8  }
0x26: {  	[sflag:s11] =	ssyncset.done $0x0  }
0x27: {  	[sflag:s11] =	ssyncadd.s32 $0xFFFFFF38  }
0x28: {  	[tilespmem:s15], [sflag:$0x1] =	stream.strided.gather [hbm4b:s21+s13], $0x6400, s14, s13, $0x38;
	[tilespmem:$0x1A100] =	vst v63  }
0x29: {  	_ =	swait.ge [sflag:s11], $0x6400  }
.Ltmp0:
0x2a: {  	[sflag:s11] =	ssyncset.done $0x0;
	(pc) =	sbr.rel @p0 .LBB2_2-.Ltmp0, $4  }
0x2b: {  	[sflag:s11] =	ssyncadd.s32 $0xFFFF9C00  }
0x2c: {  	[spmem:s2] =	stream.indirect.scatter.add.f32 [tilespmem:s15], [sflag:$0x1], $0x80, s12, s16, $0xb8;
	[tilespmem:$0x1A100] =	vst v63  }
0x2d: {  	_ =	swait.ge [sflag:s11], $0x6400  }
0x2e: {  	s23 =	smov.u32 s25;
	s21 =	sadd.s32 $0x1900, s21;
	[sflag:s11] =	ssyncset.done $0x0  }
0x2f: {  	s22 =	sadd.s32 s22, s9;
	[sflag:s11] =	ssyncadd.s32 $0xFFFF9C00  }
0x30: {  	[tilespmem:s12], [sflag:$0x1] =	stream.linear.gather [hbm4b:s22+s3], $0xC8, $0x38;
	[tilespmem:$0x1A100] =	vst v63  }
0x31: {  	_ =	swait.ge [sflag:s11], $0xC8  }
0x32: {  	[sflag:s11] =	ssyncset.done $0x0  }
0x33: {  	[sflag:s11] =	ssyncadd.s32 $0xFFFFFF38  }
0x34: {  	[tilespmem:s15], [sflag:$0x1] =	stream.strided.gather [hbm4b:s21+s13], $0x6400, s14, s13, $0x38;
	[tilespmem:$0x1A100] =	vst v63  }
0x35: {  	_ =	swait.ge [sflag:s11], $0x6400  }
0x36: {  	[sflag:s11] =	ssyncset.done $0x0  }
0x37: {  	[sflag:s11] =	ssyncadd.s32 $0xFFFF9C00  }
0x38: {  	[spmem:s2] =	stream.indirect.scatter.add.f32 [tilespmem:s15], [sflag:$0x1], $0x80, s12, s16, $0xb8;
	[tilespmem:$0x1A100] =	vst v63  }
0x39: {  	_ =	swait.ge [sflag:s11], $0x6400  }
0x3a: {  	s20 =	sadd.s32 $0x1, s20;
	[sflag:s11] =	ssyncset.done $0x0  }
0x3b: {  	p0 =	sne.s32 s20, s7;
	[sflag:s11] =	ssyncadd.s32 $0xFFFF9C00  }
.Ltmp1:
0x3c: {  	[bflag:$0x0] =	sbarrier.arrive $0xFFFF;
	(pc) =	sbr.rel @p0 .LBB2_1-.Ltmp1, $4  }
0x3d: {  	[hbm:s6@s18], [sflag:s5] =	dma.strided [spmem:s10@s19], $0x2780, s17, $0x10   }
0x3e: {  	_ =	swait.ge [sflag:s11], $0x2780  }
0x3f: {  	[sflag:s11] =	ssyncset.done $0x0  }
0x40: {  	[sflag:s11] =	ssyncadd.s32 $0xFFFFD880  }
0x41: {  	_ =	sfence.sel $0x180000  }
0x42: {  	[bflag:$0x0] =	sbarrier.arrive $0xFFFF  }
0x43: {  	p0 =	sne.s32 s1, $0x0;
	_ =	strace $0x9000004D  }
0x44: {  	s0 =	sadd.s32 @!p0 $0x100000, s0;
	[bflag:$0x2] =	sbarrier.arrive $0xFFFF  }
0x45: {  	[sflag:s0] =	ssyncadd.tile.s32 @!p0 $0x1;
	_ =	shalt  }
.Lfunc_end2:
_tile_overlayer_lowered:
.L_overlay_start_2:
0x46: {  	(tag) =	ssettag $0x2  }
0x47: {  	s0 =	rddreg [dreg:$0x0];
	s2 =	stileid.u32  }
0x48: {  	s1 =	rddreg [dreg:$0x1];
	p0 =	sne.s32 s2, $0x0  }
0x49: {  	s3 =	rddreg [dreg:$0x2];
	[bflag:$0x3] =	sbarrier.arrive $0xFFFF;
	s2 =	simm.s32 @!p0 $0x1C01  }
0x4a: {  	[timem:s3], [sflag:s2] =	dma.local @!p0 [hbm:s0], s1  }
0x4b: {  	s0 =	simm.s32 @!p0 $0x1  }
0x4c: {  	_ =	swait.ge @!p0 [sflag:s0], s1  }
0x4d: {  	s1 =	ssub.s32 @!p0 $0x0, s1;
	[sflag:s0] =	ssyncset.done @!p0 $0x0  }
0x4e: {  	[sflag:s0] =	ssyncadd.s32 @!p0 s1  }
0x4f: {  	[bflag:$0x3] =	sbarrier.arrive $0xFFFF  }
0x50: {  	_ =	shalt  }

// kernel: kernel.29.cloned.1.call-start
scs
__scs_entry_jumppad:
0x0: {  	(pc) =	sbr.rel $0x88, $3  }
0x1: {  	(tag) =	ssettag $0x0;
	lr =	simm.s32 $0x1  }
0x2: {  	[smem:$0x3F71] =	sst lr;
	_ =	strace $0xD0000000  }
0x3: {  	_ = 	snop  }
0x4: {  	_ = 	snop  }
0x5: {  	_ = 	snop  }
0x6: {  	_ = 	snop  }
0x7: {  	_ = 	snop  }
__scs_overlays_trampoline_lowered:
0x8: {  	[smem:$0x3F80] =	sst s0  }
0x9: {  	[smem:$0x3F81] =	sst s1  }
0xa: {  	[smem:$0x3F82] =	sst s2  }
0xb: {  	[smem:$0x3F83] =	sst s3  }
0xc: {  	[smem:$0x3F84] =	sst s4  }
0xd: {  	[smem:$0x3F85] =	sst s5  }
0xe: {  	[smem:$0x3F86] =	sst s6  }
0xf: {  	[smem:$0x3F87] =	sst s7  }
0x10: {  	[smem:$0x3F88] =	sst s8  }
0x11: {  	[smem:$0x3F89] =	sst s9;
	s0 =	simm.s32 @!p0 $0x0  }
0x12: {  	s1 =	sld [smem:$0x3F6F];
	s0 =	simm.s32 @p0 $0x1  }
0x13: {  	[smem:$0x3F8A] =	sst s0;
	s0 =	simm.s32 @!p1 $0x0  }
0x14: {  	s2 =	sld [smem:$0x3F6E];
	s0 =	simm.s32 @p1 $0x1  }
0x15: {  	[smem:$0x3F8B] =	sst s0;
	s0 =	simm.s32 @!p2 $0x0  }
0x16: {  	s3 =	sld [smem:$0x3FDB];
	s0 =	simm.s32 @p2 $0x1  }
0x17: {  	s4 =	simm.s32 $0x1BF5;
	[smem:$0x3F8D] =	sst s0  }
0x18: {  	s0 =	sld [smem:$0x3F70];
	_ =	swait.ge [sflag:s4], $0x0  }
0x19: {  	s7 =	sld [smem:$0x3F71]  }
0x1a: {  	s8 =	sadd.s32 $0xFFFFE003, lr  }
0x1b: {  	s9 =	sadd.s32 $0xFFFFFEF7, lr;
	s5 =	simm.s32 $0xFFFFFFFF;
	p2 =	slt.u32 s8, $0xFFFFF086  }
0x1c: {  	p1 =	slt.u32 s9, $0xF7A;
	s5 =	simm.s32 @!p2 $0x0  }
0x1d: {  	s5 =	simm.s32 @p1 $0x1;
	p0 =	seq.s32 s7, s2  }
0x1e: {  	s7 =	smul.u32 @!p0 $0xF7A, s2;
	p2 =	seq.s32 @!p0 s5, $0x0  }
0x1f: {  	s9 =	smul.u32 $0xF7A, s1;
	s8 =	simm.s32 @!p0 $0x1BF5;
	p2 =	por !p2, p0  }
0x20: {  	[sflag:s8] =	ssyncset.s32 @!p0 $0xFFFFF086;
	s6 =	sadd.s32 @!p0 s3, s7;
	s7 =	simm.s32 @!p0 $0x108  }
0x21: {  	s3 =	sadd.s32 s3, s9;
	s6 =	sadd.s32 @!p0 $0x88, s6;
	s7 =	simm.s32 @p2 $0x1082  }
0x22: {  	[simem:s7], [sflag:s8] =	dma.local @!p0 [hbm:s6], $0xF7A  }
0x23: {  	s9 =	sor.u32 $0xD0000000, s2;
	s6 =	simm.s32 $0x108;
	_ =	swait.ge @!p0 [sflag:s8], $0x0  }
0x24: {  	s3 =	sadd.s32 $0x88, s3;
	s6 =	simm.s32 @!p1 $0x1082;
	[sflag:s4] =	ssyncset.s32 $0xFFFFF086  }
0x25: {  	[simem:s6], [sflag:s4] =	dma.local [hbm:s3], $0xF7A  }
0x26: {  	[smem:$0x3F71] =	sst s1;
	(tag) =	ssettag s2;
	_ =	strace s9  }
0x27: {  	s1 =	sld [smem:$0x3F81]  }
0x28: {  	s2 =	sld [smem:$0x3F82]  }
0x29: {  	s4 =	sld [smem:$0x3F84]  }
0x2a: {  	p0 =	seq.s32 s5, $0x0;
	s5 =	sld [smem:$0x3F85]  }
0x2b: {  	s6 =	sld [smem:$0x3F86]  }
0x2c: {  	s7 =	sld [smem:$0x3F87]  }
0x2d: {  	s3 =	simm.s32 $0x108;
	s8 =	sld [smem:$0x3F88]  }
0x2e: {  	s3 =	simm.s32 @!p0 $0x1082;
	s9 =	sld [smem:$0x3F89]  }
0x2f: {  	lr =	sadd.s32 s0, s3;
	s0 =	sld [smem:$0x3F80]  }
0x30: {  	s3 =	sld [smem:$0x3F83]  }
0x31: {  	[smem:$0x3F8C] =	sst s10  }
0x32: {  	s10 =	sld [smem:$0x3F8A];
	_ =	sdelay $0x3  }
0x33: {  	p0 =	seq.s32 s10, $0x1;
	s10 =	sld [smem:$0x3F8C];
	_ =	sdelay $0x3  }
0x34: {  	[smem:$0x3F8C] =	sst s10  }
0x35: {  	s10 =	sld [smem:$0x3F8B];
	_ =	sdelay $0x3  }
0x36: {  	p1 =	seq.s32 s10, $0x1;
	s10 =	sld [smem:$0x3F8C];
	_ =	sdelay $0x3  }
0x37: {  	[smem:$0x3F8C] =	sst s10  }
0x38: {  	s10 =	sld [smem:$0x3F8D]  }
0x39: {  	_ = 	snop;
	(pc) =	sbr.ind lr, $3  }
0x3a: {  	_ = 	snop  }
0x3b: {  	_ = 	snop  }
0x3c: {  	p2 =	seq.s32 s10, $0x1;
	s10 =	sld [smem:$0x3F8C]  }
0x3d: {  	_ =	shalt  }
0x3e: {  	_ =	shalt  }
0x3f: {  	_ =	shalt  }
0x40: {  	_ =	shalt  }
0x41: {  	_ =	shalt  }
0x42: {  	_ =	shalt  }
0x43: {  	_ =	shalt  }
0x44: {  	_ =	shalt  }
0x45: {  	_ =	shalt  }
0x46: {  	_ =	shalt  }
0x47: {  	_ =	shalt  }
0x48: {  	_ =	shalt  }
0x49: {  	_ =	shalt  }
0x4a: {  	_ =	shalt  }
0x4b: {  	_ =	shalt  }
0x4c: {  	_ =	shalt  }
0x4d: {  	_ =	shalt  }
0x4e: {  	_ =	shalt  }
0x4f: {  	_ =	shalt  }
0x50: {  	_ =	shalt  }
0x51: {  	_ =	shalt  }
0x52: {  	_ =	shalt  }
0x53: {  	_ =	shalt  }
0x54: {  	_ =	shalt  }
0x55: {  	_ =	shalt  }
0x56: {  	_ =	shalt  }
0x57: {  	_ =	shalt  }
0x58: {  	_ =	shalt  }
0x59: {  	_ =	shalt  }
0x5a: {  	_ =	shalt  }
0x5b: {  	_ =	shalt  }
0x5c: {  	_ =	shalt  }
0x5d: {  	_ =	shalt  }
0x5e: {  	_ =	shalt  }
0x5f: {  	_ =	shalt  }
0x60: {  	_ =	shalt  }
0x61: {  	_ =	shalt  }
0x62: {  	_ =	shalt  }
0x63: {  	_ =	shalt  }
0x64: {  	_ =	shalt  }
0x65: {  	_ =	shalt  }
0x66: {  	_ =	shalt  }
0x67: {  	_ =	shalt  }
0x68: {  	_ =	shalt  }
0x69: {  	_ =	shalt  }
0x6a: {  	_ =	shalt  }
0x6b: {  	_ =	shalt  }
0x6c: {  	_ =	shalt  }
0x6d: {  	_ =	shalt  }
0x6e: {  	_ =	shalt  }
0x6f: {  	_ =	shalt  }
0x70: {  	_ =	shalt  }
0x71: {  	_ =	shalt  }
0x72: {  	_ =	shalt  }
0x73: {  	_ =	shalt  }
0x74: {  	_ =	shalt  }
0x75: {  	_ =	shalt  }
0x76: {  	_ =	shalt  }
0x77: {  	_ =	shalt  }
0x78: {  	_ =	shalt  }
0x79: {  	_ =	shalt  }
0x7a: {  	_ =	shalt  }
0x7b: {  	_ =	shalt  }
0x7c: {  	_ =	shalt  }
0x7d: {  	_ =	shalt  }
0x7e: {  	_ =	shalt  }
0x7f: {  	_ =	shalt  }
0x80: {  	_ =	shalt  }
0x81: {  	_ =	shalt  }
0x82: {  	_ =	shalt  }
0x83: {  	_ =	shalt  }
0x84: {  	_ =	shalt  }
0x85: {  	_ =	shalt  }
0x86: {  	_ =	shalt  }
0x87: {  	_ =	shalt  }
.Lfunc_end0:
.L_simem_size_0:
called_computation.3_lowered:
.L_overlay_start_0:
0x88: {  	s2 =	sld [smem:$0x3FD9]  }
0x89: {  	s3 =	sld [smem:$0x3FFE];
	_ =	sdelay $0x1  }
0x8a: {  	s1 =	srdreg.scid  }
0x8b: {  	s0 =	sand.u32 $0x1, s1  }
0x8c: {  	s16 =	sshll.u32 s0, $0xA;
	s2 =	sadd.s32 s3, s2  }
0x8d: {  	s2 =	sadd.s32 s2, s16  }
0x8e: {  	[smem:$0x3F98] =	sst s2  }
0x8f: {  	_ = 	snop  }
0x90: {  	(tm) =	ssettm $0x1  }
0x91: {  	s17 =	sld [smem:$0x3FFB];
	_ =	sdelay $0x3  }
0x92: {  	_ =	strace s17  }
0x93: {  	s2 =	sld [smem:$0x3FFC];
	_ =	sdelay $0x3  }
0x94: {  	_ =	strace s2  }
0x95: {  	s2 =	sld [smem:$0x3FFD];
	_ =	sdelay $0x3  }
0x96: {  	_ =	strace s2  }
0x97: {  	_ =	strace $0x8FFFFFFF  }
0x98: {  	s18 =	sld [smem:$0x3FDB];
	_ =	sdelay $0x1  }
0x99: {  	s19 =	simm.s32 $_scs_section_size  }
0x9a: {  	s4 =	simm.s32 $_size__tile_overlayer_lowered;
	s5 =	simm.s32 $_tile_overlayer_lowered  }
0x9b: {  	s22 =	simm.s32 $0x1BFF;
	s21 =	sshll.u32 s5, $0x1;
	s2 =	sadd.s32 s19, s18  }
0x9c: {  	s6 =	simm.s32 $0x0;
	s20 =	sshll.u32 s4, $0x1;
	s4 =	sadd.s32 s21, s2  }
0x9d: {  	[timem:s6], [sflag:s22] =	dma.local [hbm:s4], s20  }
0x9e: {  	_ =	swait.ge [sflag:s22], s20  }
0x9f: {  	s3 =	ssub.s32 $0x0, s20;
	[sflag:s22] =	ssyncset.done $0x0  }
0xa0: {  	[sflag:s22] =	ssyncadd.s32 s3;
	_ =	sdelay $0x1  }
0xa1: {  	s23 =	simm.s32 $0x1B8B  }
0xa2: {  	_ =	swait.ge [sflag:s23], $0x1  }
0xa3: {  	[sflag:s23] =	ssyncset.done $0x0  }
0xa4: {  	s25 =	simm.s32 $0x1B8E;
	s24 =	sld [smem:$0x3FFE];
	[sflag:s23] =	ssyncadd.s32 $0xFFFFFFFF  }
0xa5: {  	s26 =	simm.s32 $execute0_lowered;
	[smem:$0x3FD2] =	sst s25  }
0xa6: {  	s4 =	sshll.u32 s26, $0x1;
	_ =	strace $0x8000004F;
	[dreg:$0x1] =	wrdreg $0xFFFFFFFF  }
0xa7: {  	s28 =	simm.s32 $_size_execute0_lowered;
	s2 =	sadd.s32 s2, s4;
	[dreg:$0x0] =	wrdreg $0x0  }
0xa8: {  	s4 =	sshll.u32 s28, $0x1;
	[dreg:$0x2] =	wrdreg s2  }
0xa9: {  	[dreg:$0x3] =	wrdreg s4  }
0xaa: {  	[dreg:$0x4] =	wrdreg $0xC0  }
0xab: {  	_ =	task [dreg:s6], $0x5FFFF  }
0xac: {  	[dreg:$0x1] =	wrdreg $0xFFFFFFFF  }
0xad: {  	[dreg:$0x0] =	wrdreg $0x60  }
0xae: {  	[dreg:$0x2] =	wrdreg s24  }
0xaf: {  	[dreg:$0x3] =	wrdreg $0x9  }
0xb0: {  	_ =	task.clear_ibuf [dreg:s6], $0x4FFFF;
	_ =	strace $0x9000004F  }
0xb1: {  	s29 =	simm.s32 $0x9;
	_ =	strace $0x80000051  }
0xb2: {  	_ =	swait.ge [sflag:s29], $0x1  }
0xb3: {  	[sflag:s29] =	ssyncadd.s32 $0xFFFFFFFF  }
0xb4: {  	_ =	strace $0x90000051  }
0xb5: {  	_ =	sfence  }
0xb6: {  	s30 =	sld [smem:$0x0];
	_ =	sdelay $0x2  }
0xb7: {  	s31 =	sshll.u32 s1, $0xD;
	s1 =	sshrl.u32 s1, $0x2  }
0xb8: {  	s3 =	sand.u32 $0x4000, s31;
	s1 =	sadd.s32 s1, s30  }
0xb9: {  	s0 =	sor.u32 s3, s0;
	s1 =	sshll.u32 s1, $0x11  }
0xba: {  	s0 =	sor.u32 s1, s0  }
0xbb: {  	s0 =	sadd.s32 $0x8F2B, s0  }
0xbc: {  	[sflag:s0] =	ssyncadd.remote.s32 $0x1  }
0xbd: {  	_ =	sfence.sel $0xFFFF  }
0xbe: {  	[dreg:$0x0] =	wrdreg $0xFFFFFFFF;
	(pc) =	sbr.abs _section_cstart, $3  }
0xbf: {  	[dreg:$0x1] =	wrdreg $0xFFFFFFFF  }
0xc0: {  	_ =	task.clear_ibuf [dreg:s6], $0x2FFFF;
	_ =	strace $0x9FFFFFFF  }
0xc1: {  	(tm) =	ssettm $0x7FFFFFFF  }
tec
execute0_lowered:
.L_overlay_start_1:
0x0: {  	(tag) =	ssettag $0x1  }
0x1: {  	s0 =	rddreg [dreg:$0x0]  }
0x2: {  	s1 =	srdreg.scid;
	s6 =	stileid.u32  }
0x3: {  	s2 =	simm.s32 $0x0;
	s24 =	simm.s32 $0x900;
	s25 =	simm.s32 $0x1100  }
0x4: {  	s26 =	simm.s32 $0x1900;
	s9 =	simm.s32 $0x2900;
	s10 =	simm.s32 $0x3100  }
0x5: {  	s11 =	simm.s32 $0x3900;
	s12 =	simm.s32 $0x4100;
	s13 =	simm.s32 $0x4900  }
0x6: {  	s14 =	simm.s32 $0x5100;
	s15 =	simm.s32 $0x5900;
	s16 =	simm.s32 $0x6100  }
0x7: {  	s17 =	simm.s32 $0x6900;
	s18 =	simm.s32 $0x7100;
	s19 =	simm.s32 $0x7900  }
0x8: {  	s28 =	simm.s32 $0xB900;
	s29 =	simm.s32 $0xC100;
	s30 =	simm.s32 $0x1  }
0x9: {  	s31 =	simm.s32 $0x0;
	s1 =	sand.u32 $0x1, s1;
	s4 =	smul.u32 $0x2710, s6  }
0xa: {  	[smem:$0x7FF] =	sst s2;
	s3 =	sadd.s32 $0x99E00, s0;
	s20 =	smul.u32 $0x4E200, s6  }
0xb: {  	s6 =	simm.s32 $0x2;
	_ =	strace $0x80000050;
	[dreg:$0x3] =	wrdreg s24  }
0xc: {  	s5 =	smul.u32 $0x1388, s1;
	s21 =	ssub.s32 $0x2, s1;
	[dreg:$0x4] =	wrdreg s25  }
0xd: {  	s1 =	smul.u32 $0x27100, s1;
	[dreg:$0x5] =	wrdreg s26;
	s24 =	simm.s32 $0xA100  }
0xe: {  	s25 =	simm.s32 $0xA900;
	s7 =	sshrl.u32 s21, $0x1;
	s4 =	sadd.s32 s5, s4  }
0xf: {  	s26 =	simm.s32 $0xB100;
	s22 =	ssub.s32 s21, s7;
	s4 =	sshrl.u32 s4, $0x3  }
0x10: {  	s7 =	simm.s32 $0x100;
	s21 =	simm.s32 $0x8900;
	s8 =	sadd.s32 s4, s0  }
0x11: {  	s0 =	sadd.s32 s20, s0;
	s4 =	smax.u32 s22, $0x1;
	s20 =	simm.s32 $0x8100  }
0x12: {  	v2 =	vlaneseq.u32;
	[dreg:$0x6] =	wrdreg s4;
	s0 =	sadd.s32 s1, s0;
	s23 =	sadd.s32 $0xF200, s8  }
0x13: {  	vm0 =	vmmov $0xffff;
	v1 =	vshrl.u32 v2, $0x3;
	s22 =	simm.s32 $0x9100;
	s0 =	sadd.s32 $0x861E00, s0;
	[dreg:$0x2] =	wrdreg s23  }
0x14: {  	v0 =	vand.u32 $0x7, v2;
	v2 =	vor.u32 $0x8, v2;
	v1 =	vmul.u32 $0x8, v1;
	s8 =	simm.s32 $0x2100;
	s23 =	simm.s32 $0x9900;
	[dreg:$0x7] =	wrdreg s0  }
.LBB2_1:
0x15: {  	s5 =	rddreg [dreg:$0x7];
	s1 =	simm.s32 $0x0  }
.LBB2_2:
0x16: {  	s4 =	rddreg [dreg:$0x2]  }
0x17: {  	s4 =	sadd.s32 s1, s4  }
0x18: {  	[tilespmem:s2], [sflag:$0x2] =	stream.linear.gather [hbm4b:s4+s2], $0xC8, $0x38;
	[tilespmem:$0xC900] =	vst v63  }
0x19: {  	_ =	swait.ge [sflag:s6], $0xC8  }
0x1a: {  	[sflag:s6] =	ssyncset.done $0x0  }
0x1b: {  	[sflag:s6] =	ssyncadd.s32 $0xFFFFFF38  }
0x1c: {  	v3 =	vld [tilespmem:$0x0];
	_ =	sdelay $0x4  }
0x1d: {  	v4 =	vshll.u32 v3, $0x1  }
0x1e: {  	v3 =	vand.u32 $0x7, v3;
	v4 =	vand.u32 $0xFFFFFFF0, v4  }
0x1f: {  	v3 =	vor.u32 v3, v4  }
0x20: {  	v4 =	vperm.xlane v3, v0;
	_ =	sdelay $0x1  }
0x21: {  	v3 =	vperm.xlane v3, v2;
	v4 =	vadd.s32 v1, v4;
	_ =	sdelay $0x1  }
0x22: {  	v3 =	vadd.s32 v1, v3;
	_ =	sdelay $0x2  }
0x23: {  	[tilespmem:s7], [sflag:$0x1] =	stream.indirect_vreg.gather [hbm4b:s3+s2], $0x80, v4, vm0, $0xb8;
	[tilespmem:$0xC900] =	vst v63  }
0x24: {  	s0 =	rddreg [dreg:$0x3]  }
0x25: {  	[tilespmem:s0], [sflag:$0x1] =	stream.indirect_vreg.gather [hbm4b:s3+s2], $0x80, v3, vm0, $0xb8;
	[tilespmem:$0xC900] =	vst v63  }
0x26: {  	v3 =	vld [tilespmem:$0x10];
	_ =	sdelay $0x4  }
0x27: {  	v52 =	vshll.u32 v3, $0x1  }
0x28: {  	v3 =	vand.u32 $0x7, v3;
	v4 =	vand.u32 $0xFFFFFFF0, v52  }
0x29: {  	v3 =	vor.u32 v3, v4  }
0x2a: {  	v4 =	vperm.xlane v3, v0;
	_ =	sdelay $0x1  }
0x2b: {  	v3 =	vperm.xlane v3, v2;
	v4 =	vadd.s32 v1, v4;
	_ =	sdelay $0x1  }
0x2c: {  	v3 =	vadd.s32 v1, v3;
	_ =	sdelay $0x1  }
0x2d: {  	s4 =	rddreg [dreg:$0x4]  }
0x2e: {  	[tilespmem:s4], [sflag:$0x1] =	stream.indirect_vreg.gather [hbm4b:s3+s2], $0x80, v4, vm0, $0xb8;
	[tilespmem:$0xC900] =	vst v63  }
0x2f: {  	s0 =	rddreg [dreg:$0x5]  }
0x30: {  	[tilespmem:s0], [sflag:$0x1] =	stream.indirect_vreg.gather [hbm4b:s3+s2], $0x80, v3, vm0, $0xb8;
	[tilespmem:$0xC900] =	vst v63  }
0x31: {  	v3 =	vld [tilespmem:$0x20];
	_ =	sdelay $0x4  }
0x32: {  	v53 =	vshll.u32 v3, $0x1  }
0x33: {  	v3 =	vand.u32 $0x7, v3;
	v4 =	vand.u32 $0xFFFFFFF0, v53  }
0x34: {  	v3 =	vor.u32 v3, v4  }
0x35: {  	v4 =	vperm.xlane v3, v0;
	_ =	sdelay $0x1  }
0x36: {  	v3 =	vperm.xlane v3, v2;
	v4 =	vadd.s32 v1, v4;
	_ =	sdelay $0x1  }
0x37: {  	v3 =	vadd.s32 v1, v3;
	_ =	sdelay $0x2  }
0x38: {  	[tilespmem:s8], [sflag:$0x1] =	stream.indirect_vreg.gather [hbm4b:s3+s2], $0x80, v4, vm0, $0xb8;
	[tilespmem:$0xC900] =	vst v63  }
0x39: {  	_ = 	snop  }
0x3a: {  	[tilespmem:s9], [sflag:$0x1] =	stream.indirect_vreg.gather [hbm4b:s3+s2], $0x80, v3, vm0, $0xb8;
	[tilespmem:$0xC900] =	vst v63  }
0x3b: {  	v3 =	vld [tilespmem:$0x30];
	_ =	sdelay $0x4  }
0x3c: {  	v54 =	vshll.u32 v3, $0x1  }
0x3d: {  	v3 =	vand.u32 $0x7, v3;
	v4 =	vand.u32 $0xFFFFFFF0, v54  }
0x3e: {  	v3 =	vor.u32 v3, v4  }
0x3f: {  	v4 =	vperm.xlane v3, v0;
	_ =	sdelay $0x1  }
0x40: {  	v3 =	vperm.xlane v3, v2;
	v4 =	vadd.s32 v1, v4;
	_ =	sdelay $0x1  }
0x41: {  	v3 =	vadd.s32 v1, v3;
	_ =	sdelay $0x2  }
0x42: {  	[tilespmem:s10], [sflag:$0x1] =	stream.indirect_vreg.gather [hbm4b:s3+s2], $0x80, v4, vm0, $0xb8;
	[tilespmem:$0xC900] =	vst v63  }
0x43: {  	_ = 	snop  }
0x44: {  	[tilespmem:s11], [sflag:$0x1] =	stream.indirect_vreg.gather [hbm4b:s3+s2], $0x80, v3, vm0, $0xb8;
	[tilespmem:$0xC900] =	vst v63  }
0x45: {  	v3 =	vld [tilespmem:$0x40];
	_ =	sdelay $0x4  }
0x46: {  	v55 =	vshll.u32 v3, $0x1  }
0x47: {  	v3 =	vand.u32 $0x7, v3;
	v4 =	vand.u32 $0xFFFFFFF0, v55  }
0x48: {  	v3 =	vor.u32 v3, v4  }
0x49: {  	v4 =	vperm.xlane v3, v0;
	_ =	sdelay $0x1  }
0x4a: {  	v3 =	vperm.xlane v3, v2;
	v4 =	vadd.s32 v1, v4;
	_ =	sdelay $0x1  }
0x4b: {  	v3 =	vadd.s32 v1, v3;
	_ =	sdelay $0x2  }
0x4c: {  	[tilespmem:s12], [sflag:$0x1] =	stream.indirect_vreg.gather [hbm4b:s3+s2], $0x80, v4, vm0, $0xb8;
	[tilespmem:$0xC900] =	vst v63  }
0x4d: {  	_ = 	snop  }
0x4e: {  	[tilespmem:s13], [sflag:$0x1] =	stream.indirect_vreg.gather [hbm4b:s3+s2], $0x80, v3, vm0, $0xb8;
	[tilespmem:$0xC900] =	vst v63  }
0x4f: {  	v3 =	vld [tilespmem:$0x50];
	_ =	sdelay $0x4  }
0x50: {  	v56 =	vshll.u32 v3, $0x1  }
0x51: {  	v3 =	vand.u32 $0x7, v3;
	v4 =	vand.u32 $0xFFFFFFF0, v56  }
0x52: {  	v3 =	vor.u32 v3, v4  }
0x53: {  	v4 =	vperm.xlane v3, v0;
	_ =	sdelay $0x1  }
0x54: {  	v3 =	vperm.xlane v3, v2;
	v4 =	vadd.s32 v1, v4;
	_ =	sdelay $0x1  }
0x55: {  	v3 =	vadd.s32 v1, v3;
	_ =	sdelay $0x2  }
0x56: {  	[tilespmem:s14], [sflag:$0x1] =	stream.indirect_vreg.gather [hbm4b:s3+s2], $0x80, v4, vm0, $0xb8;
	[tilespmem:$0xC900] =	vst v63  }
0x57: {  	_ = 	snop  }
0x58: {  	[tilespmem:s15], [sflag:$0x1] =	stream.indirect_vreg.gather [hbm4b:s3+s2], $0x80, v3, vm0, $0xb8;
	[tilespmem:$0xC900] =	vst v63  }
0x59: {  	v3 =	vld [tilespmem:$0x60];
	_ =	sdelay $0x4  }
0x5a: {  	v57 =	vshll.u32 v3, $0x1  }
0x5b: {  	v3 =	vand.u32 $0x7, v3;
	v4 =	vand.u32 $0xFFFFFFF0, v57  }
0x5c: {  	v3 =	vor.u32 v3, v4  }
0x5d: {  	v4 =	vperm.xlane v3, v0;
	_ =	sdelay $0x1  }
0x5e: {  	v3 =	vperm.xlane v3, v2;
	v4 =	vadd.s32 v1, v4;
	_ =	sdelay $0x1  }
0x5f: {  	v3 =	vadd.s32 v1, v3;
	_ =	sdelay $0x2  }
0x60: {  	[tilespmem:s16], [sflag:$0x1] =	stream.indirect_vreg.gather [hbm4b:s3+s2], $0x80, v4, vm0, $0xb8;
	[tilespmem:$0xC900] =	vst v63  }
0x61: {  	_ = 	snop  }
0x62: {  	[tilespmem:s17], [sflag:$0x1] =	stream.indirect_vreg.gather [hbm4b:s3+s2], $0x80, v3, vm0, $0xb8;
	[tilespmem:$0xC900] =	vst v63  }
0x63: {  	v3 =	vld [tilespmem:$0x70];
	_ =	sdelay $0x4  }
0x64: {  	v58 =	vshll.u32 v3, $0x1  }
0x65: {  	v3 =	vand.u32 $0x7, v3;
	v4 =	vand.u32 $0xFFFFFFF0, v58  }
0x66: {  	v3 =	vor.u32 v3, v4  }
0x67: {  	v4 =	vperm.xlane v3, v0;
	_ =	sdelay $0x1  }
0x68: {  	v3 =	vperm.xlane v3, v2;
	v4 =	vadd.s32 v1, v4;
	_ =	sdelay $0x1  }
0x69: {  	v3 =	vadd.s32 v1, v3;
	_ =	sdelay $0x2  }
0x6a: {  	[tilespmem:s18], [sflag:$0x1] =	stream.indirect_vreg.gather [hbm4b:s3+s2], $0x80, v4, vm0, $0xb8;
	[tilespmem:$0xC900] =	vst v63  }
0x6b: {  	_ = 	snop  }
0x6c: {  	[tilespmem:s19], [sflag:$0x1] =	stream.indirect_vreg.gather [hbm4b:s3+s2], $0x80, v3, vm0, $0xb8;
	[tilespmem:$0xC900] =	vst v63  }
0x6d: {  	v3 =	vld [tilespmem:$0x80];
	_ =	sdelay $0x4  }
0x6e: {  	v59 =	vshll.u32 v3, $0x1  }
0x6f: {  	v3 =	vand.u32 $0x7, v3;
	v4 =	vand.u32 $0xFFFFFFF0, v59  }
0x70: {  	v3 =	vor.u32 v3, v4  }
0x71: {  	v4 =	vperm.xlane v3, v0;
	_ =	sdelay $0x1  }
0x72: {  	v3 =	vperm.xlane v3, v2;
	v4 =	vadd.s32 v1, v4;
	_ =	sdelay $0x1  }
0x73: {  	v3 =	vadd.s32 v1, v3;
	_ =	sdelay $0x2  }
0x74: {  	[tilespmem:s20], [sflag:$0x1] =	stream.indirect_vreg.gather [hbm4b:s3+s2], $0x80, v4, vm0, $0xb8;
	[tilespmem:$0xC900] =	vst v63  }
0x75: {  	_ = 	snop  }
0x76: {  	[tilespmem:s21], [sflag:$0x1] =	stream.indirect_vreg.gather [hbm4b:s3+s2], $0x80, v3, vm0, $0xb8;
	[tilespmem:$0xC900] =	vst v63  }
0x77: {  	v3 =	vld [tilespmem:$0x90];
	_ =	sdelay $0x4  }
0x78: {  	v60 =	vshll.u32 v3, $0x1  }
0x79: {  	v3 =	vand.u32 $0x7, v3;
	v4 =	vand.u32 $0xFFFFFFF0, v60  }
0x7a: {  	v3 =	vor.u32 v3, v4  }
0x7b: {  	v4 =	vperm.xlane v3, v0;
	_ =	sdelay $0x1  }
0x7c: {  	v3 =	vperm.xlane v3, v2;
	v4 =	vadd.s32 v1, v4;
	_ =	sdelay $0x1  }
0x7d: {  	v3 =	vadd.s32 v1, v3;
	_ =	sdelay $0x2  }
0x7e: {  	[tilespmem:s22], [sflag:$0x1] =	stream.indirect_vreg.gather [hbm4b:s3+s2], $0x80, v4, vm0, $0xb8;
	[tilespmem:$0xC900] =	vst v63  }
0x7f: {  	_ = 	snop  }
0x80: {  	[tilespmem:s23], [sflag:$0x1] =	stream.indirect_vreg.gather [hbm4b:s3+s2], $0x80, v3, vm0, $0xb8;
	[tilespmem:$0xC900] =	vst v63  }
0x81: {  	v3 =	vld [tilespmem:$0xA0];
	_ =	sdelay $0x4  }
0x82: {  	v61 =	vshll.u32 v3, $0x1  }
0x83: {  	v3 =	vand.u32 $0x7, v3;
	v4 =	vand.u32 $0xFFFFFFF0, v61  }
0x84: {  	v3 =	vor.u32 v3, v4  }
0x85: {  	v4 =	vperm.xlane v3, v0;
	_ =	sdelay $0x1  }
0x86: {  	v3 =	vperm.xlane v3, v2;
	v4 =	vadd.s32 v1, v4;
	_ =	sdelay $0x1  }
0x87: {  	v3 =	vadd.s32 v1, v3;
	_ =	sdelay $0x2  }
0x88: {  	[tilespmem:s24], [sflag:$0x1] =	stream.indirect_vreg.gather [hbm4b:s3+s2], $0x80, v4, vm0, $0xb8;
	[tilespmem:$0xC900] =	vst v63  }
0x89: {  	_ = 	snop  }
0x8a: {  	[tilespmem:s25], [sflag:$0x1] =	stream.indirect_vreg.gather [hbm4b:s3+s2], $0x80, v3, vm0, $0xb8;
	[tilespmem:$0xC900] =	vst v63  }
0x8b: {  	v3 =	vld [tilespmem:$0xB0];
	_ =	sdelay $0x4  }
0x8c: {  	v62 =	vshll.u32 v3, $0x1  }
0x8d: {  	v3 =	vand.u32 $0x7, v3;
	v4 =	vand.u32 $0xFFFFFFF0, v62  }
0x8e: {  	v3 =	vor.u32 v3, v4  }
0x8f: {  	v4 =	vperm.xlane v3, v0;
	_ =	sdelay $0x1  }
0x90: {  	v3 =	vperm.xlane v3, v2;
	v4 =	vadd.s32 v1, v4;
	_ =	sdelay $0x1  }
0x91: {  	v3 =	vadd.s32 v1, v3;
	_ =	sdelay $0x2  }
0x92: {  	[tilespmem:s26], [sflag:$0x1] =	stream.indirect_vreg.gather [hbm4b:s3+s2], $0x80, v4, vm0, $0xb8;
	[tilespmem:$0xC900] =	vst v63  }
0x93: {  	_ = 	snop  }
0x94: {  	[tilespmem:s28], [sflag:$0x1] =	stream.indirect_vreg.gather [hbm4b:s3+s2], $0x80, v3, vm0, $0xb8;
	[tilespmem:$0xC900] =	vst v63  }
0x95: {  	v3 =	vld.msk [tilespmem:$0xC0], $0xff;
	_ =	sdelay $0x4  }
0x96: {  	v63 =	vshll.u32 v3, $0x1  }
0x97: {  	v3 =	vand.u32 $0x7, v3;
	v4 =	vand.u32 $0xFFFFFFF0, v63  }
0x98: {  	v3 =	vor.u32 v3, v4  }
0x99: {  	v3 =	vperm.xlane v3, v0;
	_ =	sdelay $0x1  }
0x9a: {  	v3 =	vadd.s32 v1, v3;
	_ =	sdelay $0x4  }
0x9b: {  	[tilespmem:s29], [sflag:$0x1] =	stream.indirect_vreg.gather [hbm4b:s3+s2], $0x80, v3, vm0, $0xb8;
	[tilespmem:$0xC900] =	vst v63  }
0x9c: {  	_ =	swait.ge [sflag:s30], $0xC800  }
0x9d: {  	p0 =	sne.s32 s1, $0x258;
	[sflag:s30] =	ssyncset.done $0x0  }
.Ltmp0:
0x9e: {  	[sflag:s30] =	ssyncadd.s32 $0xFFFF3800;
	(pc) =	sbr.rel @p0 .LBB2_2-.Ltmp0, $4  }
0x9f: {  	[hbm4b:s5+s2] =	stream.linear.scatter [tilespmem:s7], [sflag:$0x2], $0xC800, $0x38;
	[tilespmem:$0xC900] =	vst v63  }
0xa0: {  	_ =	swait.ge [sflag:s6], $0xC800  }
0xa1: {  	[sflag:s6] =	ssyncset.done $0x0  }
0xa2: {  	s1 =	sadd.s32 $0x19, s1;
	s5 =	sadd.s32 $0x1900, s5;
	[sflag:s6] =	ssyncadd.s32 $0xFFFF3800  }
0xa3: {  	s31 =	sadd.s32 $0x1, s31;
	s0 =	rddreg [dreg:$0x6]  }
0xa4: {  	p0 =	sne.s32 s31, s0  }
.Ltmp1:
0xa5: {  	_ = 	snop;
	(pc) =	sbr.rel @p0 .LBB2_1-.Ltmp1, $1  }
0xa6: {  	_ =	sdelay $0x3  }
0xa7: {  	_ =	sfence.sel $0x180000  }
0xa8: {  	[bflag:$0x0] =	sbarrier.arrive $0xFFFF  }
0xa9: {  	_ =	strace $0x90000050  }
0xaa: {  	s0 =	stileid.u32;
	[bflag:$0x2] =	sbarrier.arrive $0xFFFF  }
0xab: {  	p0 =	sne.s32 s0, $0x0;
	s0 =	rddreg [dreg:$0x1]  }
0xac: {  	s0 =	sadd.s32 @!p0 $0x100000, s0  }
0xad: {  	[sflag:s0] =	ssyncadd.tile.s32 @!p0 $0x1;
	_ =	shalt  }
.Lfunc_end2:
_tile_overlayer_lowered:
.L_overlay_start_2:
0xae: {  	(tag) =	ssettag $0x2  }
0xaf: {  	s0 =	rddreg [dreg:$0x0];
	s2 =	stileid.u32  }
0xb0: {  	s1 =	rddreg [dreg:$0x1];
	p0 =	sne.s32 s2, $0x0  }
0xb1: {  	s3 =	rddreg [dreg:$0x2];
	[bflag:$0x3] =	sbarrier.arrive $0xFFFF;
	s2 =	simm.s32 @!p0 $0x1C02  }
0xb2: {  	[timem:s3], [sflag:s2] =	dma.local @!p0 [hbm:s0], s1  }
0xb3: {  	s0 =	simm.s32 @!p0 $0x2  }
0xb4: {  	_ =	swait.ge @!p0 [sflag:s0], s1  }
0xb5: {  	s1 =	ssub.s32 @!p0 $0x0, s1;
	[sflag:s0] =	ssyncset.done @!p0 $0x0  }
0xb6: {  	[sflag:s0] =	ssyncadd.s32 @!p0 s1  }
0xb7: {  	[bflag:$0x3] =	sbarrier.arrive $0xFFFF  }
0xb8: {  	_ =	shalt  }

// kernel: kernel.32.cloned.1.call-start
scs
__scs_entry_jumppad:
0x0: {  	(pc) =	sbr.rel $0x88, $3  }
0x1: {  	(tag) =	ssettag $0x0;
	lr =	simm.s32 $0x1  }
0x2: {  	[smem:$0x3F71] =	sst lr;
	_ =	strace $0xD0000000  }
0x3: {  	_ = 	snop  }
0x4: {  	_ = 	snop  }
0x5: {  	_ = 	snop  }
0x6: {  	_ = 	snop  }
0x7: {  	_ = 	snop  }
__scs_overlays_trampoline_lowered:
0x8: {  	[smem:$0x3F80] =	sst s0  }
0x9: {  	[smem:$0x3F81] =	sst s1  }
0xa: {  	[smem:$0x3F82] =	sst s2  }
0xb: {  	[smem:$0x3F83] =	sst s3  }
0xc: {  	[smem:$0x3F84] =	sst s4  }
0xd: {  	[smem:$0x3F85] =	sst s5  }
0xe: {  	[smem:$0x3F86] =	sst s6  }
0xf: {  	[smem:$0x3F87] =	sst s7  }
0x10: {  	[smem:$0x3F88] =	sst s8  }
0x11: {  	[smem:$0x3F89] =	sst s9;
	s0 =	simm.s32 @!p0 $0x0  }
0x12: {  	s1 =	sld [smem:$0x3F6F];
	s0 =	simm.s32 @p0 $0x1  }
0x13: {  	[smem:$0x3F8A] =	sst s0;
	s0 =	simm.s32 @!p1 $0x0  }
0x14: {  	s2 =	sld [smem:$0x3F6E];
	s0 =	simm.s32 @p1 $0x1  }
0x15: {  	[smem:$0x3F8B] =	sst s0;
	s0 =	simm.s32 @!p2 $0x0  }
0x16: {  	s3 =	sld [smem:$0x3FDB];
	s0 =	simm.s32 @p2 $0x1  }
0x17: {  	s4 =	simm.s32 $0x1BF5;
	[smem:$0x3F8D] =	sst s0  }
0x18: {  	s0 =	sld [smem:$0x3F70];
	_ =	swait.ge [sflag:s4], $0x0  }
0x19: {  	s7 =	sld [smem:$0x3F71]  }
0x1a: {  	s8 =	sadd.s32 $0xFFFFE003, lr  }
0x1b: {  	s9 =	sadd.s32 $0xFFFFFEF7, lr;
	s5 =	simm.s32 $0xFFFFFFFF;
	p2 =	slt.u32 s8, $0xFFFFF086  }
0x1c: {  	p1 =	slt.u32 s9, $0xF7A;
	s5 =	simm.s32 @!p2 $0x0  }
0x1d: {  	s5 =	simm.s32 @p1 $0x1;
	p0 =	seq.s32 s7, s2  }
0x1e: {  	s7 =	smul.u32 @!p0 $0xF7A, s2;
	p2 =	seq.s32 @!p0 s5, $0x0  }
0x1f: {  	s9 =	smul.u32 $0xF7A, s1;
	s8 =	simm.s32 @!p0 $0x1BF5;
	p2 =	por !p2, p0  }
0x20: {  	[sflag:s8] =	ssyncset.s32 @!p0 $0xFFFFF086;
	s6 =	sadd.s32 @!p0 s3, s7;
	s7 =	simm.s32 @!p0 $0x108  }
0x21: {  	s3 =	sadd.s32 s3, s9;
	s6 =	sadd.s32 @!p0 $0x88, s6;
	s7 =	simm.s32 @p2 $0x1082  }
0x22: {  	[simem:s7], [sflag:s8] =	dma.local @!p0 [hbm:s6], $0xF7A  }
0x23: {  	s9 =	sor.u32 $0xD0000000, s2;
	s6 =	simm.s32 $0x108;
	_ =	swait.ge @!p0 [sflag:s8], $0x0  }
0x24: {  	s3 =	sadd.s32 $0x88, s3;
	s6 =	simm.s32 @!p1 $0x1082;
	[sflag:s4] =	ssyncset.s32 $0xFFFFF086  }
0x25: {  	[simem:s6], [sflag:s4] =	dma.local [hbm:s3], $0xF7A  }
0x26: {  	[smem:$0x3F71] =	sst s1;
	(tag) =	ssettag s2;
	_ =	strace s9  }
0x27: {  	s1 =	sld [smem:$0x3F81]  }
0x28: {  	s2 =	sld [smem:$0x3F82]  }
0x29: {  	s4 =	sld [smem:$0x3F84]  }
0x2a: {  	p0 =	seq.s32 s5, $0x0;
	s5 =	sld [smem:$0x3F85]  }
0x2b: {  	s6 =	sld [smem:$0x3F86]  }
0x2c: {  	s7 =	sld [smem:$0x3F87]  }
0x2d: {  	s3 =	simm.s32 $0x108;
	s8 =	sld [smem:$0x3F88]  }
0x2e: {  	s3 =	simm.s32 @!p0 $0x1082;
	s9 =	sld [smem:$0x3F89]  }
0x2f: {  	lr =	sadd.s32 s0, s3;
	s0 =	sld [smem:$0x3F80]  }
0x30: {  	s3 =	sld [smem:$0x3F83]  }
0x31: {  	[smem:$0x3F8C] =	sst s10  }
0x32: {  	s10 =	sld [smem:$0x3F8A];
	_ =	sdelay $0x3  }
0x33: {  	p0 =	seq.s32 s10, $0x1;
	s10 =	sld [smem:$0x3F8C];
	_ =	sdelay $0x3  }
0x34: {  	[smem:$0x3F8C] =	sst s10  }
0x35: {  	s10 =	sld [smem:$0x3F8B];
	_ =	sdelay $0x3  }
0x36: {  	p1 =	seq.s32 s10, $0x1;
	s10 =	sld [smem:$0x3F8C];
	_ =	sdelay $0x3  }
0x37: {  	[smem:$0x3F8C] =	sst s10  }
0x38: {  	s10 =	sld [smem:$0x3F8D]  }
0x39: {  	_ = 	snop;
	(pc) =	sbr.ind lr, $3  }
0x3a: {  	_ = 	snop  }
0x3b: {  	_ = 	snop  }
0x3c: {  	p2 =	seq.s32 s10, $0x1;
	s10 =	sld [smem:$0x3F8C]  }
0x3d: {  	_ =	shalt  }
0x3e: {  	_ =	shalt  }
0x3f: {  	_ =	shalt  }
0x40: {  	_ =	shalt  }
0x41: {  	_ =	shalt  }
0x42: {  	_ =	shalt  }
0x43: {  	_ =	shalt  }
0x44: {  	_ =	shalt  }
0x45: {  	_ =	shalt  }
0x46: {  	_ =	shalt  }
0x47: {  	_ =	shalt  }
0x48: {  	_ =	shalt  }
0x49: {  	_ =	shalt  }
0x4a: {  	_ =	shalt  }
0x4b: {  	_ =	shalt  }
0x4c: {  	_ =	shalt  }
0x4d: {  	_ =	shalt  }
0x4e: {  	_ =	shalt  }
0x4f: {  	_ =	shalt  }
0x50: {  	_ =	shalt  }
0x51: {  	_ =	shalt  }
0x52: {  	_ =	shalt  }
0x53: {  	_ =	shalt  }
0x54: {  	_ =	shalt  }
0x55: {  	_ =	shalt  }
0x56: {  	_ =	shalt  }
0x57: {  	_ =	shalt  }
0x58: {  	_ =	shalt  }
0x59: {  	_ =	shalt  }
0x5a: {  	_ =	shalt  }
0x5b: {  	_ =	shalt  }
0x5c: {  	_ =	shalt  }
0x5d: {  	_ =	shalt  }
0x5e: {  	_ =	shalt  }
0x5f: {  	_ =	shalt  }
0x60: {  	_ =	shalt  }
0x61: {  	_ =	shalt  }
0x62: {  	_ =	shalt  }
0x63: {  	_ =	shalt  }
0x64: {  	_ =	shalt  }
0x65: {  	_ =	shalt  }
0x66: {  	_ =	shalt  }
0x67: {  	_ =	shalt  }
0x68: {  	_ =	shalt  }
0x69: {  	_ =	shalt  }
0x6a: {  	_ =	shalt  }
0x6b: {  	_ =	shalt  }
0x6c: {  	_ =	shalt  }
0x6d: {  	_ =	shalt  }
0x6e: {  	_ =	shalt  }
0x6f: {  	_ =	shalt  }
0x70: {  	_ =	shalt  }
0x71: {  	_ =	shalt  }
0x72: {  	_ =	shalt  }
0x73: {  	_ =	shalt  }
0x74: {  	_ =	shalt  }
0x75: {  	_ =	shalt  }
0x76: {  	_ =	shalt  }
0x77: {  	_ =	shalt  }
0x78: {  	_ =	shalt  }
0x79: {  	_ =	shalt  }
0x7a: {  	_ =	shalt  }
0x7b: {  	_ =	shalt  }
0x7c: {  	_ =	shalt  }
0x7d: {  	_ =	shalt  }
0x7e: {  	_ =	shalt  }
0x7f: {  	_ =	shalt  }
0x80: {  	_ =	shalt  }
0x81: {  	_ =	shalt  }
0x82: {  	_ =	shalt  }
0x83: {  	_ =	shalt  }
0x84: {  	_ =	shalt  }
0x85: {  	_ =	shalt  }
0x86: {  	_ =	shalt  }
0x87: {  	_ =	shalt  }
.Lfunc_end0:
.L_simem_size_0:
called_computation.4_lowered:
.L_overlay_start_0:
0x88: {  	s2 =	sld [smem:$0x3FD9]  }
0x89: {  	s3 =	sld [smem:$0x3FFE];
	_ =	sdelay $0x1  }
0x8a: {  	s1 =	srdreg.scid  }
0x8b: {  	s0 =	sand.u32 $0x1, s1  }
0x8c: {  	s16 =	sshll.u32 s0, $0xA;
	s2 =	sadd.s32 s3, s2  }
0x8d: {  	s2 =	sadd.s32 s2, s16  }
0x8e: {  	[smem:$0x3F98] =	sst s2  }
0x8f: {  	_ = 	snop  }
0x90: {  	(tm) =	ssettm $0x1  }
0x91: {  	s17 =	sld [smem:$0x3FFB];
	_ =	sdelay $0x3  }
0x92: {  	_ =	strace s17  }
0x93: {  	s2 =	sld [smem:$0x3FFC];
	_ =	sdelay $0x3  }
0x94: {  	_ =	strace s2  }
0x95: {  	s2 =	sld [smem:$0x3FFD];
	_ =	sdelay $0x3  }
0x96: {  	_ =	strace s2  }
0x97: {  	_ =	strace $0x8FFFFFFF  }
0x98: {  	s18 =	sld [smem:$0x3FDB];
	_ =	sdelay $0x1  }
0x99: {  	s19 =	simm.s32 $_scs_section_size  }
0x9a: {  	s4 =	simm.s32 $_size__tile_overlayer_lowered;
	s5 =	simm.s32 $_tile_overlayer_lowered  }
0x9b: {  	s22 =	simm.s32 $0x1BFF;
	s21 =	sshll.u32 s5, $0x1;
	s2 =	sadd.s32 s19, s18  }
0x9c: {  	s6 =	simm.s32 $0x0;
	s20 =	sshll.u32 s4, $0x1;
	s4 =	sadd.s32 s21, s2  }
0x9d: {  	[timem:s6], [sflag:s22] =	dma.local [hbm:s4], s20  }
0x9e: {  	_ =	swait.ge [sflag:s22], s20  }
0x9f: {  	s3 =	ssub.s32 $0x0, s20;
	[sflag:s22] =	ssyncset.done $0x0  }
0xa0: {  	[sflag:s22] =	ssyncadd.s32 s3;
	_ =	sdelay $0x1  }
0xa1: {  	s23 =	simm.s32 $0x1B8B  }
0xa2: {  	_ =	swait.ge [sflag:s23], $0x1  }
0xa3: {  	[sflag:s23] =	ssyncset.done $0x0  }
0xa4: {  	s25 =	simm.s32 $0x1B8E;
	s24 =	sld [smem:$0x3FFE];
	[sflag:s23] =	ssyncadd.s32 $0xFFFFFFFF  }
0xa5: {  	s26 =	simm.s32 $execute0_lowered;
	[smem:$0x3FD2] =	sst s25  }
0xa6: {  	s4 =	sshll.u32 s26, $0x1;
	_ =	strace $0x80000052;
	[dreg:$0x1] =	wrdreg $0xFFFFFFFF  }
0xa7: {  	s28 =	simm.s32 $_size_execute0_lowered;
	s2 =	sadd.s32 s2, s4;
	[dreg:$0x0] =	wrdreg $0x0  }
0xa8: {  	s4 =	sshll.u32 s28, $0x1;
	[dreg:$0x2] =	wrdreg s2  }
0xa9: {  	[dreg:$0x3] =	wrdreg s4  }
0xaa: {  	[dreg:$0x4] =	wrdreg $0xC0  }
0xab: {  	_ =	task [dreg:s6], $0x5FFFF  }
0xac: {  	[dreg:$0x1] =	wrdreg $0xFFFFFFFF  }
0xad: {  	[dreg:$0x0] =	wrdreg $0x60  }
0xae: {  	[dreg:$0x2] =	wrdreg s24  }
0xaf: {  	[dreg:$0x3] =	wrdreg $0x0  }
0xb0: {  	[dreg:$0x4] =	wrdreg $0x9  }
0xb1: {  	_ =	task.clear_ibuf [dreg:s6], $0x5FFFF;
	_ =	strace $0x90000052  }
0xb2: {  	s29 =	simm.s32 $0x9;
	_ =	strace $0x80000054  }
0xb3: {  	_ =	swait.ge [sflag:s29], $0x1  }
0xb4: {  	[sflag:s29] =	ssyncadd.s32 $0xFFFFFFFF  }
0xb5: {  	_ =	strace $0x90000054  }
0xb6: {  	_ =	sfence  }
0xb7: {  	s30 =	sld [smem:$0x0];
	_ =	sdelay $0x2  }
0xb8: {  	s31 =	sshll.u32 s1, $0xD;
	s1 =	sshrl.u32 s1, $0x2  }
0xb9: {  	s3 =	sand.u32 $0x4000, s31;
	s1 =	sadd.s32 s1, s30  }
0xba: {  	s0 =	sor.u32 s3, s0;
	s1 =	sshll.u32 s1, $0x11  }
0xbb: {  	s0 =	sor.u32 s1, s0  }
0xbc: {  	s0 =	sadd.s32 $0x8F2B, s0  }
0xbd: {  	[sflag:s0] =	ssyncadd.remote.s32 $0x1  }
0xbe: {  	_ =	sfence.sel $0xFFFF  }
0xbf: {  	[dreg:$0x0] =	wrdreg $0xFFFFFFFF;
	(pc) =	sbr.abs _section_cstart, $3  }
0xc0: {  	[dreg:$0x1] =	wrdreg $0xFFFFFFFF  }
0xc1: {  	_ =	task.clear_ibuf [dreg:s6], $0x2FFFF;
	_ =	strace $0x9FFFFFFF  }
0xc2: {  	(tm) =	ssettm $0x7FFFFFFF  }
0xc3: {  	_ =	shalt  }
tec
execute0_lowered:
.L_overlay_start_1:
0x0: {  	(tag) =	ssettag $0x1  }
0x1: {  	s4 =	rddreg [dreg:$0x0]  }
0x2: {  	s2 =	rddreg [dreg:$0x1]  }
0x3: {  	s0 =	rddreg [dreg:$0x2];
	s3 =	simm.s32 $0x0  }
0x4: {  	s1 =	stileid.u32;
	s7 =	srdreg.scid;
	s14 =	simm.s32 $0x800  }
0x5: {  	s15 =	simm.s32 $0x13D00;
	s16 =	simm.s32 $0xC8;
	s5 =	smul.u32 $0x4E200, s1  }
0x6: {  	s17 =	simm.s32 $0x8;
	s18 =	simm.s32 $0x100;
	s6 =	smul.u32 $0x4E2, s1  }
0x7: {  	s19 =	simm.s32 $0x80;
	s20 =	simm.s32 $0x0;
	s26 =	smul.u32 $0x27800, s1  }
0x8: {  	[smem:$0x7FF] =	sst s3;
	s25 =	sand.u32 $0x1, s7;
	s28 =	smul.u32 $0x2780, s1  }
0x9: {  	s11 =	smul.u32 $0x4F000, s1;
	s31 =	sshll.u32 s1, $0x6;
	_ =	strace $0x80000053  }
0xa: {  	s10 =	sshll.u32 s25, $0xA;
	s29 =	ssub.s32 $0x2, s25;
	s13 =	sshll.u32 s25, $0x7  }
0xb: {  	s8 =	sadd.s32 s5, s4;
	s9 =	sadd.s32 s6, s4;
	s7 =	sor.u32 s10, s26  }
0xc: {  	s6 =	sadd.s32 s28, s4;
	s12 =	sshrl.u32 s29, $0x1;
	s30 =	sshrl.u32 s11, $0x2  }
0xd: {  	s5 =	sor.u32 $0x1C01, s31;
	s7 =	sshrl.u32 s7, $0x3;
	s10 =	ssub.s32 s29, s12  }
0xe: {  	s8 =	sadd.s32 s13, s8;
	s9 =	sadd.s32 $0xA200, s9;
	s12 =	simm.s32 $0x13C00  }
0xf: {  	s13 =	simm.s32 $0x400;
	s7 =	sadd.s32 s7, s4;
	s4 =	sadd.s32 $0x72600, s6  }
0x10: {  	s11 =	sadd.s32 s30, s2;
	s8 =	sadd.s32 $0xD43E00, s8;
	s6 =	sadd.s32 $0x184C00, s7  }
0x11: {  	s7 =	smax.u32 s10, $0x1;
	s10 =	sshrl.u32 s11, $0x3;
	s11 =	simm.s32 $0x1  }
.LBB2_1:
0x12: {  	[spmem:s10], [sflag:s5] =	dma.local [hbm:s4], $0x2780  }
0x13: {  	_ =	swait.ge [sflag:s11], $0x2780  }
0x14: {  	[sflag:s11] =	ssyncset.done $0x0  }
0x15: {  	[sflag:s11] =	ssyncadd.s32 $0xFFFFD880  }
0x16: {  	s21 =	sadd.s32 $0x0, s9;
	[bflag:$0x0] =	sbarrier.arrive $0xFFFF  }
0x17: {  	[tilespmem:s12], [sflag:$0x1] =	stream.linear.gather [hbm4b:s21+s3], $0xC8, $0x38;
	[tilespmem:$0x1A100] =	vst v63  }
0x18: {  	_ =	swait.ge [sflag:s11], $0xC8  }
0x19: {  	[sflag:s11] =	ssyncset.done $0x0  }
0x1a: {  	[sflag:s11] =	ssyncadd.s32 $0xFFFFFF38  }
0x1b: {  	[tilespmem:s15], [sflag:$0x1] =	stream.strided.gather [hbm4b:s8+s13], $0x6400, s14, s13, $0x38;
	[tilespmem:$0x1A100] =	vst v63  }
0x1c: {  	_ =	swait.ge [sflag:s11], $0x6400  }
0x1d: {  	[sflag:s11] =	ssyncset.done $0x0  }
0x1e: {  	[sflag:s11] =	ssyncadd.s32 $0xFFFF9C00  }
0x1f: {  	[spmem:s2] =	stream.indirect.scatter.add.f32 [tilespmem:s15], [sflag:$0x1], $0x80, s12, s16, $0xb8;
	[tilespmem:$0x1A100] =	vst v63  }
0x20: {  	s22 =	simm.s32 $0x19;
	_ =	swait.ge [sflag:s11], $0x6400  }
0x21: {  	s23 =	simm.s32 $0x32;
	s21 =	sadd.s32 $0x1900, s8;
	[sflag:s11] =	ssyncset.done $0x0  }
.LBB2_2:
0x22: {  	s24 =	sadd.s32 s22, s9  }
0x23: {  	[sflag:s11] =	ssyncadd.s32 $0xFFFF9C00;
	s22 =	smov.u32 s23;
	s25 =	sadd.s32 $0x19, s23  }
0x24: {  	[tilespmem:s12], [sflag:$0x1] =	stream.linear.gather [hbm4b:s24+s3], $0xC8, $0x38;
	[tilespmem:$0x1A100] =	vst v63  }
0x25: {  	p0 =	sne.s32 s23, $0x4C9;
	_ =	swait.ge [sflag:s11], $0xC8  }
0x26: {  	[sflag:s11] =	ssyncset.done $0x0  }
0x27: {  	[sflag:s11] =	ssyncadd.s32 $0xFFFFFF38  }
0x28: {  	[tilespmem:s15], [sflag:$0x1] =	stream.strided.gather [hbm4b:s21+s13], $0x6400, s14, s13, $0x38;
	[tilespmem:$0x1A100] =	vst v63  }
0x29: {  	_ =	swait.ge [sflag:s11], $0x6400  }
.Ltmp0:
0x2a: {  	[sflag:s11] =	ssyncset.done $0x0;
	(pc) =	sbr.rel @p0 .LBB2_2-.Ltmp0, $4  }
0x2b: {  	[sflag:s11] =	ssyncadd.s32 $0xFFFF9C00  }
0x2c: {  	[spmem:s2] =	stream.indirect.scatter.add.f32 [tilespmem:s15], [sflag:$0x1], $0x80, s12, s16, $0xb8;
	[tilespmem:$0x1A100] =	vst v63  }
0x2d: {  	_ =	swait.ge [sflag:s11], $0x6400  }
0x2e: {  	s23 =	smov.u32 s25;
	s21 =	sadd.s32 $0x1900, s21;
	[sflag:s11] =	ssyncset.done $0x0  }
0x2f: {  	s22 =	sadd.s32 s22, s9;
	[sflag:s11] =	ssyncadd.s32 $0xFFFF9C00  }
0x30: {  	[tilespmem:s12], [sflag:$0x1] =	stream.linear.gather [hbm4b:s22+s3], $0xC8, $0x38;
	[tilespmem:$0x1A100] =	vst v63  }
0x31: {  	_ =	swait.ge [sflag:s11], $0xC8  }
0x32: {  	[sflag:s11] =	ssyncset.done $0x0  }
0x33: {  	[sflag:s11] =	ssyncadd.s32 $0xFFFFFF38  }
0x34: {  	[tilespmem:s15], [sflag:$0x1] =	stream.strided.gather [hbm4b:s21+s13], $0x6400, s14, s13, $0x38;
	[tilespmem:$0x1A100] =	vst v63  }
0x35: {  	_ =	swait.ge [sflag:s11], $0x6400  }
0x36: {  	[sflag:s11] =	ssyncset.done $0x0  }
0x37: {  	[sflag:s11] =	ssyncadd.s32 $0xFFFF9C00  }
0x38: {  	[spmem:s2] =	stream.indirect.scatter.add.f32 [tilespmem:s15], [sflag:$0x1], $0x80, s12, s16, $0xb8;
	[tilespmem:$0x1A100] =	vst v63  }
0x39: {  	_ =	swait.ge [sflag:s11], $0x6400  }
0x3a: {  	s20 =	sadd.s32 $0x1, s20;
	[sflag:s11] =	ssyncset.done $0x0  }
0x3b: {  	p0 =	sne.s32 s20, s7;
	[sflag:s11] =	ssyncadd.s32 $0xFFFF9C00  }
.Ltmp1:
0x3c: {  	[bflag:$0x0] =	sbarrier.arrive $0xFFFF;
	(pc) =	sbr.rel @p0 .LBB2_1-.Ltmp1, $4  }
0x3d: {  	[hbm:s6@s18], [sflag:s5] =	dma.strided [spmem:s10@s19], $0x2780, s17, $0x10   }
0x3e: {  	_ =	swait.ge [sflag:s11], $0x2780  }
0x3f: {  	[sflag:s11] =	ssyncset.done $0x0  }
0x40: {  	[sflag:s11] =	ssyncadd.s32 $0xFFFFD880  }
0x41: {  	_ =	sfence.sel $0x180000  }
0x42: {  	[bflag:$0x0] =	sbarrier.arrive $0xFFFF  }
0x43: {  	p0 =	sne.s32 s1, $0x0;
	_ =	strace $0x90000053  }
0x44: {  	s0 =	sadd.s32 @!p0 $0x100000, s0;
	[bflag:$0x2] =	sbarrier.arrive $0xFFFF  }
0x45: {  	[sflag:s0] =	ssyncadd.tile.s32 @!p0 $0x1;
	_ =	shalt  }
.Lfunc_end2:
_tile_overlayer_lowered:
.L_overlay_start_2:
0x46: {  	(tag) =	ssettag $0x2  }
0x47: {  	s0 =	rddreg [dreg:$0x0];
	s2 =	stileid.u32  }
0x48: {  	s1 =	rddreg [dreg:$0x1];
	p0 =	sne.s32 s2, $0x0  }
0x49: {  	s3 =	rddreg [dreg:$0x2];
	[bflag:$0x3] =	sbarrier.arrive $0xFFFF;
	s2 =	simm.s32 @!p0 $0x1C01  }
0x4a: {  	[timem:s3], [sflag:s2] =	dma.local @!p0 [hbm:s0], s1  }
0x4b: {  	s0 =	simm.s32 @!p0 $0x1  }
0x4c: {  	_ =	swait.ge @!p0 [sflag:s0], s1  }
0x4d: {  	s1 =	ssub.s32 @!p0 $0x0, s1;
	[sflag:s0] =	ssyncset.done @!p0 $0x0  }
0x4e: {  	[sflag:s0] =	ssyncadd.s32 @!p0 s1  }
0x4f: {  	[bflag:$0x3] =	sbarrier.arrive $0xFFFF  }
0x50: {  	_ =	shalt  }

// kernel: kernel.35.cloned.1.call-start
scs
__scs_entry_jumppad:
0x0: {  	(pc) =	sbr.rel $0x88, $3  }
0x1: {  	(tag) =	ssettag $0x0;
	lr =	simm.s32 $0x1  }
0x2: {  	[smem:$0x3F71] =	sst lr;
	_ =	strace $0xD0000000  }
0x3: {  	_ = 	snop  }
0x4: {  	_ = 	snop  }
0x5: {  	_ = 	snop  }
0x6: {  	_ = 	snop  }
0x7: {  	_ = 	snop  }
__scs_overlays_trampoline_lowered:
0x8: {  	[smem:$0x3F80] =	sst s0  }
0x9: {  	[smem:$0x3F81] =	sst s1  }
0xa: {  	[smem:$0x3F82] =	sst s2  }
0xb: {  	[smem:$0x3F83] =	sst s3  }
0xc: {  	[smem:$0x3F84] =	sst s4  }
0xd: {  	[smem:$0x3F85] =	sst s5  }
0xe: {  	[smem:$0x3F86] =	sst s6  }
0xf: {  	[smem:$0x3F87] =	sst s7  }
0x10: {  	[smem:$0x3F88] =	sst s8  }
0x11: {  	[smem:$0x3F89] =	sst s9;
	s0 =	simm.s32 @!p0 $0x0  }
0x12: {  	s1 =	sld [smem:$0x3F6F];
	s0 =	simm.s32 @p0 $0x1  }
0x13: {  	[smem:$0x3F8A] =	sst s0;
	s0 =	simm.s32 @!p1 $0x0  }
0x14: {  	s2 =	sld [smem:$0x3F6E];
	s0 =	simm.s32 @p1 $0x1  }
0x15: {  	[smem:$0x3F8B] =	sst s0;
	s0 =	simm.s32 @!p2 $0x0  }
0x16: {  	s3 =	sld [smem:$0x3FDB];
	s0 =	simm.s32 @p2 $0x1  }
0x17: {  	s4 =	simm.s32 $0x1BF5;
	[smem:$0x3F8D] =	sst s0  }
0x18: {  	s0 =	sld [smem:$0x3F70];
	_ =	swait.ge [sflag:s4], $0x0  }
0x19: {  	s7 =	sld [smem:$0x3F71]  }
0x1a: {  	s8 =	sadd.s32 $0xFFFFE003, lr  }
0x1b: {  	s9 =	sadd.s32 $0xFFFFFEF7, lr;
	s5 =	simm.s32 $0xFFFFFFFF;
	p2 =	slt.u32 s8, $0xFFFFF086  }
0x1c: {  	p1 =	slt.u32 s9, $0xF7A;
	s5 =	simm.s32 @!p2 $0x0  }
0x1d: {  	s5 =	simm.s32 @p1 $0x1;
	p0 =	seq.s32 s7, s2  }
0x1e: {  	s7 =	smul.u32 @!p0 $0xF7A, s2;
	p2 =	seq.s32 @!p0 s5, $0x0  }
0x1f: {  	s9 =	smul.u32 $0xF7A, s1;
	s8 =	simm.s32 @!p0 $0x1BF5;
	p2 =	por !p2, p0  }
0x20: {  	[sflag:s8] =	ssyncset.s32 @!p0 $0xFFFFF086;
	s6 =	sadd.s32 @!p0 s3, s7;
	s7 =	simm.s32 @!p0 $0x108  }
0x21: {  	s3 =	sadd.s32 s3, s9;
	s6 =	sadd.s32 @!p0 $0x88, s6;
	s7 =	simm.s32 @p2 $0x1082  }
0x22: {  	[simem:s7], [sflag:s8] =	dma.local @!p0 [hbm:s6], $0xF7A  }
0x23: {  	s9 =	sor.u32 $0xD0000000, s2;
	s6 =	simm.s32 $0x108;
	_ =	swait.ge @!p0 [sflag:s8], $0x0  }
0x24: {  	s3 =	sadd.s32 $0x88, s3;
	s6 =	simm.s32 @!p1 $0x1082;
	[sflag:s4] =	ssyncset.s32 $0xFFFFF086  }
0x25: {  	[simem:s6], [sflag:s4] =	dma.local [hbm:s3], $0xF7A  }
0x26: {  	[smem:$0x3F71] =	sst s1;
	(tag) =	ssettag s2;
	_ =	strace s9  }
0x27: {  	s1 =	sld [smem:$0x3F81]  }
0x28: {  	s2 =	sld [smem:$0x3F82]  }
0x29: {  	s4 =	sld [smem:$0x3F84]  }
0x2a: {  	p0 =	seq.s32 s5, $0x0;
	s5 =	sld [smem:$0x3F85]  }
0x2b: {  	s6 =	sld [smem:$0x3F86]  }
0x2c: {  	s7 =	sld [smem:$0x3F87]  }
0x2d: {  	s3 =	simm.s32 $0x108;
	s8 =	sld [smem:$0x3F88]  }
0x2e: {  	s3 =	simm.s32 @!p0 $0x1082;
	s9 =	sld [smem:$0x3F89]  }
0x2f: {  	lr =	sadd.s32 s0, s3;
	s0 =	sld [smem:$0x3F80]  }
0x30: {  	s3 =	sld [smem:$0x3F83]  }
0x31: {  	[smem:$0x3F8C] =	sst s10  }
0x32: {  	s10 =	sld [smem:$0x3F8A];
	_ =	sdelay $0x3  }
0x33: {  	p0 =	seq.s32 s10, $0x1;
	s10 =	sld [smem:$0x3F8C];
	_ =	sdelay $0x3  }
0x34: {  	[smem:$0x3F8C] =	sst s10  }
0x35: {  	s10 =	sld [smem:$0x3F8B];
	_ =	sdelay $0x3  }
0x36: {  	p1 =	seq.s32 s10, $0x1;
	s10 =	sld [smem:$0x3F8C];
	_ =	sdelay $0x3  }
0x37: {  	[smem:$0x3F8C] =	sst s10  }
0x38: {  	s10 =	sld [smem:$0x3F8D]  }
0x39: {  	_ = 	snop;
	(pc) =	sbr.ind lr, $3  }
0x3a: {  	_ = 	snop  }
0x3b: {  	_ = 	snop  }
0x3c: {  	p2 =	seq.s32 s10, $0x1;
	s10 =	sld [smem:$0x3F8C]  }
0x3d: {  	_ =	shalt  }
0x3e: {  	_ =	shalt  }
0x3f: {  	_ =	shalt  }
0x40: {  	_ =	shalt  }
0x41: {  	_ =	shalt  }
0x42: {  	_ =	shalt  }
0x43: {  	_ =	shalt  }
0x44: {  	_ =	shalt  }
0x45: {  	_ =	shalt  }
0x46: {  	_ =	shalt  }
0x47: {  	_ =	shalt  }
0x48: {  	_ =	shalt  }
0x49: {  	_ =	shalt  }
0x4a: {  	_ =	shalt  }
0x4b: {  	_ =	shalt  }
0x4c: {  	_ =	shalt  }
0x4d: {  	_ =	shalt  }
0x4e: {  	_ =	shalt  }
0x4f: {  	_ =	shalt  }
0x50: {  	_ =	shalt  }
0x51: {  	_ =	shalt  }
0x52: {  	_ =	shalt  }
0x53: {  	_ =	shalt  }
0x54: {  	_ =	shalt  }
0x55: {  	_ =	shalt  }
0x56: {  	_ =	shalt  }
0x57: {  	_ =	shalt  }
0x58: {  	_ =	shalt  }
0x59: {  	_ =	shalt  }
0x5a: {  	_ =	shalt  }
0x5b: {  	_ =	shalt  }
0x5c: {  	_ =	shalt  }
0x5d: {  	_ =	shalt  }
0x5e: {  	_ =	shalt  }
0x5f: {  	_ =	shalt  }
0x60: {  	_ =	shalt  }
0x61: {  	_ =	shalt  }
0x62: {  	_ =	shalt  }
0x63: {  	_ =	shalt  }
0x64: {  	_ =	shalt  }
0x65: {  	_ =	shalt  }
0x66: {  	_ =	shalt  }
0x67: {  	_ =	shalt  }
0x68: {  	_ =	shalt  }
0x69: {  	_ =	shalt  }
0x6a: {  	_ =	shalt  }
0x6b: {  	_ =	shalt  }
0x6c: {  	_ =	shalt  }
0x6d: {  	_ =	shalt  }
0x6e: {  	_ =	shalt  }
0x6f: {  	_ =	shalt  }
0x70: {  	_ =	shalt  }
0x71: {  	_ =	shalt  }
0x72: {  	_ =	shalt  }
0x73: {  	_ =	shalt  }
0x74: {  	_ =	shalt  }
0x75: {  	_ =	shalt  }
0x76: {  	_ =	shalt  }
0x77: {  	_ =	shalt  }
0x78: {  	_ =	shalt  }
0x79: {  	_ =	shalt  }
0x7a: {  	_ =	shalt  }
0x7b: {  	_ =	shalt  }
0x7c: {  	_ =	shalt  }
0x7d: {  	_ =	shalt  }
0x7e: {  	_ =	shalt  }
0x7f: {  	_ =	shalt  }
0x80: {  	_ =	shalt  }
0x81: {  	_ =	shalt  }
0x82: {  	_ =	shalt  }
0x83: {  	_ =	shalt  }
0x84: {  	_ =	shalt  }
0x85: {  	_ =	shalt  }
0x86: {  	_ =	shalt  }
0x87: {  	_ =	shalt  }
.Lfunc_end0:
.L_simem_size_0:
called_computation.5_lowered:
.L_overlay_start_0:
0x88: {  	s2 =	sld [smem:$0x3FD9]  }
0x89: {  	s3 =	sld [smem:$0x3FFE];
	_ =	sdelay $0x1  }
0x8a: {  	s1 =	srdreg.scid  }
0x8b: {  	s0 =	sand.u32 $0x1, s1  }
0x8c: {  	s16 =	sshll.u32 s0, $0xA;
	s2 =	sadd.s32 s3, s2  }
0x8d: {  	s2 =	sadd.s32 s2, s16  }
0x8e: {  	[smem:$0x3F98] =	sst s2  }
0x8f: {  	_ = 	snop  }
0x90: {  	(tm) =	ssettm $0x1  }
0x91: {  	s17 =	sld [smem:$0x3FFB];
	_ =	sdelay $0x3  }
0x92: {  	_ =	strace s17  }
0x93: {  	s2 =	sld [smem:$0x3FFC];
	_ =	sdelay $0x3  }
0x94: {  	_ =	strace s2  }
0x95: {  	s2 =	sld [smem:$0x3FFD];
	_ =	sdelay $0x3  }
0x96: {  	_ =	strace s2  }
0x97: {  	_ =	strace $0x8FFFFFFF  }
0x98: {  	s18 =	sld [smem:$0x3FDB];
	_ =	sdelay $0x1  }
0x99: {  	s19 =	simm.s32 $_scs_section_size  }
0x9a: {  	s4 =	simm.s32 $_size__tile_overlayer_lowered;
	s5 =	simm.s32 $_tile_overlayer_lowered  }
0x9b: {  	s22 =	simm.s32 $0x1BFF;
	s21 =	sshll.u32 s5, $0x1;
	s2 =	sadd.s32 s19, s18  }
0x9c: {  	s6 =	simm.s32 $0x0;
	s20 =	sshll.u32 s4, $0x1;
	s4 =	sadd.s32 s21, s2  }
0x9d: {  	[timem:s6], [sflag:s22] =	dma.local [hbm:s4], s20  }
0x9e: {  	_ =	swait.ge [sflag:s22], s20  }
0x9f: {  	s3 =	ssub.s32 $0x0, s20;
	[sflag:s22] =	ssyncset.done $0x0  }
0xa0: {  	[sflag:s22] =	ssyncadd.s32 s3;
	_ =	sdelay $0x1  }
0xa1: {  	s23 =	simm.s32 $0x1B8B  }
0xa2: {  	_ =	swait.ge [sflag:s23], $0x1  }
0xa3: {  	[sflag:s23] =	ssyncset.done $0x0  }
0xa4: {  	s25 =	simm.s32 $0x1B8E;
	s24 =	sld [smem:$0x3FFE];
	[sflag:s23] =	ssyncadd.s32 $0xFFFFFFFF  }
0xa5: {  	s26 =	simm.s32 $execute0_lowered;
	[smem:$0x3FD2] =	sst s25  }
0xa6: {  	s4 =	sshll.u32 s26, $0x1;
	_ =	strace $0x80000055;
	[dreg:$0x1] =	wrdreg $0xFFFFFFFF  }
0xa7: {  	s28 =	simm.s32 $_size_execute0_lowered;
	s2 =	sadd.s32 s2, s4;
	[dreg:$0x0] =	wrdreg $0x0  }
0xa8: {  	s4 =	sshll.u32 s28, $0x1;
	[dreg:$0x2] =	wrdreg s2  }
0xa9: {  	[dreg:$0x3] =	wrdreg s4  }
0xaa: {  	[dreg:$0x4] =	wrdreg $0xC0  }
0xab: {  	_ =	task [dreg:s6], $0x5FFFF  }
0xac: {  	[dreg:$0x1] =	wrdreg $0xFFFFFFFF  }
0xad: {  	[dreg:$0x0] =	wrdreg $0x60  }
0xae: {  	[dreg:$0x2] =	wrdreg s24  }
0xaf: {  	[dreg:$0x3] =	wrdreg $0x9  }
0xb0: {  	_ =	task.clear_ibuf [dreg:s6], $0x4FFFF;
	_ =	strace $0x90000055  }
0xb1: {  	s29 =	simm.s32 $0x9;
	_ =	strace $0x80000057  }
0xb2: {  	_ =	swait.ge [sflag:s29], $0x1  }
0xb3: {  	[sflag:s29] =	ssyncadd.s32 $0xFFFFFFFF  }
0xb4: {  	_ =	strace $0x90000057  }
0xb5: {  	_ =	sfence  }
0xb6: {  	s30 =	sld [smem:$0x0];
	_ =	sdelay $0x2  }
0xb7: {  	s31 =	sshll.u32 s1, $0xD;
	s1 =	sshrl.u32 s1, $0x2  }
0xb8: {  	s3 =	sand.u32 $0x4000, s31;
	s1 =	sadd.s32 s1, s30  }
0xb9: {  	s0 =	sor.u32 s3, s0;
	s1 =	sshll.u32 s1, $0x11  }
0xba: {  	s0 =	sor.u32 s1, s0  }
0xbb: {  	s0 =	sadd.s32 $0x8F2B, s0  }
0xbc: {  	[sflag:s0] =	ssyncadd.remote.s32 $0x1  }
0xbd: {  	_ =	sfence.sel $0xFFFF  }
0xbe: {  	[dreg:$0x0] =	wrdreg $0xFFFFFFFF;
	(pc) =	sbr.abs _section_cstart, $3  }
0xbf: {  	[dreg:$0x1] =	wrdreg $0xFFFFFFFF  }
0xc0: {  	_ =	task.clear_ibuf [dreg:s6], $0x2FFFF;
	_ =	strace $0x9FFFFFFF  }
0xc1: {  	(tm) =	ssettm $0x7FFFFFFF  }
tec
execute0_lowered:
.L_overlay_start_1:
0x0: {  	(tag) =	ssettag $0x1  }
0x1: {  	s0 =	rddreg [dreg:$0x0]  }
0x2: {  	s1 =	srdreg.scid;
	s6 =	stileid.u32  }
0x3: {  	s2 =	simm.s32 $0x0;
	s24 =	simm.s32 $0x900;
	s25 =	simm.s32 $0x1100  }
0x4: {  	s26 =	simm.s32 $0x1900;
	s9 =	simm.s32 $0x2900;
	s10 =	simm.s32 $0x3100  }
0x5: {  	s11 =	simm.s32 $0x3900;
	s12 =	simm.s32 $0x4100;
	s13 =	simm.s32 $0x4900  }
0x6: {  	s14 =	simm.s32 $0x5100;
	s15 =	simm.s32 $0x5900;
	s16 =	simm.s32 $0x6100  }
0x7: {  	s17 =	simm.s32 $0x6900;
	s18 =	simm.s32 $0x7100;
	s19 =	simm.s32 $0x7900  }
0x8: {  	s28 =	simm.s32 $0xB900;
	s29 =	simm.s32 $0xC100;
	s30 =	simm.s32 $0x1  }
0x9: {  	s31 =	simm.s32 $0x0;
	s1 =	sand.u32 $0x1, s1;
	s4 =	smul.u32 $0x2710, s6  }
0xa: {  	[smem:$0x7FF] =	sst s2;
	s3 =	sadd.s32 $0x99E00, s0;
	s20 =	smul.u32 $0x4E200, s6  }
0xb: {  	s6 =	simm.s32 $0x2;
	_ =	strace $0x80000056;
	[dreg:$0x3] =	wrdreg s24  }
0xc: {  	s5 =	smul.u32 $0x1388, s1;
	s21 =	ssub.s32 $0x2, s1;
	[dreg:$0x4] =	wrdreg s25  }
0xd: {  	s1 =	smul.u32 $0x27100, s1;
	[dreg:$0x5] =	wrdreg s26;
	s24 =	simm.s32 $0xA100  }
0xe: {  	s25 =	simm.s32 $0xA900;
	s7 =	sshrl.u32 s21, $0x1;
	s4 =	sadd.s32 s5, s4  }
0xf: {  	s26 =	simm.s32 $0xB100;
	s22 =	ssub.s32 s21, s7;
	s4 =	sshrl.u32 s4, $0x3  }
0x10: {  	s7 =	simm.s32 $0x100;
	s21 =	simm.s32 $0x8900;
	s8 =	sadd.s32 s4, s0  }
0x11: {  	s0 =	sadd.s32 s20, s0;
	s4 =	smax.u32 s22, $0x1;
	s20 =	simm.s32 $0x8100  }
0x12: {  	v2 =	vlaneseq.u32;
	[dreg:$0x6] =	wrdreg s4;
	s0 =	sadd.s32 s1, s0;
	s23 =	sadd.s32 $0xF200, s8  }
0x13: {  	vm0 =	vmmov $0xffff;
	v1 =	vshrl.u32 v2, $0x3;
	s22 =	simm.s32 $0x9100;
	s0 =	sadd.s32 $0x861E00, s0;
	[dreg:$0x2] =	wrdreg s23  }
0x14: {  	v0 =	vand.u32 $0x7, v2;
	v2 =	vor.u32 $0x8, v2;
	v1 =	vmul.u32 $0x8, v1;
	s8 =	simm.s32 $0x2100;
	s23 =	simm.s32 $0x9900;
	[dreg:$0x7] =	wrdreg s0  }
.LBB2_1:
0x15: {  	s5 =	rddreg [dreg:$0x7];
	s1 =	simm.s32 $0x0  }
.LBB2_2:
0x16: {  	s4 =	rddreg [dreg:$0x2]  }
0x17: {  	s4 =	sadd.s32 s1, s4  }
0x18: {  	[tilespmem:s2], [sflag:$0x2] =	stream.linear.gather [hbm4b:s4+s2], $0xC8, $0x38;
	[tilespmem:$0xC900] =	vst v63  }
0x19: {  	_ =	swait.ge [sflag:s6], $0xC8  }
0x1a: {  	[sflag:s6] =	ssyncset.done $0x0  }
0x1b: {  	[sflag:s6] =	ssyncadd.s32 $0xFFFFFF38  }
0x1c: {  	v3 =	vld [tilespmem:$0x0];
	_ =	sdelay $0x4  }
0x1d: {  	v4 =	vshll.u32 v3, $0x1  }
0x1e: {  	v3 =	vand.u32 $0x7, v3;
	v4 =	vand.u32 $0xFFFFFFF0, v4  }
0x1f: {  	v3 =	vor.u32 v3, v4  }
0x20: {  	v4 =	vperm.xlane v3, v0;
	_ =	sdelay $0x1  }
0x21: {  	v3 =	vperm.xlane v3, v2;
	v4 =	vadd.s32 v1, v4;
	_ =	sdelay $0x1  }
0x22: {  	v3 =	vadd.s32 v1, v3;
	_ =	sdelay $0x2  }
0x23: {  	[tilespmem:s7], [sflag:$0x1] =	stream.indirect_vreg.gather [hbm4b:s3+s2], $0x80, v4, vm0, $0xb8;
	[tilespmem:$0xC900] =	vst v63  }
0x24: {  	s0 =	rddreg [dreg:$0x3]  }
0x25: {  	[tilespmem:s0], [sflag:$0x1] =	stream.indirect_vreg.gather [hbm4b:s3+s2], $0x80, v3, vm0, $0xb8;
	[tilespmem:$0xC900] =	vst v63  }
0x26: {  	v3 =	vld [tilespmem:$0x10];
	_ =	sdelay $0x4  }
0x27: {  	v52 =	vshll.u32 v3, $0x1  }
0x28: {  	v3 =	vand.u32 $0x7, v3;
	v4 =	vand.u32 $0xFFFFFFF0, v52  }
0x29: {  	v3 =	vor.u32 v3, v4  }
0x2a: {  	v4 =	vperm.xlane v3, v0;
	_ =	sdelay $0x1  }
0x2b: {  	v3 =	vperm.xlane v3, v2;
	v4 =	vadd.s32 v1, v4;
	_ =	sdelay $0x1  }
0x2c: {  	v3 =	vadd.s32 v1, v3;
	_ =	sdelay $0x1  }
0x2d: {  	s4 =	rddreg [dreg:$0x4]  }
0x2e: {  	[tilespmem:s4], [sflag:$0x1] =	stream.indirect_vreg.gather [hbm4b:s3+s2], $0x80, v4, vm0, $0xb8;
	[tilespmem:$0xC900] =	vst v63  }
0x2f: {  	s0 =	rddreg [dreg:$0x5]  }
0x30: {  	[tilespmem:s0], [sflag:$0x1] =	stream.indirect_vreg.gather [hbm4b:s3+s2], $0x80, v3, vm0, $0xb8;
	[tilespmem:$0xC900] =	vst v63  }
0x31: {  	v3 =	vld [tilespmem:$0x20];
	_ =	sdelay $0x4  }
0x32: {  	v53 =	vshll.u32 v3, $0x1  }
0x33: {  	v3 =	vand.u32 $0x7, v3;
	v4 =	vand.u32 $0xFFFFFFF0, v53  }
0x34: {  	v3 =	vor.u32 v3, v4  }
0x35: {  	v4 =	vperm.xlane v3, v0;
	_ =	sdelay $0x1  }
0x36: {  	v3 =	vperm.xlane v3, v2;
	v4 =	vadd.s32 v1, v4;
	_ =	sdelay $0x1  }
0x37: {  	v3 =	vadd.s32 v1, v3;
	_ =	sdelay $0x2  }
0x38: {  	[tilespmem:s8], [sflag:$0x1] =	stream.indirect_vreg.gather [hbm4b:s3+s2], $0x80, v4, vm0, $0xb8;
	[tilespmem:$0xC900] =	vst v63  }
0x39: {  	_ = 	snop  }
0x3a: {  	[tilespmem:s9], [sflag:$0x1] =	stream.indirect_vreg.gather [hbm4b:s3+s2], $0x80, v3, vm0, $0xb8;
	[tilespmem:$0xC900] =	vst v63  }
0x3b: {  	v3 =	vld [tilespmem:$0x30];
	_ =	sdelay $0x4  }
0x3c: {  	v54 =	vshll.u32 v3, $0x1  }
0x3d: {  	v3 =	vand.u32 $0x7, v3;
	v4 =	vand.u32 $0xFFFFFFF0, v54  }
0x3e: {  	v3 =	vor.u32 v3, v4  }
0x3f: {  	v4 =	vperm.xlane v3, v0;
	_ =	sdelay $0x1  }
0x40: {  	v3 =	vperm.xlane v3, v2;
	v4 =	vadd.s32 v1, v4;
	_ =	sdelay $0x1  }
0x41: {  	v3 =	vadd.s32 v1, v3;
	_ =	sdelay $0x2  }
0x42: {  	[tilespmem:s10], [sflag:$0x1] =	stream.indirect_vreg.gather [hbm4b:s3+s2], $0x80, v4, vm0, $0xb8;
	[tilespmem:$0xC900] =	vst v63  }
0x43: {  	_ = 	snop  }
0x44: {  	[tilespmem:s11], [sflag:$0x1] =	stream.indirect_vreg.gather [hbm4b:s3+s2], $0x80, v3, vm0, $0xb8;
	[tilespmem:$0xC900] =	vst v63  }
0x45: {  	v3 =	vld [tilespmem:$0x40];
	_ =	sdelay $0x4  }
0x46: {  	v55 =	vshll.u32 v3, $0x1  }
0x47: {  	v3 =	vand.u32 $0x7, v3;
	v4 =	vand.u32 $0xFFFFFFF0, v55  }
0x48: {  	v3 =	vor.u32 v3, v4  }
0x49: {  	v4 =	vperm.xlane v3, v0;
	_ =	sdelay $0x1  }
0x4a: {  	v3 =	vperm.xlane v3, v2;
	v4 =	vadd.s32 v1, v4;
	_ =	sdelay $0x1  }
0x4b: {  	v3 =	vadd.s32 v1, v3;
	_ =	sdelay $0x2  }
0x4c: {  	[tilespmem:s12], [sflag:$0x1] =	stream.indirect_vreg.gather [hbm4b:s3+s2], $0x80, v4, vm0, $0xb8;
	[tilespmem:$0xC900] =	vst v63  }
0x4d: {  	_ = 	snop  }
0x4e: {  	[tilespmem:s13], [sflag:$0x1] =	stream.indirect_vreg.gather [hbm4b:s3+s2], $0x80, v3, vm0, $0xb8;
	[tilespmem:$0xC900] =	vst v63  }
0x4f: {  	v3 =	vld [tilespmem:$0x50];
	_ =	sdelay $0x4  }
0x50: {  	v56 =	vshll.u32 v3, $0x1  }
0x51: {  	v3 =	vand.u32 $0x7, v3;
	v4 =	vand.u32 $0xFFFFFFF0, v56  }
0x52: {  	v3 =	vor.u32 v3, v4  }
0x53: {  	v4 =	vperm.xlane v3, v0;
	_ =	sdelay $0x1  }
0x54: {  	v3 =	vperm.xlane v3, v2;
	v4 =	vadd.s32 v1, v4;
	_ =	sdelay $0x1  }
0x55: {  	v3 =	vadd.s32 v1, v3;
	_ =	sdelay $0x2  }
0x56: {  	[tilespmem:s14], [sflag:$0x1] =	stream.indirect_vreg.gather [hbm4b:s3+s2], $0x80, v4, vm0, $0xb8;
	[tilespmem:$0xC900] =	vst v63  }
0x57: {  	_ = 	snop  }
0x58: {  	[tilespmem:s15], [sflag:$0x1] =	stream.indirect_vreg.gather [hbm4b:s3+s2], $0x80, v3, vm0, $0xb8;
	[tilespmem:$0xC900] =	vst v63  }
0x59: {  	v3 =	vld [tilespmem:$0x60];
	_ =	sdelay $0x4  }
0x5a: {  	v57 =	vshll.u32 v3, $0x1  }
0x5b: {  	v3 =	vand.u32 $0x7, v3;
	v4 =	vand.u32 $0xFFFFFFF0, v57  }
0x5c: {  	v3 =	vor.u32 v3, v4  }
0x5d: {  	v4 =	vperm.xlane v3, v0;
	_ =	sdelay $0x1  }
0x5e: {  	v3 =	vperm.xlane v3, v2;
	v4 =	vadd.s32 v1, v4;
	_ =	sdelay $0x1  }
0x5f: {  	v3 =	vadd.s32 v1, v3;
	_ =	sdelay $0x2  }
0x60: {  	[tilespmem:s16], [sflag:$0x1] =	stream.indirect_vreg.gather [hbm4b:s3+s2], $0x80, v4, vm0, $0xb8;
	[tilespmem:$0xC900] =	vst v63  }
0x61: {  	_ = 	snop  }
0x62: {  	[tilespmem:s17], [sflag:$0x1] =	stream.indirect_vreg.gather [hbm4b:s3+s2], $0x80, v3, vm0, $0xb8;
	[tilespmem:$0xC900] =	vst v63  }
0x63: {  	v3 =	vld [tilespmem:$0x70];
	_ =	sdelay $0x4  }
0x64: {  	v58 =	vshll.u32 v3, $0x1  }
0x65: {  	v3 =	vand.u32 $0x7, v3;
	v4 =	vand.u32 $0xFFFFFFF0, v58  }
0x66: {  	v3 =	vor.u32 v3, v4  }
0x67: {  	v4 =	vperm.xlane v3, v0;
	_ =	sdelay $0x1  }
0x68: {  	v3 =	vperm.xlane v3, v2;
	v4 =	vadd.s32 v1, v4;
	_ =	sdelay $0x1  }
0x69: {  	v3 =	vadd.s32 v1, v3;
	_ =	sdelay $0x2  }
0x6a: {  	[tilespmem:s18], [sflag:$0x1] =	stream.indirect_vreg.gather [hbm4b:s3+s2], $0x80, v4, vm0, $0xb8;
	[tilespmem:$0xC900] =	vst v63  }
0x6b: {  	_ = 	snop  }
0x6c: {  	[tilespmem:s19], [sflag:$0x1] =	stream.indirect_vreg.gather [hbm4b:s3+s2], $0x80, v3, vm0, $0xb8;
	[tilespmem:$0xC900] =	vst v63  }
0x6d: {  	v3 =	vld [tilespmem:$0x80];
	_ =	sdelay $0x4  }
0x6e: {  	v59 =	vshll.u32 v3, $0x1  }
0x6f: {  	v3 =	vand.u32 $0x7, v3;
	v4 =	vand.u32 $0xFFFFFFF0, v59  }
0x70: {  	v3 =	vor.u32 v3, v4  }
0x71: {  	v4 =	vperm.xlane v3, v0;
	_ =	sdelay $0x1  }
0x72: {  	v3 =	vperm.xlane v3, v2;
	v4 =	vadd.s32 v1, v4;
	_ =	sdelay $0x1  }
0x73: {  	v3 =	vadd.s32 v1, v3;
	_ =	sdelay $0x2  }
0x74: {  	[tilespmem:s20], [sflag:$0x1] =	stream.indirect_vreg.gather [hbm4b:s3+s2], $0x80, v4, vm0, $0xb8;
	[tilespmem:$0xC900] =	vst v63  }
0x75: {  	_ = 	snop  }
0x76: {  	[tilespmem:s21], [sflag:$0x1] =	stream.indirect_vreg.gather [hbm4b:s3+s2], $0x80, v3, vm0, $0xb8;
	[tilespmem:$0xC900] =	vst v63  }
0x77: {  	v3 =	vld [tilespmem:$0x90];
	_ =	sdelay $0x4  }
0x78: {  	v60 =	vshll.u32 v3, $0x1  }
0x79: {  	v3 =	vand.u32 $0x7, v3;
	v4 =	vand.u32 $0xFFFFFFF0, v60  }
0x7a: {  	v3 =	vor.u32 v3, v4  }
0x7b: {  	v4 =	vperm.xlane v3, v0;
	_ =	sdelay $0x1  }
0x7c: {  	v3 =	vperm.xlane v3, v2;
	v4 =	vadd.s32 v1, v4;
	_ =	sdelay $0x1  }
0x7d: {  	v3 =	vadd.s32 v1, v3;
	_ =	sdelay $0x2  }
0x7e: {  	[tilespmem:s22], [sflag:$0x1] =	stream.indirect_vreg.gather [hbm4b:s3+s2], $0x80, v4, vm0, $0xb8;
	[tilespmem:$0xC900] =	vst v63  }
0x7f: {  	_ = 	snop  }
0x80: {  	[tilespmem:s23], [sflag:$0x1] =	stream.indirect_vreg.gather [hbm4b:s3+s2], $0x80, v3, vm0, $0xb8;
	[tilespmem:$0xC900] =	vst v63  }
0x81: {  	v3 =	vld [tilespmem:$0xA0];
	_ =	sdelay $0x4  }
0x82: {  	v61 =	vshll.u32 v3, $0x1  }
0x83: {  	v3 =	vand.u32 $0x7, v3;
	v4 =	vand.u32 $0xFFFFFFF0, v61  }
0x84: {  	v3 =	vor.u32 v3, v4  }
0x85: {  	v4 =	vperm.xlane v3, v0;
	_ =	sdelay $0x1  }
0x86: {  	v3 =	vperm.xlane v3, v2;
	v4 =	vadd.s32 v1, v4;
	_ =	sdelay $0x1  }
0x87: {  	v3 =	vadd.s32 v1, v3;
	_ =	sdelay $0x2  }
0x88: {  	[tilespmem:s24], [sflag:$0x1] =	stream.indirect_vreg.gather [hbm4b:s3+s2], $0x80, v4, vm0, $0xb8;
	[tilespmem:$0xC900] =	vst v63  }
0x89: {  	_ = 	snop  }
0x8a: {  	[tilespmem:s25], [sflag:$0x1] =	stream.indirect_vreg.gather [hbm4b:s3+s2], $0x80, v3, vm0, $0xb8;
	[tilespmem:$0xC900] =	vst v63  }
0x8b: {  	v3 =	vld [tilespmem:$0xB0];
	_ =	sdelay $0x4  }
0x8c: {  	v62 =	vshll.u32 v3, $0x1  }
0x8d: {  	v3 =	vand.u32 $0x7, v3;
	v4 =	vand.u32 $0xFFFFFFF0, v62  }
0x8e: {  	v3 =	vor.u32 v3, v4  }
0x8f: {  	v4 =	vperm.xlane v3, v0;
	_ =	sdelay $0x1  }
0x90: {  	v3 =	vperm.xlane v3, v2;
	v4 =	vadd.s32 v1, v4;
	_ =	sdelay $0x1  }
0x91: {  	v3 =	vadd.s32 v1, v3;
	_ =	sdelay $0x2  }
0x92: {  	[tilespmem:s26], [sflag:$0x1] =	stream.indirect_vreg.gather [hbm4b:s3+s2], $0x80, v4, vm0, $0xb8;
	[tilespmem:$0xC900] =	vst v63  }
0x93: {  	_ = 	snop  }
0x94: {  	[tilespmem:s28], [sflag:$0x1] =	stream.indirect_vreg.gather [hbm4b:s3+s2], $0x80, v3, vm0, $0xb8;
	[tilespmem:$0xC900] =	vst v63  }
0x95: {  	v3 =	vld.msk [tilespmem:$0xC0], $0xff;
	_ =	sdelay $0x4  }
0x96: {  	v63 =	vshll.u32 v3, $0x1  }
0x97: {  	v3 =	vand.u32 $0x7, v3;
	v4 =	vand.u32 $0xFFFFFFF0, v63  }
0x98: {  	v3 =	vor.u32 v3, v4  }
0x99: {  	v3 =	vperm.xlane v3, v0;
	_ =	sdelay $0x1  }
0x9a: {  	v3 =	vadd.s32 v1, v3;
	_ =	sdelay $0x4  }
0x9b: {  	[tilespmem:s29], [sflag:$0x1] =	stream.indirect_vreg.gather [hbm4b:s3+s2], $0x80, v3, vm0, $0xb8;
	[tilespmem:$0xC900] =	vst v63  }
0x9c: {  	_ =	swait.ge [sflag:s30], $0xC800  }
0x9d: {  	p0 =	sne.s32 s1, $0x258;
	[sflag:s30] =	ssyncset.done $0x0  }
.Ltmp0:
0x9e: {  	[sflag:s30] =	ssyncadd.s32 $0xFFFF3800;
	(pc) =	sbr.rel @p0 .LBB2_2-.Ltmp0, $4  }
0x9f: {  	[hbm4b:s5+s2] =	stream.linear.scatter [tilespmem:s7], [sflag:$0x2], $0xC800, $0x38;
	[tilespmem:$0xC900] =	vst v63  }
0xa0: {  	_ =	swait.ge [sflag:s6], $0xC800  }
0xa1: {  	[sflag:s6] =	ssyncset.done $0x0  }
0xa2: {  	s1 =	sadd.s32 $0x19, s1;
	s5 =	sadd.s32 $0x1900, s5;
	[sflag:s6] =	ssyncadd.s32 $0xFFFF3800  }
0xa3: {  	s31 =	sadd.s32 $0x1, s31;
	s0 =	rddreg [dreg:$0x6]  }
0xa4: {  	p0 =	sne.s32 s31, s0  }
.Ltmp1:
0xa5: {  	_ = 	snop;
	(pc) =	sbr.rel @p0 .LBB2_1-.Ltmp1, $1  }
0xa6: {  	_ =	sdelay $0x3  }
0xa7: {  	_ =	sfence.sel $0x180000  }
0xa8: {  	[bflag:$0x0] =	sbarrier.arrive $0xFFFF  }
0xa9: {  	_ =	strace $0x90000056  }
0xaa: {  	s0 =	stileid.u32;
	[bflag:$0x2] =	sbarrier.arrive $0xFFFF  }
0xab: {  	p0 =	sne.s32 s0, $0x0;
	s0 =	rddreg [dreg:$0x1]  }
0xac: {  	s0 =	sadd.s32 @!p0 $0x100000, s0  }
0xad: {  	[sflag:s0] =	ssyncadd.tile.s32 @!p0 $0x1;
	_ =	shalt  }
.Lfunc_end2:
_tile_overlayer_lowered:
.L_overlay_start_2:
0xae: {  	(tag) =	ssettag $0x2  }
0xaf: {  	s0 =	rddreg [dreg:$0x0];
	s2 =	stileid.u32  }
0xb0: {  	s1 =	rddreg [dreg:$0x1];
	p0 =	sne.s32 s2, $0x0  }
0xb1: {  	s3 =	rddreg [dreg:$0x2];
	[bflag:$0x3] =	sbarrier.arrive $0xFFFF;
	s2 =	simm.s32 @!p0 $0x1C02  }
0xb2: {  	[timem:s3], [sflag:s2] =	dma.local @!p0 [hbm:s0], s1  }
0xb3: {  	s0 =	simm.s32 @!p0 $0x2  }
0xb4: {  	_ =	swait.ge @!p0 [sflag:s0], s1  }
0xb5: {  	s1 =	ssub.s32 @!p0 $0x0, s1;
	[sflag:s0] =	ssyncset.done @!p0 $0x0  }
0xb6: {  	[sflag:s0] =	ssyncadd.s32 @!p0 s1  }
0xb7: {  	[bflag:$0x3] =	sbarrier.arrive $0xFFFF  }
0xb8: {  	_ =	shalt  }

// kernel: kernel.38.cloned.1.call-start
scs
__scs_entry_jumppad:
0x0: {  	(pc) =	sbr.rel $0x88, $3  }
0x1: {  	(tag) =	ssettag $0x0;
	lr =	simm.s32 $0x1  }
0x2: {  	[smem:$0x3F71] =	sst lr;
	_ =	strace $0xD0000000  }
0x3: {  	_ = 	snop  }
0x4: {  	_ = 	snop  }
0x5: {  	_ = 	snop  }
0x6: {  	_ = 	snop  }
0x7: {  	_ = 	snop  }
__scs_overlays_trampoline_lowered:
0x8: {  	[smem:$0x3F80] =	sst s0  }
0x9: {  	[smem:$0x3F81] =	sst s1  }
0xa: {  	[smem:$0x3F82] =	sst s2  }
0xb: {  	[smem:$0x3F83] =	sst s3  }
0xc: {  	[smem:$0x3F84] =	sst s4  }
0xd: {  	[smem:$0x3F85] =	sst s5  }
0xe: {  	[smem:$0x3F86] =	sst s6  }
0xf: {  	[smem:$0x3F87] =	sst s7  }
0x10: {  	[smem:$0x3F88] =	sst s8  }
0x11: {  	[smem:$0x3F89] =	sst s9;
	s0 =	simm.s32 @!p0 $0x0  }
0x12: {  	s1 =	sld [smem:$0x3F6F];
	s0 =	simm.s32 @p0 $0x1  }
0x13: {  	[smem:$0x3F8A] =	sst s0;
	s0 =	simm.s32 @!p1 $0x0  }
0x14: {  	s2 =	sld [smem:$0x3F6E];
	s0 =	simm.s32 @p1 $0x1  }
0x15: {  	[smem:$0x3F8B] =	sst s0;
	s0 =	simm.s32 @!p2 $0x0  }
0x16: {  	s3 =	sld [smem:$0x3FDB];
	s0 =	simm.s32 @p2 $0x1  }
0x17: {  	s4 =	simm.s32 $0x1BF5;
	[smem:$0x3F8D] =	sst s0  }
0x18: {  	s0 =	sld [smem:$0x3F70];
	_ =	swait.ge [sflag:s4], $0x0  }
0x19: {  	s7 =	sld [smem:$0x3F71]  }
0x1a: {  	s8 =	sadd.s32 $0xFFFFE003, lr  }
0x1b: {  	s9 =	sadd.s32 $0xFFFFFEF7, lr;
	s5 =	simm.s32 $0xFFFFFFFF;
	p2 =	slt.u32 s8, $0xFFFFF086  }
0x1c: {  	p1 =	slt.u32 s9, $0xF7A;
	s5 =	simm.s32 @!p2 $0x0  }
0x1d: {  	s5 =	simm.s32 @p1 $0x1;
	p0 =	seq.s32 s7, s2  }
0x1e: {  	s7 =	smul.u32 @!p0 $0xF7A, s2;
	p2 =	seq.s32 @!p0 s5, $0x0  }
0x1f: {  	s9 =	smul.u32 $0xF7A, s1;
	s8 =	simm.s32 @!p0 $0x1BF5;
	p2 =	por !p2, p0  }
0x20: {  	[sflag:s8] =	ssyncset.s32 @!p0 $0xFFFFF086;
	s6 =	sadd.s32 @!p0 s3, s7;
	s7 =	simm.s32 @!p0 $0x108  }
0x21: {  	s3 =	sadd.s32 s3, s9;
	s6 =	sadd.s32 @!p0 $0x88, s6;
	s7 =	simm.s32 @p2 $0x1082  }
0x22: {  	[simem:s7], [sflag:s8] =	dma.local @!p0 [hbm:s6], $0xF7A  }
0x23: {  	s9 =	sor.u32 $0xD0000000, s2;
	s6 =	simm.s32 $0x108;
	_ =	swait.ge @!p0 [sflag:s8], $0x0  }
0x24: {  	s3 =	sadd.s32 $0x88, s3;
	s6 =	simm.s32 @!p1 $0x1082;
	[sflag:s4] =	ssyncset.s32 $0xFFFFF086  }
0x25: {  	[simem:s6], [sflag:s4] =	dma.local [hbm:s3], $0xF7A  }
0x26: {  	[smem:$0x3F71] =	sst s1;
	(tag) =	ssettag s2;
	_ =	strace s9  }
0x27: {  	s1 =	sld [smem:$0x3F81]  }
0x28: {  	s2 =	sld [smem:$0x3F82]  }
0x29: {  	s4 =	sld [smem:$0x3F84]  }
0x2a: {  	p0 =	seq.s32 s5, $0x0;
	s5 =	sld [smem:$0x3F85]  }
0x2b: {  	s6 =	sld [smem:$0x3F86]  }
0x2c: {  	s7 =	sld [smem:$0x3F87]  }
0x2d: {  	s3 =	simm.s32 $0x108;
	s8 =	sld [smem:$0x3F88]  }
0x2e: {  	s3 =	simm.s32 @!p0 $0x1082;
	s9 =	sld [smem:$0x3F89]  }
0x2f: {  	lr =	sadd.s32 s0, s3;
	s0 =	sld [smem:$0x3F80]  }
0x30: {  	s3 =	sld [smem:$0x3F83]  }
0x31: {  	[smem:$0x3F8C] =	sst s10  }
0x32: {  	s10 =	sld [smem:$0x3F8A];
	_ =	sdelay $0x3  }
0x33: {  	p0 =	seq.s32 s10, $0x1;
	s10 =	sld [smem:$0x3F8C];
	_ =	sdelay $0x3  }
0x34: {  	[smem:$0x3F8C] =	sst s10  }
0x35: {  	s10 =	sld [smem:$0x3F8B];
	_ =	sdelay $0x3  }
0x36: {  	p1 =	seq.s32 s10, $0x1;
	s10 =	sld [smem:$0x3F8C];
	_ =	sdelay $0x3  }
0x37: {  	[smem:$0x3F8C] =	sst s10  }
0x38: {  	s10 =	sld [smem:$0x3F8D]  }
0x39: {  	_ = 	snop;
	(pc) =	sbr.ind lr, $3  }
0x3a: {  	_ = 	snop  }
0x3b: {  	_ = 	snop  }
0x3c: {  	p2 =	seq.s32 s10, $0x1;
	s10 =	sld [smem:$0x3F8C]  }
0x3d: {  	_ =	shalt  }
0x3e: {  	_ =	shalt  }
0x3f: {  	_ =	shalt  }
0x40: {  	_ =	shalt  }
0x41: {  	_ =	shalt  }
0x42: {  	_ =	shalt  }
0x43: {  	_ =	shalt  }
0x44: {  	_ =	shalt  }
0x45: {  	_ =	shalt  }
0x46: {  	_ =	shalt  }
0x47: {  	_ =	shalt  }
0x48: {  	_ =	shalt  }
0x49: {  	_ =	shalt  }
0x4a: {  	_ =	shalt  }
0x4b: {  	_ =	shalt  }
0x4c: {  	_ =	shalt  }
0x4d: {  	_ =	shalt  }
0x4e: {  	_ =	shalt  }
0x4f: {  	_ =	shalt  }
0x50: {  	_ =	shalt  }
0x51: {  	_ =	shalt  }
0x52: {  	_ =	shalt  }
0x53: {  	_ =	shalt  }
0x54: {  	_ =	shalt  }
0x55: {  	_ =	shalt  }
0x56: {  	_ =	shalt  }
0x57: {  	_ =	shalt  }
0x58: {  	_ =	shalt  }
0x59: {  	_ =	shalt  }
0x5a: {  	_ =	shalt  }
0x5b: {  	_ =	shalt  }
0x5c: {  	_ =	shalt  }
0x5d: {  	_ =	shalt  }
0x5e: {  	_ =	shalt  }
0x5f: {  	_ =	shalt  }
0x60: {  	_ =	shalt  }
0x61: {  	_ =	shalt  }
0x62: {  	_ =	shalt  }
0x63: {  	_ =	shalt  }
0x64: {  	_ =	shalt  }
0x65: {  	_ =	shalt  }
0x66: {  	_ =	shalt  }
0x67: {  	_ =	shalt  }
0x68: {  	_ =	shalt  }
0x69: {  	_ =	shalt  }
0x6a: {  	_ =	shalt  }
0x6b: {  	_ =	shalt  }
0x6c: {  	_ =	shalt  }
0x6d: {  	_ =	shalt  }
0x6e: {  	_ =	shalt  }
0x6f: {  	_ =	shalt  }
0x70: {  	_ =	shalt  }
0x71: {  	_ =	shalt  }
0x72: {  	_ =	shalt  }
0x73: {  	_ =	shalt  }
0x74: {  	_ =	shalt  }
0x75: {  	_ =	shalt  }
0x76: {  	_ =	shalt  }
0x77: {  	_ =	shalt  }
0x78: {  	_ =	shalt  }
0x79: {  	_ =	shalt  }
0x7a: {  	_ =	shalt  }
0x7b: {  	_ =	shalt  }
0x7c: {  	_ =	shalt  }
0x7d: {  	_ =	shalt  }
0x7e: {  	_ =	shalt  }
0x7f: {  	_ =	shalt  }
0x80: {  	_ =	shalt  }
0x81: {  	_ =	shalt  }
0x82: {  	_ =	shalt  }
0x83: {  	_ =	shalt  }
0x84: {  	_ =	shalt  }
0x85: {  	_ =	shalt  }
0x86: {  	_ =	shalt  }
0x87: {  	_ =	shalt  }
.Lfunc_end0:
.L_simem_size_0:
called_computation.6_lowered:
.L_overlay_start_0:
0x88: {  	s2 =	sld [smem:$0x3FD9]  }
0x89: {  	s3 =	sld [smem:$0x3FFE];
	_ =	sdelay $0x1  }
0x8a: {  	s1 =	srdreg.scid  }
0x8b: {  	s0 =	sand.u32 $0x1, s1  }
0x8c: {  	s16 =	sshll.u32 s0, $0xA;
	s2 =	sadd.s32 s3, s2  }
0x8d: {  	s2 =	sadd.s32 s2, s16  }
0x8e: {  	[smem:$0x3F98] =	sst s2  }
0x8f: {  	_ = 	snop  }
0x90: {  	(tm) =	ssettm $0x1  }
0x91: {  	s17 =	sld [smem:$0x3FFB];
	_ =	sdelay $0x3  }
0x92: {  	_ =	strace s17  }
0x93: {  	s2 =	sld [smem:$0x3FFC];
	_ =	sdelay $0x3  }
0x94: {  	_ =	strace s2  }
0x95: {  	s2 =	sld [smem:$0x3FFD];
	_ =	sdelay $0x3  }
0x96: {  	_ =	strace s2  }
0x97: {  	_ =	strace $0x8FFFFFFF  }
0x98: {  	s18 =	sld [smem:$0x3FDB];
	_ =	sdelay $0x1  }
0x99: {  	s19 =	simm.s32 $_scs_section_size  }
0x9a: {  	s4 =	simm.s32 $_size__tile_overlayer_lowered;
	s5 =	simm.s32 $_tile_overlayer_lowered  }
0x9b: {  	s22 =	simm.s32 $0x1BFF;
	s21 =	sshll.u32 s5, $0x1;
	s2 =	sadd.s32 s19, s18  }
0x9c: {  	s6 =	simm.s32 $0x0;
	s20 =	sshll.u32 s4, $0x1;
	s4 =	sadd.s32 s21, s2  }
0x9d: {  	[timem:s6], [sflag:s22] =	dma.local [hbm:s4], s20  }
0x9e: {  	_ =	swait.ge [sflag:s22], s20  }
0x9f: {  	s3 =	ssub.s32 $0x0, s20;
	[sflag:s22] =	ssyncset.done $0x0  }
0xa0: {  	[sflag:s22] =	ssyncadd.s32 s3;
	_ =	sdelay $0x1  }
0xa1: {  	s23 =	simm.s32 $0x1B8B  }
0xa2: {  	_ =	swait.ge [sflag:s23], $0x1  }
0xa3: {  	[sflag:s23] =	ssyncset.done $0x0  }
0xa4: {  	s25 =	simm.s32 $0x1B8E;
	s24 =	sld [smem:$0x3FFE];
	[sflag:s23] =	ssyncadd.s32 $0xFFFFFFFF  }
0xa5: {  	s26 =	simm.s32 $execute0_lowered;
	[smem:$0x3FD2] =	sst s25  }
0xa6: {  	s4 =	sshll.u32 s26, $0x1;
	_ =	strace $0x80000058;
	[dreg:$0x1] =	wrdreg $0xFFFFFFFF  }
0xa7: {  	s28 =	simm.s32 $_size_execute0_lowered;
	s2 =	sadd.s32 s2, s4;
	[dreg:$0x0] =	wrdreg $0x0  }
0xa8: {  	s4 =	sshll.u32 s28, $0x1;
	[dreg:$0x2] =	wrdreg s2  }
0xa9: {  	[dreg:$0x3] =	wrdreg s4  }
0xaa: {  	[dreg:$0x4] =	wrdreg $0xC0  }
0xab: {  	_ =	task [dreg:s6], $0x5FFFF  }
0xac: {  	[dreg:$0x1] =	wrdreg $0xFFFFFFFF  }
0xad: {  	[dreg:$0x0] =	wrdreg $0x60  }
0xae: {  	[dreg:$0x2] =	wrdreg s24  }
0xaf: {  	[dreg:$0x3] =	wrdreg $0x0  }
0xb0: {  	[dreg:$0x4] =	wrdreg $0x9  }
0xb1: {  	_ =	task.clear_ibuf [dreg:s6], $0x5FFFF;
	_ =	strace $0x90000058  }
0xb2: {  	s29 =	simm.s32 $0x9;
	_ =	strace $0x8000005A  }
0xb3: {  	_ =	swait.ge [sflag:s29], $0x1  }
0xb4: {  	[sflag:s29] =	ssyncadd.s32 $0xFFFFFFFF  }
0xb5: {  	_ =	strace $0x9000005A  }
0xb6: {  	_ =	sfence  }
0xb7: {  	s30 =	sld [smem:$0x0];
	_ =	sdelay $0x2  }
0xb8: {  	s31 =	sshll.u32 s1, $0xD;
	s1 =	sshrl.u32 s1, $0x2  }
0xb9: {  	s3 =	sand.u32 $0x4000, s31;
	s1 =	sadd.s32 s1, s30  }
0xba: {  	s0 =	sor.u32 s3, s0;
	s1 =	sshll.u32 s1, $0x11  }
0xbb: {  	s0 =	sor.u32 s1, s0  }
0xbc: {  	s0 =	sadd.s32 $0x8F2B, s0  }
0xbd: {  	[sflag:s0] =	ssyncadd.remote.s32 $0x1  }
0xbe: {  	_ =	sfence.sel $0xFFFF  }
0xbf: {  	[dreg:$0x0] =	wrdreg $0xFFFFFFFF;
	(pc) =	sbr.abs _section_cstart, $3  }
0xc0: {  	[dreg:$0x1] =	wrdreg $0xFFFFFFFF  }
0xc1: {  	_ =	task.clear_ibuf [dreg:s6], $0x2FFFF;
	_ =	strace $0x9FFFFFFF  }
0xc2: {  	(tm) =	ssettm $0x7FFFFFFF  }
0xc3: {  	_ =	shalt  }
tec
execute0_lowered:
.L_overlay_start_1:
0x0: {  	(tag) =	ssettag $0x1  }
0x1: {  	s4 =	rddreg [dreg:$0x0]  }
0x2: {  	s2 =	rddreg [dreg:$0x1]  }
0x3: {  	s0 =	rddreg [dreg:$0x2];
	s3 =	simm.s32 $0x0  }
0x4: {  	s1 =	stileid.u32;
	s7 =	srdreg.scid;
	s14 =	simm.s32 $0x800  }
0x5: {  	s15 =	simm.s32 $0x13D00;
	s16 =	simm.s32 $0xC8;
	s5 =	smul.u32 $0x4E200, s1  }
0x6: {  	s17 =	simm.s32 $0x8;
	s18 =	simm.s32 $0x100;
	s6 =	smul.u32 $0x4E2, s1  }
0x7: {  	s19 =	simm.s32 $0x80;
	s20 =	simm.s32 $0x0;
	s26 =	smul.u32 $0x27800, s1  }
0x8: {  	[smem:$0x7FF] =	sst s3;
	s25 =	sand.u32 $0x1, s7;
	s28 =	smul.u32 $0x2780, s1  }
0x9: {  	s11 =	smul.u32 $0x4F000, s1;
	s31 =	sshll.u32 s1, $0x6;
	_ =	strace $0x80000059  }
0xa: {  	s10 =	sshll.u32 s25, $0xA;
	s29 =	ssub.s32 $0x2, s25;
	s13 =	sshll.u32 s25, $0x7  }
0xb: {  	s8 =	sadd.s32 s5, s4;
	s9 =	sadd.s32 s6, s4;
	s7 =	sor.u32 s10, s26  }
0xc: {  	s6 =	sadd.s32 s28, s4;
	s12 =	sshrl.u32 s29, $0x1;
	s30 =	sshrl.u32 s11, $0x2  }
0xd: {  	s5 =	sor.u32 $0x1C01, s31;
	s7 =	sshrl.u32 s7, $0x3;
	s10 =	ssub.s32 s29, s12  }
0xe: {  	s8 =	sadd.s32 s13, s8;
	s9 =	sadd.s32 $0xA200, s9;
	s12 =	simm.s32 $0x13C00  }
0xf: {  	s13 =	simm.s32 $0x400;
	s7 =	sadd.s32 s7, s4;
	s4 =	sadd.s32 $0x72600, s6  }
0x10: {  	s11 =	sadd.s32 s30, s2;
	s8 =	sadd.s32 $0xD43E00, s8;
	s6 =	sadd.s32 $0x184C00, s7  }
0x11: {  	s7 =	smax.u32 s10, $0x1;
	s10 =	sshrl.u32 s11, $0x3;
	s11 =	simm.s32 $0x1  }
.LBB2_1:
0x12: {  	[spmem:s10], [sflag:s5] =	dma.local [hbm:s4], $0x2780  }
0x13: {  	_ =	swait.ge [sflag:s11], $0x2780  }
0x14: {  	[sflag:s11] =	ssyncset.done $0x0  }
0x15: {  	[sflag:s11] =	ssyncadd.s32 $0xFFFFD880  }
0x16: {  	s21 =	sadd.s32 $0x0, s9;
	[bflag:$0x0] =	sbarrier.arrive $0xFFFF  }
0x17: {  	[tilespmem:s12], [sflag:$0x1] =	stream.linear.gather [hbm4b:s21+s3], $0xC8, $0x38;
	[tilespmem:$0x1A100] =	vst v63  }
0x18: {  	_ =	swait.ge [sflag:s11], $0xC8  }
0x19: {  	[sflag:s11] =	ssyncset.done $0x0  }
0x1a: {  	[sflag:s11] =	ssyncadd.s32 $0xFFFFFF38  }
0x1b: {  	[tilespmem:s15], [sflag:$0x1] =	stream.strided.gather [hbm4b:s8+s13], $0x6400, s14, s13, $0x38;
	[tilespmem:$0x1A100] =	vst v63  }
0x1c: {  	_ =	swait.ge [sflag:s11], $0x6400  }
0x1d: {  	[sflag:s11] =	ssyncset.done $0x0  }
0x1e: {  	[sflag:s11] =	ssyncadd.s32 $0xFFFF9C00  }
0x1f: {  	[spmem:s2] =	stream.indirect.scatter.add.f32 [tilespmem:s15], [sflag:$0x1], $0x80, s12, s16, $0xb8;
	[tilespmem:$0x1A100] =	vst v63  }
0x20: {  	s22 =	simm.s32 $0x19;
	_ =	swait.ge [sflag:s11], $0x6400  }
0x21: {  	s23 =	simm.s32 $0x32;
	s21 =	sadd.s32 $0x1900, s8;
	[sflag:s11] =	ssyncset.done $0x0  }
.LBB2_2:
0x22: {  	s24 =	sadd.s32 s22, s9  }
0x23: {  	[sflag:s11] =	ssyncadd.s32 $0xFFFF9C00;
	s22 =	smov.u32 s23;
	s25 =	sadd.s32 $0x19, s23  }
0x24: {  	[tilespmem:s12], [sflag:$0x1] =	stream.linear.gather [hbm4b:s24+s3], $0xC8, $0x38;
	[tilespmem:$0x1A100] =	vst v63  }
0x25: {  	p0 =	sne.s32 s23, $0x4C9;
	_ =	swait.ge [sflag:s11], $0xC8  }
0x26: {  	[sflag:s11] =	ssyncset.done $0x0  }
0x27: {  	[sflag:s11] =	ssyncadd.s32 $0xFFFFFF38  }
0x28: {  	[tilespmem:s15], [sflag:$0x1] =	stream.strided.gather [hbm4b:s21+s13], $0x6400, s14, s13, $0x38;
	[tilespmem:$0x1A100] =	vst v63  }
0x29: {  	_ =	swait.ge [sflag:s11], $0x6400  }
.Ltmp0:
0x2a: {  	[sflag:s11] =	ssyncset.done $0x0;
	(pc) =	sbr.rel @p0 .LBB2_2-.Ltmp0, $4  }
0x2b: {  	[sflag:s11] =	ssyncadd.s32 $0xFFFF9C00  }
0x2c: {  	[spmem:s2] =	stream.indirect.scatter.add.f32 [tilespmem:s15], [sflag:$0x1], $0x80, s12, s16, $0xb8;
	[tilespmem:$0x1A100] =	vst v63  }
0x2d: {  	_ =	swait.ge [sflag:s11], $0x6400  }
0x2e: {  	s23 =	smov.u32 s25;
	s21 =	sadd.s32 $0x1900, s21;
	[sflag:s11] =	ssyncset.done $0x0  }
0x2f: {  	s22 =	sadd.s32 s22, s9;
	[sflag:s11] =	ssyncadd.s32 $0xFFFF9C00  }
0x30: {  	[tilespmem:s12], [sflag:$0x1] =	stream.linear.gather [hbm4b:s22+s3], $0xC8, $0x38;
	[tilespmem:$0x1A100] =	vst v63  }
0x31: {  	_ =	swait.ge [sflag:s11], $0xC8  }
0x32: {  	[sflag:s11] =	ssyncset.done $0x0  }
0x33: {  	[sflag:s11] =	ssyncadd.s32 $0xFFFFFF38  }
0x34: {  	[tilespmem:s15], [sflag:$0x1] =	stream.strided.gather [hbm4b:s21+s13], $0x6400, s14, s13, $0x38;
	[tilespmem:$0x1A100] =	vst v63  }
0x35: {  	_ =	swait.ge [sflag:s11], $0x6400  }
0x36: {  	[sflag:s11] =	ssyncset.done $0x0  }
0x37: {  	[sflag:s11] =	ssyncadd.s32 $0xFFFF9C00  }
0x38: {  	[spmem:s2] =	stream.indirect.scatter.add.f32 [tilespmem:s15], [sflag:$0x1], $0x80, s12, s16, $0xb8;
	[tilespmem:$0x1A100] =	vst v63  }
0x39: {  	_ =	swait.ge [sflag:s11], $0x6400  }
0x3a: {  	s20 =	sadd.s32 $0x1, s20;
	[sflag:s11] =	ssyncset.done $0x0  }
0x3b: {  	p0 =	sne.s32 s20, s7;
	[sflag:s11] =	ssyncadd.s32 $0xFFFF9C00  }
.Ltmp1:
0x3c: {  	[bflag:$0x0] =	sbarrier.arrive $0xFFFF;
	(pc) =	sbr.rel @p0 .LBB2_1-.Ltmp1, $4  }
0x3d: {  	[hbm:s6@s18], [sflag:s5] =	dma.strided [spmem:s10@s19], $0x2780, s17, $0x10   }
0x3e: {  	_ =	swait.ge [sflag:s11], $0x2780  }
0x3f: {  	[sflag:s11] =	ssyncset.done $0x0  }
0x40: {  	[sflag:s11] =	ssyncadd.s32 $0xFFFFD880  }
0x41: {  	_ =	sfence.sel $0x180000  }
0x42: {  	[bflag:$0x0] =	sbarrier.arrive $0xFFFF  }
0x43: {  	p0 =	sne.s32 s1, $0x0;
	_ =	strace $0x90000059  }
0x44: {  	s0 =	sadd.s32 @!p0 $0x100000, s0;
	[bflag:$0x2] =	sbarrier.arrive $0xFFFF  }
0x45: {  	[sflag:s0] =	ssyncadd.tile.s32 @!p0 $0x1;
	_ =	shalt  }
.Lfunc_end2:
_tile_overlayer_lowered:
.L_overlay_start_2:
0x46: {  	(tag) =	ssettag $0x2  }
0x47: {  	s0 =	rddreg [dreg:$0x0];
	s2 =	stileid.u32  }
0x48: {  	s1 =	rddreg [dreg:$0x1];
	p0 =	sne.s32 s2, $0x0  }
0x49: {  	s3 =	rddreg [dreg:$0x2];
	[bflag:$0x3] =	sbarrier.arrive $0xFFFF;
	s2 =	simm.s32 @!p0 $0x1C01  }
0x4a: {  	[timem:s3], [sflag:s2] =	dma.local @!p0 [hbm:s0], s1  }
0x4b: {  	s0 =	simm.s32 @!p0 $0x1  }
0x4c: {  	_ =	swait.ge @!p0 [sflag:s0], s1  }
0x4d: {  	s1 =	ssub.s32 @!p0 $0x0, s1;
	[sflag:s0] =	ssyncset.done @!p0 $0x0  }
0x4e: {  	[sflag:s0] =	ssyncadd.s32 @!p0 s1  }
0x4f: {  	[bflag:$0x3] =	sbarrier.arrive $0xFFFF  }
0x50: {  	_ =	shalt  }

</sc_bundles>
